<compile_context>
chip_gen: v7x
topology: tpu7x:2x2x1
jax: 0.10.2.dev20260603
libtpu: 0.0.44.dev20260713+nightly
codegen_flags: <defaults>
</compile_context>

<pallas_src>
import functools

import jax
import jax.numpy as jnp
import numpy as np
from jax import lax
from jax.experimental import pallas as pl
from jax.experimental.pallas import tpu as pltpu
from jax.experimental.pallas import tpu_sc as plsc

B = 4
N = 8192
P = 1024
S1, S2 = 16, 32
CF = 64
CIN = CF + 3
CMID = 32
COUT = 128
EPS = 1e-5
R1SQ = np.float32(0.1 * 0.1)
R2SQ = np.float32(0.2 * 0.2)
D = 80
T1 = B * P * S1
T2 = B * P * S2

NC, NS = 2, 16
NW = NC * NS
PC = (B * P) // NW


def _fps_body(x_ref, y_ref, z_ref, nx_ref, ny_ref, nz_ref, dists_ref):
    x = x_ref[:, :]
    y = y_ref[:, :]
    z = z_ref[:, :]
    iota = lax.broadcasted_iota(jnp.int32, (B, N), 1)
    piota = lax.broadcasted_iota(jnp.int32, (B, P), 1)
    dists_ref[:, :] = jnp.full((B, N), 1e10, jnp.float32)
    cx0 = x[:, 0:1]
    cy0 = y[:, 0:1]
    cz0 = z[:, 0:1]
    nx_ref[:, :] = jnp.broadcast_to(cx0, (B, P))
    ny_ref[:, :] = jnp.broadcast_to(cy0, (B, P))
    nz_ref[:, :] = jnp.broadcast_to(cz0, (B, P))

    def body(i, cur):
        cx, cy, cz = cur
        dx = x - cx
        dy = y - cy
        dz = z - cz
        d = (dx * dx + dy * dy) + dz * dz
        dists = jnp.minimum(dists_ref[:, :], d)
        dists_ref[:, :] = dists
        m = jnp.max(dists, axis=1, keepdims=True)
        idx = jnp.min(jnp.where(dists == m, iota, N), axis=1, keepdims=True)
        hit = iota == idx
        ncx = jnp.sum(jnp.where(hit, x, 0.0), axis=1, keepdims=True)
        ncy = jnp.sum(jnp.where(hit, y, 0.0), axis=1, keepdims=True)
        ncz = jnp.sum(jnp.where(hit, z, 0.0), axis=1, keepdims=True)
        sel = piota == i
        nx_ref[:, :] = jnp.where(sel, ncx, nx_ref[:, :])
        ny_ref[:, :] = jnp.where(sel, ncy, ny_ref[:, :])
        nz_ref[:, :] = jnp.where(sel, ncz, nz_ref[:, :])
        return (ncx, ncy, ncz)

    lax.fori_loop(1, P, body, (cx0, cy0, cz0))


def _fps(xs, ys, zs):
    return pl.pallas_call(
        _fps_body,
        out_shape=[jax.ShapeDtypeStruct((B, P), jnp.float32)] * 3,
        scratch_shapes=[pltpu.VMEM((B, N), jnp.float32)],
    )(xs, ys, zs)


_SC_MESH = plsc.VectorSubcoreMesh(
    core_axis_name="c", subcore_axis_name="s", num_cores=NC, num_subcores=NS
)


@functools.partial(
    pl.kernel,
    out_type=[
        jax.ShapeDtypeStruct((B * P * S1,), jnp.int32),
        jax.ShapeDtypeStruct((B * P * S2,), jnp.int32),
    ],
    mesh=_SC_MESH,
    compiler_params=pltpu.CompilerParams(needs_layout_passes=False),
    scratch_types=[
        pltpu.VMEM((N,), jnp.float32),
        pltpu.VMEM((N,), jnp.float32),
        pltpu.VMEM((N,), jnp.float32),
        pltpu.VMEM((PC,), jnp.float32),
        pltpu.VMEM((PC,), jnp.float32),
        pltpu.VMEM((PC,), jnp.float32),
        pltpu.VMEM((S1 + 16,), jnp.int32),
        pltpu.VMEM((N + 32,), jnp.int32),
        pltpu.VMEM((S1 + 16,), jnp.int32),
        pltpu.VMEM((N + 32,), jnp.int32),
        pltpu.VMEM((PC * S1,), jnp.int32),
        pltpu.VMEM((PC * S2,), jnp.int32),
    ],
)
def _ballquery_sc(xs_hbm, ys_hbm, zs_hbm, nxs_hbm, nys_hbm, nzs_hbm,
                  out1_hbm, out2_hbm, xv, yv, zv, nxv, nyv, nzv,
                  ca1, ca2, cb1, cb2, o1, o2):
    wid = lax.axis_index("s") * NC + lax.axis_index("c")
    tiles_per_b = NW // B
    b = wid // tiles_per_b
    p0 = (wid % tiles_per_b) * PC
    pltpu.sync_copy(xs_hbm.at[b], xv)
    pltpu.sync_copy(ys_hbm.at[b], yv)
    pltpu.sync_copy(zs_hbm.at[b], zv)
    pltpu.sync_copy(nxs_hbm.at[b, pl.ds(p0, PC)], nxv)
    pltpu.sync_copy(nys_hbm.at[b, pl.ds(p0, PC)], nyv)
    pltpu.sync_copy(nzs_hbm.at[b, pl.ds(p0, PC)], nzv)
    lane = lax.iota(jnp.int32, 16)
    gbase = b * N

    HP = PC // 2

    def per_pair(i, _):
        ia, ib = i, i + HP
        cxa = plsc.load_gather(nxv, [jnp.full((16,), ia, jnp.int32)])
        cya = plsc.load_gather(nyv, [jnp.full((16,), ia, jnp.int32)])
        cza = plsc.load_gather(nzv, [jnp.full((16,), ia, jnp.int32)])
        cxb = plsc.load_gather(nxv, [jnp.full((16,), ib, jnp.int32)])
        cyb = plsc.load_gather(nyv, [jnp.full((16,), ib, jnp.int32)])
        czb = plsc.load_gather(nzv, [jnp.full((16,), ib, jnp.int32)])

        def cond(state):
            c, a1, a2, b1, b2 = state
            return (c < N // 32) & ((a1 < S1) | (a2 < S2)
                                    | (b1 < S1) | (b2 < S2))

        def body(state):
            c, a1, a2, b1, b2 = state
            for u in range(2):
                off = c * 32 + u * 16
                xc = xv[pl.ds(off, 16)]
                yc = yv[pl.ds(off, 16)]
                zc = zv[pl.ds(off, 16)]
                jv = off + lane
                dxa = cxa - xc
                dya = cya - yc
                dza = cza - zc
                d2a = (dxa * dxa + dya * dya) + dza * dza
                dxb = cxb - xc
                dyb = cyb - yc
                dzb = czb - zc
                d2b = (dxb * dxb + dyb * dyb) + dzb * dzb
                ma1 = d2a < R1SQ
                ma2 = d2a < R2SQ
                mb1 = d2b < R1SQ
                mb2 = d2b < R2SQ
                plsc.store_compressed(ca2.at[pl.ds(a2, 16)], jv, mask=ma2)
                plsc.store_compressed(cb2.at[pl.ds(b2, 16)], jv, mask=mb2)
                a1 = a1 + plsc.all_reduce_population_count(ma1)[0]
                a2 = a2 + plsc.all_reduce_population_count(ma2)[0]
                b1 = b1 + plsc.all_reduce_population_count(mb1)[0]
                b2 = b2 + plsc.all_reduce_population_count(mb2)[0]
            return (c + 1, a1, a2, b1, b2)

        _, a1, a2, b1, b2 = lax.while_loop(cond, body, (0, 0, 0, 0, 0))

        true16 = lane < 16
        for (cand1, cand2, cxc, cyc, czc, n2, ci) in (
                (ca1, ca2, cxa, cya, cza, a2, ia),
                (cb1, cb2, cxb, cyb, czb, b2, ib)):
            f2 = jnp.full((16,), cand2[pl.ds(0, 16)][0], jnp.int32)
            plsc.store_compressed(cand2.at[pl.ds(n2, 16)], f2, mask=true16)
            plsc.store_compressed(cand2.at[pl.ds(n2 + 16, 16)], f2,
                                  mask=true16)

            def pcond(s, _n2=n2):
                k, n1 = s
                return (k * 16 < _n2) & (n1 < S1)

            def pbody(s, _c1=cand1, _c2=cand2, _cx=cxc, _cy=cyc, _cz=czc):
                k, n1 = s
                jc = _c2[pl.ds(k * 16, 16)]
                dx = _cx - plsc.load_gather(xv, [jc])
                dy = _cy - plsc.load_gather(yv, [jc])
                dz = _cz - plsc.load_gather(zv, [jc])
                d2 = (dx * dx + dy * dy) + dz * dz
                m1 = d2 < R1SQ
                plsc.store_compressed(_c1.at[pl.ds(n1, 16)], jc, mask=m1)
                return (k + 1, n1 + plsc.all_reduce_population_count(m1)[0])

            _, n1 = lax.while_loop(pcond, pbody, (0, 0))

            f1 = jnp.full((16,), cand1[pl.ds(0, 16)][0], jnp.int32)
            plsc.store_compressed(cand1.at[pl.ds(jnp.minimum(n1, S1), 16)],
                                  f1, mask=true16)
            o1[pl.ds(ci * S1, 16)] = cand1[pl.ds(0, 16)] + gbase
            for k in range(S2 // 16):
                o2[pl.ds(ci * S2 + k * 16, 16)] = (cand2[pl.ds(k * 16, 16)]
                                                   + gbase)
        return 0

    lax.fori_loop(0, HP, per_pair, 0)
    pltpu.sync_copy(o1, out1_hbm.at[pl.ds(wid * PC * S1, PC * S1)])
    pltpu.sync_copy(o2, out2_hbm.at[pl.ds(wid * PC * S2, PC * S2)])


TT = T1 + T2
GCHUNK = 128


@functools.partial(
    pl.kernel,
    out_type=jax.ShapeDtypeStruct((TT, D), jnp.float32),
    mesh=_SC_MESH,
    compiler_params=pltpu.CompilerParams(
        needs_layout_passes=False, use_tc_tiling_on_sc=False),
    scratch_types=[
        pltpu.VMEM((GCHUNK,), jnp.int32),
        pltpu.VMEM((GCHUNK,), jnp.int32),
        pltpu.VMEM((GCHUNK, D), jnp.float32),
        pltpu.VMEM((GCHUNK, D), jnp.float32),
        pltpu.SemaphoreType.DMA,
        pltpu.SemaphoreType.DMA,
    ],
)
def _gather_sc(table_hbm, idx_hbm, out_hbm, idx_v0, idx_v1, rows_v0, rows_v1,
               sem0, sem1):
    wid = lax.axis_index("s") * NC + lax.axis_index("c")
    per_w = TT // NW
    nchunks = per_w // GCHUNK
    base = wid * per_w
    idx_v = (idx_v0, idx_v1)
    rows_v = (rows_v0, rows_v1)
    sems = (sem0, sem1)

    for b in range(2):
        pltpu.sync_copy(idx_hbm.at[pl.ds(base + b * GCHUNK, GCHUNK)],
                        idx_v[b])
        pltpu.async_copy(table_hbm.at[idx_v[b]], rows_v[b], sems[b])

    def outer(g, _):
        for b in range(2):
            k = g * 2 + b
            pltpu.make_async_copy(table_hbm.at[idx_v[b]], rows_v[b],
                                  sems[b]).wait()
            pltpu.sync_copy(rows_v[b], out_hbm.at[pl.ds(base + k * GCHUNK,
                                                        GCHUNK)])

            @pl.when(k + 2 < nchunks)
            def _():
                pltpu.sync_copy(
                    idx_hbm.at[pl.ds(base + (k + 2) * GCHUNK, GCHUNK)],
                    idx_v[b])
                pltpu.async_copy(table_hbm.at[idx_v[b]], rows_v[b], sems[b])

        return 0

    lax.fori_loop(0, nchunks // 2, outer, 0)


def _bf(v):
    return v.astype(jnp.bfloat16).astype(jnp.float32)


def _h1_from_tile(gat, aux, w1p):
    raw = gat[:, 0:3]
    delta = raw - aux[:, 0:3]
    d0 = delta[:, 0:1]
    d1 = delta[:, 1:2]
    d2c = delta[:, 2:3]
    dist = jnp.sqrt((d0 * d0 + d1 * d1) + d2c * d2c + 1e-12)
    h1 = w1p[15:16, :]
    h1 = h1 + _bf(dist) * _bf(w1p[0:1, :])
    for k in range(3):
        h1 = h1 + _bf(aux[:, 3 + k:4 + k]) * _bf(w1p[1 + k:2 + k, :])
    for k in range(3):
        h1 = h1 + _bf(gat[:, k:k + 1]) * _bf(w1p[4 + k:5 + k, :])
    h1 = h1 + _bf(d0) * _bf(w1p[7:8, :])
    h1 = h1 + _bf(d1) * _bf(w1p[8:9, :])
    h1 = h1 + _bf(d2c) * _bf(w1p[9:10, :])
    return h1, delta


def _d1_body(gat_ref, aux_ref, w1p_ref, s_ref):
    h1, _ = _h1_from_tile(gat_ref[:, :], aux_ref[:, :], w1p_ref[:, :])
    p0 = jnp.sum(h1, axis=0, keepdims=True)
    p1 = jnp.sum(h1 * h1, axis=0, keepdims=True)
    part = jnp.concatenate([p0, p1], axis=0)

    @pl.when(pl.program_id(0) == 0)
    def _():
        s_ref[:, :] = part

    @pl.when(pl.program_id(0) != 0)
    def _():
        s_ref[:, :] = s_ref[:, :] + part


def _d2_body(gat_ref, aux_ref, w1p_ref, st_ref, w2p_ref, b2p_ref,
             ymax_ref, ys_ref, *, rows, s, t_count):
    h1, delta = _h1_from_tile(gat_ref[:, :], aux_ref[:, :], w1p_ref[:, :])
    st = st_ref[:, :]
    mu = st[0:1, :] * (1.0 / t_count)
    var = st[1:2, :] * (1.0 / t_count) - mu * mu
    rs = 1.0 / jnp.sqrt(var + EPS)
    h1n = jnp.maximum((h1 - mu) * rs, 0.0)
    h2 = jnp.dot(_bf(h1n), _bf(w2p_ref[:, :]),
                 preferred_element_type=jnp.float32,
                 precision=lax.Precision.HIGHEST)
    h2 = h2 + b2p_ref[:, :]
    x = jnp.concatenate(
        [delta, gat_ref[:, 16:80], jnp.zeros((rows, 128 - CIN), jnp.float32)],
        axis=1)
    y = h2 * x
    p0 = jnp.sum(y, axis=0, keepdims=True)
    p1 = jnp.sum(y * y, axis=0, keepdims=True)
    part = jnp.concatenate([p0, p1], axis=0)

    @pl.when(pl.program_id(0) == 0)
    def _():
        ys_ref[:, :] = part

    @pl.when(pl.program_id(0) != 0)
    def _():
        ys_ref[:, :] = ys_ref[:, :] + part

    for k in range(rows // s):
        ymax_ref[k:k + 1, :] = jnp.max(y[k * s:(k + 1) * s, :], axis=0,
                                       keepdims=True)


def _e_body(ymax_ref, ys_ref, wcrp_ref, bcr_ref, out_ref, *, t_count):
    st = ys_ref[:, :]
    mu = st[0:1, :] * (1.0 / t_count)
    var = st[1:2, :] * (1.0 / t_count) - mu * mu
    rs = 1.0 / jnp.sqrt(var + EPS)
    yn = jnp.maximum((ymax_ref[:, :] - mu) * rs, 0.0)
    z = jnp.dot(_bf(yn), _bf(wcrp_ref[:, :]),
                preferred_element_type=jnp.float32,
                precision=lax.Precision.HIGHEST)
    z = z + bcr_ref[:, :]
    muz = jnp.sum(z, axis=0, keepdims=True) * (1.0 / (B * P))
    varz = jnp.sum(z * z, axis=0, keepdims=True) * (1.0 / (B * P)) - muz * muz
    out_ref[:, :] = jnp.maximum((z - muz) / jnp.sqrt(varz + EPS), 0.0)


def _rsconv_scale(gat, aux, w1p, w2p, b2p, wcrp, bcrp, s):
    t_rows = gat.shape[0]
    rows = 512
    grid = (t_rows // rows,)
    stats = pl.pallas_call(
        _d1_body,
        grid=grid,
        in_specs=[
            pl.BlockSpec((rows, D), lambda i: (i, 0)),
            pl.BlockSpec((rows, 8), lambda i: (i, 0)),
            pl.BlockSpec((16, CMID), lambda i: (0, 0)),
        ],
        out_specs=pl.BlockSpec((2, CMID), lambda i: (0, 0)),
        out_shape=jax.ShapeDtypeStruct((2, CMID), jnp.float32),
    )(gat, aux, w1p)
    ymax, ys = pl.pallas_call(
        functools.partial(_d2_body, rows=rows, s=s, t_count=float(t_rows)),
        grid=grid,
        in_specs=[
            pl.BlockSpec((rows, D), lambda i: (i, 0)),
            pl.BlockSpec((rows, 8), lambda i: (i, 0)),
            pl.BlockSpec((16, CMID), lambda i: (0, 0)),
            pl.BlockSpec((2, CMID), lambda i: (0, 0)),
            pl.BlockSpec((CMID, 128), lambda i: (0, 0)),
            pl.BlockSpec((1, 128), lambda i: (0, 0)),
        ],
        out_specs=[
            pl.BlockSpec((rows // s, 128), lambda i: (i, 0)),
            pl.BlockSpec((2, 128), lambda i: (0, 0)),
        ],
        out_shape=[
            jax.ShapeDtypeStruct((B * P, 128), jnp.float32),
            jax.ShapeDtypeStruct((2, 128), jnp.float32),
        ],
    )(gat, aux, w1p, stats, w2p, b2p)
    out = pl.pallas_call(
        functools.partial(_e_body, t_count=float(t_rows)),
        in_specs=[
            pl.BlockSpec((B * P, 128), lambda: (0, 0)),
            pl.BlockSpec((2, 128), lambda: (0, 0)),
            pl.BlockSpec((128, 128), lambda: (0, 0)),
            pl.BlockSpec((1, 128), lambda: (0, 0)),
        ],
        out_specs=pl.BlockSpec((B * P, 128), lambda: (0, 0)),
        out_shape=jax.ShapeDtypeStruct((B * P, 128), jnp.float32),
    )(ymax, ys, wcrp, bcrp)
    return out


def kernel(xyz, features, w1, b1, w2, b2, wcr, bcr):
    xs = xyz[:, :, 0]
    ys = xyz[:, :, 1]
    zs = xyz[:, :, 2]
    nx, ny, nz = _fps(xs, ys, zs)
    new_xyz = jnp.stack([nx, ny, nz], axis=-1)

    idx1, idx2 = _ballquery_sc(xs, ys, zs, nx, ny, nz)

    table = jnp.concatenate(
        [xyz, jnp.zeros((B, N, 13), jnp.float32),
         jnp.transpose(features, (0, 2, 1))], axis=2).reshape(B * N, D)
    gat = _gather_sc(table, jnp.concatenate([idx1, idx2]))
    gat1 = gat[:T1]
    gat2 = gat[T1:]

    newx_flat = new_xyz.reshape(B * P, 3)

    def make_aux(g, s):
        nrep = jnp.repeat(newx_flat, s, axis=0)
        xi = jnp.repeat(g.reshape(B * P, s, D)[:, 0, 0:3], s, axis=0)
        return jnp.concatenate(
            [nrep, xi, jnp.zeros((B * P * s, 2), jnp.float32)], axis=1)

    w1p = jnp.zeros((16, CMID), jnp.float32).at[0:10].set(w1.T).at[15].set(b1)
    w2p = jnp.zeros((CMID, 128), jnp.float32).at[:, 0:CIN].set(w2.T)
    b2p = jnp.zeros((1, 128), jnp.float32).at[:, 0:CIN].set(b2)
    wcrp = jnp.zeros((128, 128), jnp.float32).at[0:CIN].set(wcr.T)
    bcrp = bcr.reshape(1, 128)

    o1 = _rsconv_scale(gat1, make_aux(gat1, S1), w1p, w2p, b2p, wcrp, bcrp, S1)
    o2 = _rsconv_scale(gat2, make_aux(gat2, S2), w1p, w2p, b2p, wcrp, bcrp, S2)
    out = jnp.concatenate([
        o1.reshape(B, P, COUT).transpose(0, 2, 1),
        o2.reshape(B, P, COUT).transpose(0, 2, 1),
    ], axis=1)
    return (new_xyz, out)

# --- scband reference (transcript-rebuilt; emitter-appended) ---
"""Pipeline reference for scband-pointnet-samodule-msg-16947940950606 (READ-ONLY COPY).

The authoritative reference and input builder live on the scoring server;
editing this copy changes nothing except your own understanding.
"""

import jax, jax.numpy as jnp
import numpy as np

B = 4
N = 8192
NPOINT = 1024
RADII = (0.1, 0.2)
NSAMPLES = (16, 32)
C_FEAT = 64
C_IN = C_FEAT + 3
C_OUT = 128
C_MID = C_OUT // 4
EPS = 1e-5


def setup_inputs(seed: int = 0):
    key = jax.random.key(seed)
    ks = jax.random.split(key, 8)
    xyz = jax.random.uniform(ks[0], (B, N, 3), dtype=jnp.float32)
    features = jax.random.normal(ks[1], (B, C_FEAT, N), dtype=jnp.float32)
    w1 = jax.random.normal(ks[2], (C_MID, 10), dtype=jnp.float32) * (2.0 / 10) ** 0.5
    b1 = jnp.zeros((C_MID,), jnp.float32)
    w2 = jax.random.normal(ks[3], (C_IN, C_MID), dtype=jnp.float32) * (2.0 / C_MID) ** 0.5
    b2 = jnp.zeros((C_IN,), jnp.float32)
    wcr = jax.random.normal(ks[4], (C_OUT, C_IN), dtype=jnp.float32) * (2.0 / C_IN) ** 0.5
    bcr = jnp.zeros((C_OUT,), jnp.float32)
    return {"xyz": xyz, "features": features, "w1": w1, "b1": b1, "w2": w2, "b2": b2, "wcr": wcr, "bcr": bcr}


def fps(xyz, npoint):
    b, n, _ = xyz.shape
    idxs0 = jnp.zeros((b, npoint), dtype=jnp.int32)
    dists0 = jnp.full((b, n), 1e10, dtype=jnp.float32)
    last0 = jnp.zeros((b,), dtype=jnp.int32)

    def body(i, state):
        idxs, dists, last = state
        last_xyz = jnp.take_along_axis(xyz, last[:, None, None], axis=1)
        d = jnp.sum((xyz - last_xyz) ** 2, axis=-1)
        dists = jnp.minimum(dists, d)
        nxt = jnp.argmax(dists, axis=-1).astype(jnp.int32)
        idxs = idxs.at[:, i].set(nxt)
        return (idxs, dists, nxt)

    idxs, _, _ = jax.lax.fori_loop(1, npoint, body, (idxs0, dists0, last0))
    return idxs


def ball_query(radius, nsample, xyz, new_xyz):
    n = xyz.shape[1]
    d2 = jnp.sum((new_xyz[:, :, None, :] - xyz[:, None, :, :]) ** 2, axis=-1)
    mask = d2 < radius * radius
    keys = jnp.where(mask, jnp.arange(n, dtype=jnp.int32)[None, None, :], n)
    skeys = jnp.sort(keys, axis=-1)[..., :nsample]
    first = skeys[..., 0:1]
    idx = jnp.where(skeys == n, first, skeys)
    idx = jnp.where(idx == n, 0, idx)
    return idx.astype(jnp.int32)


def group(points, idx):
    b, c, n = points.shape
    p, s = idx.shape[1], idx.shape[2]
    flat = idx.reshape(b, 1, p * s)
    out = jnp.take_along_axis(points, jnp.broadcast_to(flat, (b, c, p * s)), axis=2)
    return out.reshape(b, c, p, s)


def bn(x, axes):
    mean = jnp.mean(x, axis=axes, keepdims=True)
    var = jnp.var(x, axis=axes, keepdims=True)
    return (x - mean) / jnp.sqrt(var + EPS)


def rsconv(inp, nsample, w1, b1, w2, b2, wcr, bcr):
    # inp: (B, 3 + 3 + C_FEAT, P, S) = [raw_grouped_xyz, grouped_xyz(delta), grouped_features]
    x = inp[:, 3:, :, :]  # (B, C_IN, P, S)
    abs_coord = inp[:, 0:3, :, :]
    delta_x = inp[:, 3:6, :, :]
    coord_xi = jnp.repeat(abs_coord[:, :, :, 0:1], nsample, axis=3)
    h = jnp.sqrt(jnp.sum(delta_x ** 2, axis=1, keepdims=True) + 1e-12)  # euclidean dist
    h = jnp.concatenate([h, coord_xi, abs_coord, delta_x], axis=1)  # (B,10,P,S), relation_prior=1
    h = jnp.einsum('oc,bcps->bops', w1, h) + b1[None, :, None, None]  # mapping_func1
    h = jax.nn.relu(bn(h, (0, 2, 3)))
    h = jnp.einsum('oc,bcps->bops', w2, h) + b2[None, :, None, None]  # mapping_func2
    x = jax.nn.relu(bn(h * x, (0, 2, 3)))  # rsconv: elementwise relation-weighted features
    x = jnp.max(x, axis=3)  # maxpool over nsample -> (B, C_IN, P)
    x = jnp.einsum('oc,bcp->bop', wcr, x) + bcr[None, :, None]  # cr_mapping (channel raising)
    return jax.nn.relu(bn(x, (0, 2)))


def reference(xyz, features, w1, b1, w2, b2, wcr, bcr):
    fps_idx = fps(jax.lax.stop_gradient(xyz), NPOINT)  # (B, NPOINT) int32
    new_xyz = jnp.take_along_axis(xyz, jnp.broadcast_to(fps_idx[:, :, None], (B, NPOINT, 3)), axis=1)
    xyz_t = jnp.transpose(xyz, (0, 2, 1))  # (B,3,N)
    outs = []
    for radius, nsample in zip(RADII, NSAMPLES):
        idx = ball_query(radius, nsample, jax.lax.stop_gradient(xyz), jax.lax.stop_gradient(new_xyz))
        raw = group(xyz_t, idx)  # (B,3,P,S)
        delta = raw - jnp.transpose(new_xyz, (0, 2, 1))[:, :, :, None]
        gf = group(features, idx)  # (B,C_FEAT,P,S)
        inp = jnp.concatenate([raw, delta, gf], axis=1)
        outs.append(rsconv(inp, nsample, w1, b1, w2, b2, wcr, bcr))
    return (new_xyz, jnp.concatenate(outs, axis=1))

if __name__ == "__main__":
    import jax
    _d = setup_inputs()
    print(jax.jit(kernel)(*tuple(_d.values())))

</pallas_src>

<mosaic_0001>
#map = affine_map<(d0, d1) -> (0, 0)>
#map1 = affine_map<(d0, d1) -> (0)>
module attributes {stable_mosaic.version = 14 : i64} {
  func.func @_gather_sc(%arg0: i32, %arg1: i32, %arg2: memref<32768x80xf32, #tpu.memory_space<hbm>>, %arg3: memref<196608xi32, #tpu.memory_space<hbm>>, %arg4: memref<196608x80xf32, #tpu.memory_space<hbm>>, %arg5: memref<128xi32, #tpu.memory_space<vmem>>, %arg6: memref<128xi32, #tpu.memory_space<vmem>>, %arg7: memref<128x80xf32, #tpu.memory_space<vmem>>, %arg8: memref<128x80xf32, #tpu.memory_space<vmem>>, %arg9: memref<!tpu.dma_semaphore, #tpu.memory_space<semaphore_mem>>, %arg10: memref<!tpu.dma_semaphore, #tpu.memory_space<semaphore_mem>>) attributes {dimension_semantics = [#tpu.dimension_semantics<core_parallel>, #tpu.dimension_semantics<subcore_parallel>], iteration_bounds = array<i64: 2, 16>, scalar_prefetch = 0 : i64, scratch_operands = 6 : i64, tpu.core_type = #tpu.core_type<sc_vector_subcore>, window_params = [{transform_indices = #map}, {transform_indices = #map1}, {transform_indices = #map}]} {
    %mul3A = arith.constant 2 : i32
    %mul3A_0 = arith.muli %arg1, %mul3A : i32
    %add3A = arith.addi %mul3A_0, %arg0 : i32
    %mul3A_1 = arith.constant 6144 : i32
    %mul3A_2 = arith.muli %add3A, %mul3A_1 : i32
    %add3A_3 = arith.constant 0 : i32
    %add3A_4 = arith.addi %mul3A_2, %add3A_3 : i32
    "tpu.region"() ({
      %run_scoped3A = tpu.sem_alloc : memref<!tpu.dma_semaphore, #tpu.memory_space<semaphore_mem>>
      %dma_start3A_18 = tpu.memref_slice %arg3[%add3A_4] : memref<196608xi32, #tpu.memory_space<hbm>> -> memref<128xi32, #tpu.memory_space<hbm>>
      %dma_start3A_19 = tpu.memref_slice %arg3[%add3A_4] : memref<196608xi32, #tpu.memory_space<hbm>> -> memref<128xi32, #tpu.memory_space<hbm>>
      tpu.enqueue_dma source(%dma_start3A_19 : memref<128xi32, #tpu.memory_space<hbm>>) target(%arg5 : memref<128xi32, #tpu.memory_space<vmem>>) target_semaphore(%run_scoped3A : memref<!tpu.dma_semaphore, #tpu.memory_space<semaphore_mem>>)
      %dma_wait3A = tpu.memref_slice %arg3[%add3A_4] : memref<196608xi32, #tpu.memory_space<hbm>> -> memref<128xi32, #tpu.memory_space<hbm>>
      %dma_wait3A_20 = tpu.memref_slice %arg3[%add3A_4] : memref<196608xi32, #tpu.memory_space<hbm>> -> memref<128xi32, #tpu.memory_space<hbm>>
      tpu.wait_dma2 semaphore(%run_scoped3A : memref<!tpu.dma_semaphore, #tpu.memory_space<semaphore_mem>>) src(%dma_wait3A_20 : memref<128xi32, #tpu.memory_space<hbm>>) dst(%arg5 : memref<128xi32, #tpu.memory_space<vmem>>)
      tpu.yield
    }) : () -> ()
    %dma_start3A = arith.constant 0 : i32
    %dma_start3A_5 = arith.constant 0 : i32
    %dma_start3A_6 = tpu.memref_slice %arg2[%dma_start3A, %dma_start3A_5] : memref<32768x80xf32, #tpu.memory_space<hbm>> -> memref<32768x80xf32, #tpu.memory_space<hbm>>
    tpu.enqueue_indirect_dma source(%dma_start3A_6 : memref<32768x80xf32, #tpu.memory_space<hbm>>) target(%arg7 : memref<128x80xf32, #tpu.memory_space<vmem>>) offsets(%arg5 : memref<128xi32, #tpu.memory_space<vmem>>) semaphore(%arg9 : memref<!tpu.dma_semaphore, #tpu.memory_space<semaphore_mem>>)
    %add3A_7 = arith.constant 128 : i32
    %add3A_8 = arith.addi %mul3A_2, %add3A_7 : i32
    "tpu.region"() ({
      %run_scoped3A = tpu.sem_alloc : memref<!tpu.dma_semaphore, #tpu.memory_space<semaphore_mem>>
      %dma_start3A_18 = tpu.memref_slice %arg3[%add3A_8] : memref<196608xi32, #tpu.memory_space<hbm>> -> memref<128xi32, #tpu.memory_space<hbm>>
      %dma_start3A_19 = tpu.memref_slice %arg3[%add3A_8] : memref<196608xi32, #tpu.memory_space<hbm>> -> memref<128xi32, #tpu.memory_space<hbm>>
      tpu.enqueue_dma source(%dma_start3A_19 : memref<128xi32, #tpu.memory_space<hbm>>) target(%arg6 : memref<128xi32, #tpu.memory_space<vmem>>) target_semaphore(%run_scoped3A : memref<!tpu.dma_semaphore, #tpu.memory_space<semaphore_mem>>)
      %dma_wait3A = tpu.memref_slice %arg3[%add3A_8] : memref<196608xi32, #tpu.memory_space<hbm>> -> memref<128xi32, #tpu.memory_space<hbm>>
      %dma_wait3A_20 = tpu.memref_slice %arg3[%add3A_8] : memref<196608xi32, #tpu.memory_space<hbm>> -> memref<128xi32, #tpu.memory_space<hbm>>
      tpu.wait_dma2 semaphore(%run_scoped3A : memref<!tpu.dma_semaphore, #tpu.memory_space<semaphore_mem>>) src(%dma_wait3A_20 : memref<128xi32, #tpu.memory_space<hbm>>) dst(%arg6 : memref<128xi32, #tpu.memory_space<vmem>>)
      tpu.yield
    }) : () -> ()
    %dma_start3A_9 = arith.constant 0 : i32
    %dma_start3A_10 = arith.constant 0 : i32
    %dma_start3A_11 = tpu.memref_slice %arg2[%dma_start3A_9, %dma_start3A_10] : memref<32768x80xf32, #tpu.memory_space<hbm>> -> memref<32768x80xf32, #tpu.memory_space<hbm>>
    tpu.enqueue_indirect_dma source(%dma_start3A_11 : memref<32768x80xf32, #tpu.memory_space<hbm>>) target(%arg8 : memref<128x80xf32, #tpu.memory_space<vmem>>) offsets(%arg6 : memref<128xi32, #tpu.memory_space<vmem>>) semaphore(%arg10 : memref<!tpu.dma_semaphore, #tpu.memory_space<semaphore_mem>>)
    %scan3A = arith.constant 0 : i32
    %scan3A_12 = arith.constant 0 : i32
    %scan3A_13 = arith.constant 24 : i32
    %scan3A_14 = arith.addi %scan3A_12, %scan3A_13 : i32
    %scan3A_15 = arith.constant 1 : i32
    %scan3A_16 = scf.for %scan3A_18 = %scan3A_12 to %scan3A_14 step %scan3A_15 iter_args(%scan3A_19 = %scan3A) -> (i32)  : i32 {
      %mul3A_20 = arith.constant 2 : i32
      %mul3A_21 = arith.muli %scan3A_18, %mul3A_20 : i32
      %add3A_22 = arith.constant 0 : i32
      %add3A_23 = arith.addi %mul3A_21, %add3A_22 : i32
      %dma_wait3A = arith.constant 0 : i32
      %dma_wait3A_24 = arith.constant 0 : i32
      %dma_wait3A_25 = tpu.memref_slice %arg2[%dma_wait3A, %dma_wait3A_24] : memref<32768x80xf32, #tpu.memory_space<hbm>> -> memref<32768x80xf32, #tpu.memory_space<hbm>>
      tpu.wait_indirect_dma semaphore(%arg9 : memref<!tpu.dma_semaphore, #tpu.memory_space<semaphore_mem>>) src(%dma_wait3A_25 : memref<32768x80xf32, #tpu.memory_space<hbm>>) dst(%arg7 : memref<128x80xf32, #tpu.memory_space<vmem>>)
      %mul3A_26 = arith.constant 128 : i32
      %mul3A_27 = arith.muli %add3A_23, %mul3A_26 : i32
      %add3A_28 = arith.addi %mul3A_2, %mul3A_27 : i32
      "tpu.region"() ({
        %run_scoped3A = tpu.sem_alloc : memref<!tpu.dma_semaphore, #tpu.memory_space<semaphore_mem>>
        %dma_start3A_51 = arith.constant 0 : i32
        %dma_start3A_52 = tpu.memref_slice %arg4[%add3A_28, %dma_start3A_51] : memref<196608x80xf32, #tpu.memory_space<hbm>> -> memref<128x80xf32, #tpu.memory_space<hbm>>
        %dma_start3A_53 = arith.constant 0 : i32
        %dma_start3A_54 = tpu.memref_slice %arg4[%add3A_28, %dma_start3A_53] : memref<196608x80xf32, #tpu.memory_space<hbm>> -> memref<128x80xf32, #tpu.memory_space<hbm>>
        tpu.enqueue_dma source(%arg7 : memref<128x80xf32, #tpu.memory_space<vmem>>) target(%dma_start3A_54 : memref<128x80xf32, #tpu.memory_space<hbm>>) target_semaphore(%run_scoped3A : memref<!tpu.dma_semaphore, #tpu.memory_space<semaphore_mem>>)
        %dma_wait3A_55 = arith.constant 0 : i32
        %dma_wait3A_56 = tpu.memref_slice %arg4[%add3A_28, %dma_wait3A_55] : memref<196608x80xf32, #tpu.memory_space<hbm>> -> memref<128x80xf32, #tpu.memory_space<hbm>>
        %dma_wait3A_57 = arith.constant 0 : i32
        %dma_wait3A_58 = tpu.memref_slice %arg4[%add3A_28, %dma_wait3A_57] : memref<196608x80xf32, #tpu.memory_space<hbm>> -> memref<128x80xf32, #tpu.memory_space<hbm>>
        tpu.wait_dma2 semaphore(%run_scoped3A : memref<!tpu.dma_semaphore, #tpu.memory_space<semaphore_mem>>) src(%arg7 : memref<128x80xf32, #tpu.memory_space<vmem>>) dst(%dma_wait3A_58 : memref<128x80xf32, #tpu.memory_space<hbm>>)
        tpu.yield
      }) : () -> ()
      %add3A_29 = arith.constant 2 : i32
      %add3A_30 = arith.addi %add3A_23, %add3A_29 : i32
      %lt3A = arith.constant 48 : i32
      %lt3A_31 = arith.cmpi slt, %add3A_30, %lt3A : i32
      %convert_element_type3A = arith.extui %lt3A_31 : i1 to i32
      %cond3A = arith.constant 0 : i32
      %cond3A_32 = arith.cmpi ne, %convert_element_type3A, %cond3A : i32
      scf.if %cond3A_32 {
        %add3A_51 = arith.constant 2 : i32
        %add3A_52 = arith.addi %add3A_23, %add3A_51 : i32
        %mul3A_53 = arith.constant 128 : i32
        %mul3A_54 = arith.muli %add3A_52, %mul3A_53 : i32
        %add3A_55 = arith.addi %mul3A_2, %mul3A_54 : i32
        "tpu.region"() ({
          %run_scoped3A = tpu.sem_alloc : memref<!tpu.dma_semaphore, #tpu.memory_space<semaphore_mem>>
          %dma_start3A_59 = tpu.memref_slice %arg3[%add3A_55] : memref<196608xi32, #tpu.memory_space<hbm>> -> memref<128xi32, #tpu.memory_space<hbm>>
          %dma_start3A_60 = tpu.memref_slice %arg3[%add3A_55] : memref<196608xi32, #tpu.memory_space<hbm>> -> memref<128xi32, #tpu.memory_space<hbm>>
          tpu.enqueue_dma source(%dma_start3A_60 : memref<128xi32, #tpu.memory_space<hbm>>) target(%arg5 : memref<128xi32, #tpu.memory_space<vmem>>) target_semaphore(%run_scoped3A : memref<!tpu.dma_semaphore, #tpu.memory_space<semaphore_mem>>)
          %dma_wait3A_61 = tpu.memref_slice %arg3[%add3A_55] : memref<196608xi32, #tpu.memory_space<hbm>> -> memref<128xi32, #tpu.memory_space<hbm>>
          %dma_wait3A_62 = tpu.memref_slice %arg3[%add3A_55] : memref<196608xi32, #tpu.memory_space<hbm>> -> memref<128xi32, #tpu.memory_space<hbm>>
          tpu.wait_dma2 semaphore(%run_scoped3A : memref<!tpu.dma_semaphore, #tpu.memory_space<semaphore_mem>>) src(%dma_wait3A_62 : memref<128xi32, #tpu.memory_space<hbm>>) dst(%arg5 : memref<128xi32, #tpu.memory_space<vmem>>)
          tpu.yield
        }) : () -> ()
        %dma_start3A_56 = arith.constant 0 : i32
        %dma_start3A_57 = arith.constant 0 : i32
        %dma_start3A_58 = tpu.memref_slice %arg2[%dma_start3A_56, %dma_start3A_57] : memref<32768x80xf32, #tpu.memory_space<hbm>> -> memref<32768x80xf32, #tpu.memory_space<hbm>>
        tpu.enqueue_indirect_dma source(%dma_start3A_58 : memref<32768x80xf32, #tpu.memory_space<hbm>>) target(%arg7 : memref<128x80xf32, #tpu.memory_space<vmem>>) offsets(%arg5 : memref<128xi32, #tpu.memory_space<vmem>>) semaphore(%arg9 : memref<!tpu.dma_semaphore, #tpu.memory_space<semaphore_mem>>)
      } else {
      }
      %mul3A_33 = arith.constant 2 : i32
      %mul3A_34 = arith.muli %scan3A_18, %mul3A_33 : i32
      %add3A_35 = arith.constant 1 : i32
      %add3A_36 = arith.addi %mul3A_34, %add3A_35 : i32
      %dma_wait3A_37 = arith.constant 0 : i32
      %dma_wait3A_38 = arith.constant 0 : i32
      %dma_wait3A_39 = tpu.memref_slice %arg2[%dma_wait3A_37, %dma_wait3A_38] : memref<32768x80xf32, #tpu.memory_space<hbm>> -> memref<32768x80xf32, #tpu.memory_space<hbm>>
      tpu.wait_indirect_dma semaphore(%arg10 : memref<!tpu.dma_semaphore, #tpu.memory_space<semaphore_mem>>) src(%dma_wait3A_39 : memref<32768x80xf32, #tpu.memory_space<hbm>>) dst(%arg8 : memref<128x80xf32, #tpu.memory_space<vmem>>)
      %mul3A_40 = arith.constant 128 : i32
      %mul3A_41 = arith.muli %add3A_36, %mul3A_40 : i32
      %add3A_42 = arith.addi %mul3A_2, %mul3A_41 : i32
      "tpu.region"() ({
        %run_scoped3A = tpu.sem_alloc : memref<!tpu.dma_semaphore, #tpu.memory_space<semaphore_mem>>
        %dma_start3A_51 = arith.constant 0 : i32
        %dma_start3A_52 = tpu.memref_slice %arg4[%add3A_42, %dma_start3A_51] : memref<196608x80xf32, #tpu.memory_space<hbm>> -> memref<128x80xf32, #tpu.memory_space<hbm>>
        %dma_start3A_53 = arith.constant 0 : i32
        %dma_start3A_54 = tpu.memref_slice %arg4[%add3A_42, %dma_start3A_53] : memref<196608x80xf32, #tpu.memory_space<hbm>> -> memref<128x80xf32, #tpu.memory_space<hbm>>
        tpu.enqueue_dma source(%arg8 : memref<128x80xf32, #tpu.memory_space<vmem>>) target(%dma_start3A_54 : memref<128x80xf32, #tpu.memory_space<hbm>>) target_semaphore(%run_scoped3A : memref<!tpu.dma_semaphore, #tpu.memory_space<semaphore_mem>>)
        %dma_wait3A_55 = arith.constant 0 : i32
        %dma_wait3A_56 = tpu.memref_slice %arg4[%add3A_42, %dma_wait3A_55] : memref<196608x80xf32, #tpu.memory_space<hbm>> -> memref<128x80xf32, #tpu.memory_space<hbm>>
        %dma_wait3A_57 = arith.constant 0 : i32
        %dma_wait3A_58 = tpu.memref_slice %arg4[%add3A_42, %dma_wait3A_57] : memref<196608x80xf32, #tpu.memory_space<hbm>> -> memref<128x80xf32, #tpu.memory_space<hbm>>
        tpu.wait_dma2 semaphore(%run_scoped3A : memref<!tpu.dma_semaphore, #tpu.memory_space<semaphore_mem>>) src(%arg8 : memref<128x80xf32, #tpu.memory_space<vmem>>) dst(%dma_wait3A_58 : memref<128x80xf32, #tpu.memory_space<hbm>>)
        tpu.yield
      }) : () -> ()
      %add3A_43 = arith.constant 2 : i32
      %add3A_44 = arith.addi %add3A_36, %add3A_43 : i32
      %lt3A_45 = arith.constant 48 : i32
      %lt3A_46 = arith.cmpi slt, %add3A_44, %lt3A_45 : i32
      %convert_element_type3A_47 = arith.extui %lt3A_46 : i1 to i32
      %cond3A_48 = arith.constant 0 : i32
      %cond3A_49 = arith.cmpi ne, %convert_element_type3A_47, %cond3A_48 : i32
      scf.if %cond3A_49 {
        %add3A_51 = arith.constant 2 : i32
        %add3A_52 = arith.addi %add3A_36, %add3A_51 : i32
        %mul3A_53 = arith.constant 128 : i32
        %mul3A_54 = arith.muli %add3A_52, %mul3A_53 : i32
        %add3A_55 = arith.addi %mul3A_2, %mul3A_54 : i32
        "tpu.region"() ({
          %run_scoped3A = tpu.sem_alloc : memref<!tpu.dma_semaphore, #tpu.memory_space<semaphore_mem>>
          %dma_start3A_59 = tpu.memref_slice %arg3[%add3A_55] : memref<196608xi32, #tpu.memory_space<hbm>> -> memref<128xi32, #tpu.memory_space<hbm>>
          %dma_start3A_60 = tpu.memref_slice %arg3[%add3A_55] : memref<196608xi32, #tpu.memory_space<hbm>> -> memref<128xi32, #tpu.memory_space<hbm>>
          tpu.enqueue_dma source(%dma_start3A_60 : memref<128xi32, #tpu.memory_space<hbm>>) target(%arg6 : memref<128xi32, #tpu.memory_space<vmem>>) target_semaphore(%run_scoped3A : memref<!tpu.dma_semaphore, #tpu.memory_space<semaphore_mem>>)
          %dma_wait3A_61 = tpu.memref_slice %arg3[%add3A_55] : memref<196608xi32, #tpu.memory_space<hbm>> -> memref<128xi32, #tpu.memory_space<hbm>>
          %dma_wait3A_62 = tpu.memref_slice %arg3[%add3A_55] : memref<196608xi32, #tpu.memory_space<hbm>> -> memref<128xi32, #tpu.memory_space<hbm>>
          tpu.wait_dma2 semaphore(%run_scoped3A : memref<!tpu.dma_semaphore, #tpu.memory_space<semaphore_mem>>) src(%dma_wait3A_62 : memref<128xi32, #tpu.memory_space<hbm>>) dst(%arg6 : memref<128xi32, #tpu.memory_space<vmem>>)
          tpu.yield
        }) : () -> ()
        %dma_start3A_56 = arith.constant 0 : i32
        %dma_start3A_57 = arith.constant 0 : i32
        %dma_start3A_58 = tpu.memref_slice %arg2[%dma_start3A_56, %dma_start3A_57] : memref<32768x80xf32, #tpu.memory_space<hbm>> -> memref<32768x80xf32, #tpu.memory_space<hbm>>
        tpu.enqueue_indirect_dma source(%dma_start3A_58 : memref<32768x80xf32, #tpu.memory_space<hbm>>) target(%arg8 : memref<128x80xf32, #tpu.memory_space<vmem>>) offsets(%arg6 : memref<128xi32, #tpu.memory_space<vmem>>) semaphore(%arg10 : memref<!tpu.dma_semaphore, #tpu.memory_space<semaphore_mem>>)
      } else {
      }
      %scan3A_50 = arith.constant 0 : i32
      scf.yield %scan3A_50 : i32
    }
    %scan3A_17 = arith.constant 24 : i32
    return
  }
}

#map = affine_map<(d0, d1) -> (0, 0)>
#map1 = affine_map<(d0, d1) -> (0)>
module attributes {stable_mosaic.version = 14 : i64} {
  func.func @_ballquery_sc(%arg0: i32, %arg1: i32, %arg2: memref<4x8192xf32, #tpu.memory_space<hbm>>, %arg3: memref<4x8192xf32, #tpu.memory_space<hbm>>, %arg4: memref<4x8192xf32, #tpu.memory_space<hbm>>, %arg5: memref<4x1024xf32, #tpu.memory_space<hbm>>, %arg6: memref<4x1024xf32, #tpu.memory_space<hbm>>, %arg7: memref<4x1024xf32, #tpu.memory_space<hbm>>, %arg8: memref<65536xi32, #tpu.memory_space<hbm>>, %arg9: memref<131072xi32, #tpu.memory_space<hbm>>, %arg10: memref<8192xf32, #tpu.memory_space<vmem>>, %arg11: memref<8192xf32, #tpu.memory_space<vmem>>, %arg12: memref<8192xf32, #tpu.memory_space<vmem>>, %arg13: memref<128xf32, #tpu.memory_space<vmem>>, %arg14: memref<128xf32, #tpu.memory_space<vmem>>, %arg15: memref<128xf32, #tpu.memory_space<vmem>>, %arg16: memref<32xi32, #tpu.memory_space<vmem>>, %arg17: memref<8224xi32, #tpu.memory_space<vmem>>, %arg18: memref<32xi32, #tpu.memory_space<vmem>>, %arg19: memref<8224xi32, #tpu.memory_space<vmem>>, %arg20: memref<2048xi32, #tpu.memory_space<vmem>>, %arg21: memref<4096xi32, #tpu.memory_space<vmem>>) attributes {dimension_semantics = [#tpu.dimension_semantics<core_parallel>, #tpu.dimension_semantics<subcore_parallel>], iteration_bounds = array<i64: 2, 16>, scalar_prefetch = 0 : i64, scratch_operands = 12 : i64, tpu.core_type = #tpu.core_type<sc_vector_subcore>, window_params = [{transform_indices = #map}, {transform_indices = #map}, {transform_indices = #map}, {transform_indices = #map}, {transform_indices = #map}, {transform_indices = #map}, {transform_indices = #map1}, {transform_indices = #map1}]} {
    %mul3A = arith.constant 2 : i32
    %mul3A_0 = arith.muli %arg1, %mul3A : i32
    %add3A = arith.addi %mul3A_0, %arg0 : i32
    %jit3A = arith.constant 8 : i32
    %div3A = arith.divsi %add3A, %jit3A : i32
    %sign3A = arith.constant 0 : i32
    %sign3A_1 = arith.cmpi sgt, %add3A, %sign3A : i32
    %sign3A_2 = arith.extui %sign3A_1 : i1 to i32
    %sign3A_3 = arith.constant 0 : i32
    %sign3A_4 = arith.cmpi slt, %add3A, %sign3A_3 : i32
    %sign3A_5 = arith.extui %sign3A_4 : i1 to i32
    %sign3A_6 = arith.subi %sign3A_2, %sign3A_5 : i32
    %sign3A_7 = arith.constant 0 : i32
    %sign3A_8 = arith.cmpi sgt, %jit3A, %sign3A_7 : i32
    %sign3A_9 = arith.extui %sign3A_8 : i1 to i32
    %sign3A_10 = arith.constant 0 : i32
    %sign3A_11 = arith.cmpi slt, %jit3A, %sign3A_10 : i32
    %sign3A_12 = arith.extui %sign3A_11 : i1 to i32
    %sign3A_13 = arith.subi %sign3A_9, %sign3A_12 : i32
    %ne3A = arith.cmpi ne, %sign3A_6, %sign3A_13 : i32
    %rem3A = arith.remsi %add3A, %jit3A : i32
    %ne3A_14 = arith.constant 0 : i32
    %ne3A_15 = arith.cmpi ne, %rem3A, %ne3A_14 : i32
    %and3A = arith.andi %ne3A, %ne3A_15 : i1
    %sub3A = arith.constant 1 : i32
    %sub3A_16 = arith.subi %div3A, %sub3A : i32
    %select_n3A = arith.select %and3A, %sub3A_16, %div3A : i32
    %jit3A_17 = arith.constant 8 : i32
    %eq3A = arith.constant 0 : i32
    %eq3A_18 = arith.cmpi eq, %jit3A_17, %eq3A : i32
    %jit3A_19 = arith.constant 1 : i32
    %select_n3A_20 = arith.select %eq3A_18, %jit3A_19, %jit3A_17 : i32
    %rem3A_21 = arith.remsi %add3A, %select_n3A_20 : i32
    %ne3A_22 = arith.constant 0 : i32
    %ne3A_23 = arith.cmpi ne, %rem3A_21, %ne3A_22 : i32
    %lt3A = arith.constant 0 : i32
    %lt3A_24 = arith.cmpi slt, %rem3A_21, %lt3A : i32
    %lt3A_25 = arith.constant 0 : i32
    %lt3A_26 = arith.cmpi slt, %select_n3A_20, %lt3A_25 : i32
    %ne3A_27 = arith.xori %lt3A_24, %lt3A_26 : i1
    %and3A_28 = arith.andi %ne3A_27, %ne3A_23 : i1
    %add3A_29 = arith.addi %rem3A_21, %select_n3A_20 : i32
    %select_n3A_30 = arith.select %and3A_28, %add3A_29, %rem3A_21 : i32
    %mul3A_31 = arith.constant 128 : i32
    %mul3A_32 = arith.muli %select_n3A_30, %mul3A_31 : i32
    "tpu.region"() ({
      %run_scoped3A = tpu.sem_alloc : memref<!tpu.dma_semaphore, #tpu.memory_space<semaphore_mem>>
      %dma_start3A = arith.constant 0 : i32
      %dma_start3A_49 = tpu.memref_slice %arg2[%select_n3A, %dma_start3A] : memref<4x8192xf32, #tpu.memory_space<hbm>> -> memref<1x8192xf32, #tpu.memory_space<hbm>>
      %dma_start3A_50 = tpu.memref_squeeze %dma_start3A_49 : memref<1x8192xf32, #tpu.memory_space<hbm>> -> memref<8192xf32, #tpu.memory_space<hbm>>
      %dma_start3A_51 = arith.constant 0 : i32
      %dma_start3A_52 = tpu.memref_slice %arg2[%select_n3A, %dma_start3A_51] : memref<4x8192xf32, #tpu.memory_space<hbm>> -> memref<1x8192xf32, #tpu.memory_space<hbm>>
      %dma_start3A_53 = tpu.memref_squeeze %dma_start3A_52 : memref<1x8192xf32, #tpu.memory_space<hbm>> -> memref<8192xf32, #tpu.memory_space<hbm>>
      tpu.enqueue_dma source(%dma_start3A_53 : memref<8192xf32, #tpu.memory_space<hbm>>) target(%arg10 : memref<8192xf32, #tpu.memory_space<vmem>>) target_semaphore(%run_scoped3A : memref<!tpu.dma_semaphore, #tpu.memory_space<semaphore_mem>>)
      %dma_wait3A = arith.constant 0 : i32
      %dma_wait3A_54 = tpu.memref_slice %arg2[%select_n3A, %dma_wait3A] : memref<4x8192xf32, #tpu.memory_space<hbm>> -> memref<1x8192xf32, #tpu.memory_space<hbm>>
      %dma_wait3A_55 = tpu.memref_squeeze %dma_wait3A_54 : memref<1x8192xf32, #tpu.memory_space<hbm>> -> memref<8192xf32, #tpu.memory_space<hbm>>
      %dma_wait3A_56 = arith.constant 0 : i32
      %dma_wait3A_57 = tpu.memref_slice %arg2[%select_n3A, %dma_wait3A_56] : memref<4x8192xf32, #tpu.memory_space<hbm>> -> memref<1x8192xf32, #tpu.memory_space<hbm>>
      %dma_wait3A_58 = tpu.memref_squeeze %dma_wait3A_57 : memref<1x8192xf32, #tpu.memory_space<hbm>> -> memref<8192xf32, #tpu.memory_space<hbm>>
      tpu.wait_dma2 semaphore(%run_scoped3A : memref<!tpu.dma_semaphore, #tpu.memory_space<semaphore_mem>>) src(%dma_wait3A_58 : memref<8192xf32, #tpu.memory_space<hbm>>) dst(%arg10 : memref<8192xf32, #tpu.memory_space<vmem>>)
      tpu.yield
    }) : () -> ()
    "tpu.region"() ({
      %run_scoped3A = tpu.sem_alloc : memref<!tpu.dma_semaphore, #tpu.memory_space<semaphore_mem>>
      %dma_start3A = arith.constant 0 : i32
      %dma_start3A_49 = tpu.memref_slice %arg3[%select_n3A, %dma_start3A] : memref<4x8192xf32, #tpu.memory_space<hbm>> -> memref<1x8192xf32, #tpu.memory_space<hbm>>
      %dma_start3A_50 = tpu.memref_squeeze %dma_start3A_49 : memref<1x8192xf32, #tpu.memory_space<hbm>> -> memref<8192xf32, #tpu.memory_space<hbm>>
      %dma_start3A_51 = arith.constant 0 : i32
      %dma_start3A_52 = tpu.memref_slice %arg3[%select_n3A, %dma_start3A_51] : memref<4x8192xf32, #tpu.memory_space<hbm>> -> memref<1x8192xf32, #tpu.memory_space<hbm>>
      %dma_start3A_53 = tpu.memref_squeeze %dma_start3A_52 : memref<1x8192xf32, #tpu.memory_space<hbm>> -> memref<8192xf32, #tpu.memory_space<hbm>>
      tpu.enqueue_dma source(%dma_start3A_53 : memref<8192xf32, #tpu.memory_space<hbm>>) target(%arg11 : memref<8192xf32, #tpu.memory_space<vmem>>) target_semaphore(%run_scoped3A : memref<!tpu.dma_semaphore, #tpu.memory_space<semaphore_mem>>)
      %dma_wait3A = arith.constant 0 : i32
      %dma_wait3A_54 = tpu.memref_slice %arg3[%select_n3A, %dma_wait3A] : memref<4x8192xf32, #tpu.memory_space<hbm>> -> memref<1x8192xf32, #tpu.memory_space<hbm>>
      %dma_wait3A_55 = tpu.memref_squeeze %dma_wait3A_54 : memref<1x8192xf32, #tpu.memory_space<hbm>> -> memref<8192xf32, #tpu.memory_space<hbm>>
      %dma_wait3A_56 = arith.constant 0 : i32
      %dma_wait3A_57 = tpu.memref_slice %arg3[%select_n3A, %dma_wait3A_56] : memref<4x8192xf32, #tpu.memory_space<hbm>> -> memref<1x8192xf32, #tpu.memory_space<hbm>>
      %dma_wait3A_58 = tpu.memref_squeeze %dma_wait3A_57 : memref<1x8192xf32, #tpu.memory_space<hbm>> -> memref<8192xf32, #tpu.memory_space<hbm>>
      tpu.wait_dma2 semaphore(%run_scoped3A : memref<!tpu.dma_semaphore, #tpu.memory_space<semaphore_mem>>) src(%dma_wait3A_58 : memref<8192xf32, #tpu.memory_space<hbm>>) dst(%arg11 : memref<8192xf32, #tpu.memory_space<vmem>>)
      tpu.yield
    }) : () -> ()
    "tpu.region"() ({
      %run_scoped3A = tpu.sem_alloc : memref<!tpu.dma_semaphore, #tpu.memory_space<semaphore_mem>>
      %dma_start3A = arith.constant 0 : i32
      %dma_start3A_49 = tpu.memref_slice %arg4[%select_n3A, %dma_start3A] : memref<4x8192xf32, #tpu.memory_space<hbm>> -> memref<1x8192xf32, #tpu.memory_space<hbm>>
      %dma_start3A_50 = tpu.memref_squeeze %dma_start3A_49 : memref<1x8192xf32, #tpu.memory_space<hbm>> -> memref<8192xf32, #tpu.memory_space<hbm>>
      %dma_start3A_51 = arith.constant 0 : i32
      %dma_start3A_52 = tpu.memref_slice %arg4[%select_n3A, %dma_start3A_51] : memref<4x8192xf32, #tpu.memory_space<hbm>> -> memref<1x8192xf32, #tpu.memory_space<hbm>>
      %dma_start3A_53 = tpu.memref_squeeze %dma_start3A_52 : memref<1x8192xf32, #tpu.memory_space<hbm>> -> memref<8192xf32, #tpu.memory_space<hbm>>
      tpu.enqueue_dma source(%dma_start3A_53 : memref<8192xf32, #tpu.memory_space<hbm>>) target(%arg12 : memref<8192xf32, #tpu.memory_space<vmem>>) target_semaphore(%run_scoped3A : memref<!tpu.dma_semaphore, #tpu.memory_space<semaphore_mem>>)
      %dma_wait3A = arith.constant 0 : i32
      %dma_wait3A_54 = tpu.memref_slice %arg4[%select_n3A, %dma_wait3A] : memref<4x8192xf32, #tpu.memory_space<hbm>> -> memref<1x8192xf32, #tpu.memory_space<hbm>>
      %dma_wait3A_55 = tpu.memref_squeeze %dma_wait3A_54 : memref<1x8192xf32, #tpu.memory_space<hbm>> -> memref<8192xf32, #tpu.memory_space<hbm>>
      %dma_wait3A_56 = arith.constant 0 : i32
      %dma_wait3A_57 = tpu.memref_slice %arg4[%select_n3A, %dma_wait3A_56] : memref<4x8192xf32, #tpu.memory_space<hbm>> -> memref<1x8192xf32, #tpu.memory_space<hbm>>
      %dma_wait3A_58 = tpu.memref_squeeze %dma_wait3A_57 : memref<1x8192xf32, #tpu.memory_space<hbm>> -> memref<8192xf32, #tpu.memory_space<hbm>>
      tpu.wait_dma2 semaphore(%run_scoped3A : memref<!tpu.dma_semaphore, #tpu.memory_space<semaphore_mem>>) src(%dma_wait3A_58 : memref<8192xf32, #tpu.memory_space<hbm>>) dst(%arg12 : memref<8192xf32, #tpu.memory_space<vmem>>)
      tpu.yield
    }) : () -> ()
    "tpu.region"() ({
      %run_scoped3A = tpu.sem_alloc : memref<!tpu.dma_semaphore, #tpu.memory_space<semaphore_mem>>
      %dma_start3A = tpu.memref_slice %arg5[%select_n3A, %mul3A_32] : memref<4x1024xf32, #tpu.memory_space<hbm>> -> memref<1x128xf32, #tpu.memory_space<hbm>>
      %dma_start3A_49 = tpu.memref_squeeze %dma_start3A : memref<1x128xf32, #tpu.memory_space<hbm>> -> memref<128xf32, #tpu.memory_space<hbm>>
      %dma_start3A_50 = tpu.memref_slice %arg5[%select_n3A, %mul3A_32] : memref<4x1024xf32, #tpu.memory_space<hbm>> -> memref<1x128xf32, #tpu.memory_space<hbm>>
      %dma_start3A_51 = tpu.memref_squeeze %dma_start3A_50 : memref<1x128xf32, #tpu.memory_space<hbm>> -> memref<128xf32, #tpu.memory_space<hbm>>
      tpu.enqueue_dma source(%dma_start3A_51 : memref<128xf32, #tpu.memory_space<hbm>>) target(%arg13 : memref<128xf32, #tpu.memory_space<vmem>>) target_semaphore(%run_scoped3A : memref<!tpu.dma_semaphore, #tpu.memory_space<semaphore_mem>>)
      %dma_wait3A = tpu.memref_slice %arg5[%select_n3A, %mul3A_32] : memref<4x1024xf32, #tpu.memory_space<hbm>> -> memref<1x128xf32, #tpu.memory_space<hbm>>
      %dma_wait3A_52 = tpu.memref_squeeze %dma_wait3A : memref<1x128xf32, #tpu.memory_space<hbm>> -> memref<128xf32, #tpu.memory_space<hbm>>
      %dma_wait3A_53 = tpu.memref_slice %arg5[%select_n3A, %mul3A_32] : memref<4x1024xf32, #tpu.memory_space<hbm>> -> memref<1x128xf32, #tpu.memory_space<hbm>>
      %dma_wait3A_54 = tpu.memref_squeeze %dma_wait3A_53 : memref<1x128xf32, #tpu.memory_space<hbm>> -> memref<128xf32, #tpu.memory_space<hbm>>
      tpu.wait_dma2 semaphore(%run_scoped3A : memref<!tpu.dma_semaphore, #tpu.memory_space<semaphore_mem>>) src(%dma_wait3A_54 : memref<128xf32, #tpu.memory_space<hbm>>) dst(%arg13 : memref<128xf32, #tpu.memory_space<vmem>>)
      tpu.yield
    }) : () -> ()
    "tpu.region"() ({
      %run_scoped3A = tpu.sem_alloc : memref<!tpu.dma_semaphore, #tpu.memory_space<semaphore_mem>>
      %dma_start3A = tpu.memref_slice %arg6[%select_n3A, %mul3A_32] : memref<4x1024xf32, #tpu.memory_space<hbm>> -> memref<1x128xf32, #tpu.memory_space<hbm>>
      %dma_start3A_49 = tpu.memref_squeeze %dma_start3A : memref<1x128xf32, #tpu.memory_space<hbm>> -> memref<128xf32, #tpu.memory_space<hbm>>
      %dma_start3A_50 = tpu.memref_slice %arg6[%select_n3A, %mul3A_32] : memref<4x1024xf32, #tpu.memory_space<hbm>> -> memref<1x128xf32, #tpu.memory_space<hbm>>
      %dma_start3A_51 = tpu.memref_squeeze %dma_start3A_50 : memref<1x128xf32, #tpu.memory_space<hbm>> -> memref<128xf32, #tpu.memory_space<hbm>>
      tpu.enqueue_dma source(%dma_start3A_51 : memref<128xf32, #tpu.memory_space<hbm>>) target(%arg14 : memref<128xf32, #tpu.memory_space<vmem>>) target_semaphore(%run_scoped3A : memref<!tpu.dma_semaphore, #tpu.memory_space<semaphore_mem>>)
      %dma_wait3A = tpu.memref_slice %arg6[%select_n3A, %mul3A_32] : memref<4x1024xf32, #tpu.memory_space<hbm>> -> memref<1x128xf32, #tpu.memory_space<hbm>>
      %dma_wait3A_52 = tpu.memref_squeeze %dma_wait3A : memref<1x128xf32, #tpu.memory_space<hbm>> -> memref<128xf32, #tpu.memory_space<hbm>>
      %dma_wait3A_53 = tpu.memref_slice %arg6[%select_n3A, %mul3A_32] : memref<4x1024xf32, #tpu.memory_space<hbm>> -> memref<1x128xf32, #tpu.memory_space<hbm>>
      %dma_wait3A_54 = tpu.memref_squeeze %dma_wait3A_53 : memref<1x128xf32, #tpu.memory_space<hbm>> -> memref<128xf32, #tpu.memory_space<hbm>>
      tpu.wait_dma2 semaphore(%run_scoped3A : memref<!tpu.dma_semaphore, #tpu.memory_space<semaphore_mem>>) src(%dma_wait3A_54 : memref<128xf32, #tpu.memory_space<hbm>>) dst(%arg14 : memref<128xf32, #tpu.memory_space<vmem>>)
      tpu.yield
    }) : () -> ()
    "tpu.region"() ({
      %run_scoped3A = tpu.sem_alloc : memref<!tpu.dma_semaphore, #tpu.memory_space<semaphore_mem>>
      %dma_start3A = tpu.memref_slice %arg7[%select_n3A, %mul3A_32] : memref<4x1024xf32, #tpu.memory_space<hbm>> -> memref<1x128xf32, #tpu.memory_space<hbm>>
      %dma_start3A_49 = tpu.memref_squeeze %dma_start3A : memref<1x128xf32, #tpu.memory_space<hbm>> -> memref<128xf32, #tpu.memory_space<hbm>>
      %dma_start3A_50 = tpu.memref_slice %arg7[%select_n3A, %mul3A_32] : memref<4x1024xf32, #tpu.memory_space<hbm>> -> memref<1x128xf32, #tpu.memory_space<hbm>>
      %dma_start3A_51 = tpu.memref_squeeze %dma_start3A_50 : memref<1x128xf32, #tpu.memory_space<hbm>> -> memref<128xf32, #tpu.memory_space<hbm>>
      tpu.enqueue_dma source(%dma_start3A_51 : memref<128xf32, #tpu.memory_space<hbm>>) target(%arg15 : memref<128xf32, #tpu.memory_space<vmem>>) target_semaphore(%run_scoped3A : memref<!tpu.dma_semaphore, #tpu.memory_space<semaphore_mem>>)
      %dma_wait3A = tpu.memref_slice %arg7[%select_n3A, %mul3A_32] : memref<4x1024xf32, #tpu.memory_space<hbm>> -> memref<1x128xf32, #tpu.memory_space<hbm>>
      %dma_wait3A_52 = tpu.memref_squeeze %dma_wait3A : memref<1x128xf32, #tpu.memory_space<hbm>> -> memref<128xf32, #tpu.memory_space<hbm>>
      %dma_wait3A_53 = tpu.memref_slice %arg7[%select_n3A, %mul3A_32] : memref<4x1024xf32, #tpu.memory_space<hbm>> -> memref<1x128xf32, #tpu.memory_space<hbm>>
      %dma_wait3A_54 = tpu.memref_squeeze %dma_wait3A_53 : memref<1x128xf32, #tpu.memory_space<hbm>> -> memref<128xf32, #tpu.memory_space<hbm>>
      tpu.wait_dma2 semaphore(%run_scoped3A : memref<!tpu.dma_semaphore, #tpu.memory_space<semaphore_mem>>) src(%dma_wait3A_54 : memref<128xf32, #tpu.memory_space<hbm>>) dst(%arg15 : memref<128xf32, #tpu.memory_space<vmem>>)
      tpu.yield
    }) : () -> ()
    %iota3A = tpu.iota {dimensions = array<i32: 0>} : vector<16xi32>
    %mul3A_33 = arith.constant 8192 : i32
    %mul3A_34 = arith.muli %select_n3A, %mul3A_33 : i32
    %scan3A = arith.constant 0 : i32
    %scan3A_35 = arith.constant 0 : i32
    %scan3A_36 = arith.constant 64 : i32
    %scan3A_37 = arith.addi %scan3A_35, %scan3A_36 : i32
    %scan3A_38 = arith.constant 1 : i32
    %scan3A_39 = scf.for %scan3A_49 = %scan3A_35 to %scan3A_37 step %scan3A_38 iter_args(%scan3A_50 = %scan3A) -> (i32)  : i32 {
      %add3A_51 = arith.constant 64 : i32
      %add3A_52 = arith.addi %scan3A_49, %add3A_51 : i32
      %broadcast_in_dim3A = vector.broadcast %scan3A_49 : i32 to vector<16xi32>
      %gather3A = tpu.vector_load_idx %arg13[%broadcast_in_dim3A] : memref<128xf32, #tpu.memory_space<vmem>>[vector<16xi32>], vector<16xf32>,
      %broadcast_in_dim3A_53 = vector.broadcast %scan3A_49 : i32 to vector<16xi32>
      %gather3A_54 = tpu.vector_load_idx %arg14[%broadcast_in_dim3A_53] : memref<128xf32, #tpu.memory_space<vmem>>[vector<16xi32>], vector<16xf32>,
      %broadcast_in_dim3A_55 = vector.broadcast %scan3A_49 : i32 to vector<16xi32>
      %gather3A_56 = tpu.vector_load_idx %arg15[%broadcast_in_dim3A_55] : memref<128xf32, #tpu.memory_space<vmem>>[vector<16xi32>], vector<16xf32>,
      %broadcast_in_dim3A_57 = vector.broadcast %add3A_52 : i32 to vector<16xi32>
      %gather3A_58 = tpu.vector_load_idx %arg13[%broadcast_in_dim3A_57] : memref<128xf32, #tpu.memory_space<vmem>>[vector<16xi32>], vector<16xf32>,
      %broadcast_in_dim3A_59 = vector.broadcast %add3A_52 : i32 to vector<16xi32>
      %gather3A_60 = tpu.vector_load_idx %arg14[%broadcast_in_dim3A_59] : memref<128xf32, #tpu.memory_space<vmem>>[vector<16xi32>], vector<16xf32>,
      %broadcast_in_dim3A_61 = vector.broadcast %add3A_52 : i32 to vector<16xi32>
      %gather3A_62 = tpu.vector_load_idx %arg15[%broadcast_in_dim3A_61] : memref<128xf32, #tpu.memory_space<vmem>>[vector<16xi32>], vector<16xf32>,
      %while3A = arith.constant 0 : i32
      %while3A_63 = arith.constant 0 : i32
      %while3A_64 = arith.constant 0 : i32
      %while3A_65 = arith.constant 0 : i32
      %while3A_66 = arith.constant 0 : i32
      %while3A_67:5 = scf.while (%while3A_169 = %while3A, %while3A_170 = %while3A_63, %while3A_171 = %while3A_64, %while3A_172 = %while3A_65, %while3A_173 = %while3A_66) : (i32, i32, i32, i32, i32) -> (i32, i32, i32, i32, i32) {
        %lt3A_174 = arith.constant 256 : i32
        %lt3A_175 = arith.cmpi slt, %while3A_169, %lt3A_174 : i32
        %lt3A_176 = arith.constant 16 : i32
        %lt3A_177 = arith.cmpi slt, %while3A_170, %lt3A_176 : i32
        %lt3A_178 = arith.constant 32 : i32
        %lt3A_179 = arith.cmpi slt, %while3A_171, %lt3A_178 : i32
        %or3A = arith.ori %lt3A_177, %lt3A_179 : i1
        %lt3A_180 = arith.constant 16 : i32
        %lt3A_181 = arith.cmpi slt, %while3A_172, %lt3A_180 : i32
        %or3A_182 = arith.ori %or3A, %lt3A_181 : i1
        %lt3A_183 = arith.constant 32 : i32
        %lt3A_184 = arith.cmpi slt, %while3A_173, %lt3A_183 : i32
        %or3A_185 = arith.ori %or3A_182, %lt3A_184 : i1
        %and3A_186 = arith.andi %lt3A_175, %or3A_185 : i1
        scf.condition(%and3A_186) %while3A_169, %while3A_170, %while3A_171, %while3A_172, %while3A_173 : i32, i32, i32, i32, i32
      } do {
      ^bb0(%while3A_169: i32, %while3A_170: i32, %while3A_171: i32, %while3A_172: i32, %while3A_173: i32):
        %mul3A_174 = arith.constant 32 : i32
        %mul3A_175 = arith.muli %while3A_169, %mul3A_174 : i32
        %add3A_176 = arith.constant 0 : i32
        %add3A_177 = arith.addi %mul3A_175, %add3A_176 : i32
        %get3A_178 = arith.index_cast %add3A_177 : i32 to index
        %get3A_179 = tpu.vector_load %arg10[%get3A_178] {strides = array<i32>} : memref<8192xf32, #tpu.memory_space<vmem>>, vector<16xf32>,
        %get3A_180 = arith.index_cast %add3A_177 : i32 to index
        %get3A_181 = tpu.vector_load %arg11[%get3A_180] {strides = array<i32>} : memref<8192xf32, #tpu.memory_space<vmem>>, vector<16xf32>,
        %get3A_182 = arith.index_cast %add3A_177 : i32 to index
        %get3A_183 = tpu.vector_load %arg12[%get3A_182] {strides = array<i32>} : memref<8192xf32, #tpu.memory_space<vmem>>, vector<16xf32>,
        %add3A_184 = vector.broadcast %add3A_177 : i32 to vector<16xi32>
        %add3A_185 = arith.addi %add3A_184, %iota3A : vector<16xi32>
        %sub3A_186 = arith.subf %gather3A, %get3A_179 : vector<16xf32>
        %sub3A_187 = arith.subf %gather3A_54, %get3A_181 : vector<16xf32>
        %sub3A_188 = arith.subf %gather3A_56, %get3A_183 : vector<16xf32>
        %mul3A_189 = arith.mulf %sub3A_186, %sub3A_186 : vector<16xf32>
        %mul3A_190 = arith.mulf %sub3A_187, %sub3A_187 : vector<16xf32>
        %add3A_191 = arith.addf %mul3A_189, %mul3A_190 : vector<16xf32>
        %mul3A_192 = arith.mulf %sub3A_188, %sub3A_188 : vector<16xf32>
        %add3A_193 = arith.addf %add3A_191, %mul3A_192 : vector<16xf32>
        %sub3A_194 = arith.subf %gather3A_58, %get3A_179 : vector<16xf32>
        %sub3A_195 = arith.subf %gather3A_60, %get3A_181 : vector<16xf32>
        %sub3A_196 = arith.subf %gather3A_62, %get3A_183 : vector<16xf32>
        %mul3A_197 = arith.mulf %sub3A_194, %sub3A_194 : vector<16xf32>
        %mul3A_198 = arith.mulf %sub3A_195, %sub3A_195 : vector<16xf32>
        %add3A_199 = arith.addf %mul3A_197, %mul3A_198 : vector<16xf32>
        %mul3A_200 = arith.mulf %sub3A_196, %sub3A_196 : vector<16xf32>
        %add3A_201 = arith.addf %add3A_199, %mul3A_200 : vector<16xf32>
        %lt3A_202 = arith.constant 0.00999999977 : f32
        %lt3A_203 = vector.broadcast %lt3A_202 : f32 to vector<16xf32>
        %lt3A_204 = arith.cmpf olt, %add3A_193, %lt3A_203 : vector<16xf32>
        %lt3A_205 = arith.constant 4.000000e-02 : f32
        %lt3A_206 = vector.broadcast %lt3A_205 : f32 to vector<16xf32>
        %lt3A_207 = arith.cmpf olt, %add3A_193, %lt3A_206 : vector<16xf32>
        %lt3A_208 = arith.constant 0.00999999977 : f32
        %lt3A_209 = vector.broadcast %lt3A_208 : f32 to vector<16xf32>
        %lt3A_210 = arith.cmpf olt, %add3A_201, %lt3A_209 : vector<16xf32>
        %lt3A_211 = arith.constant 4.000000e-02 : f32
        %lt3A_212 = vector.broadcast %lt3A_211 : f32 to vector<16xf32>
        %lt3A_213 = arith.cmpf olt, %add3A_201, %lt3A_212 : vector<16xf32>
        %swap3A_214 = arith.index_cast %while3A_171 : i32 to index
        %swap3A_215 = tpu.vector_load %arg17[%swap3A_214] masked %lt3A_207 {strides = array<i32>} : memref<8224xi32, #tpu.memory_space<vmem>>, vector<16xi32>, vector<16xi1>
        tpu.vector_store %arg17[%swap3A_214], %add3A_185 masked %lt3A_207 {strides = array<i32>} : memref<8224xi32, #tpu.memory_space<vmem>>, vector<16xi32>, vector<16xi1>
        %swap3A_216 = arith.index_cast %while3A_173 : i32 to index
        %swap3A_217 = tpu.vector_load %arg19[%swap3A_216] masked %lt3A_213 {strides = array<i32>} : memref<8224xi32, #tpu.memory_space<vmem>>, vector<16xi32>, vector<16xi1>
        tpu.vector_store %arg19[%swap3A_216], %add3A_185 masked %lt3A_213 {strides = array<i32>} : memref<8224xi32, #tpu.memory_space<vmem>>, vector<16xi32>, vector<16xi1>
        %all_reduce_population_count3A = tpu.all_reduce %lt3A_204 {dim = 0 : i64, kind = #tpu.reduction_kind<sum>} : vector<16xi1> -> vector<16xi32>
        %slice3A_218 = vector.extract_strided_slice %all_reduce_population_count3A {offsets = [0], sizes = [1], strides = [1]} : vector<16xi32> to vector<1xi32>
        %squeeze3A_219 = vector.extract %slice3A_218[0] : i32 from vector<1xi32>
        %add3A_220 = arith.addi %while3A_170, %squeeze3A_219 : i32
        %all_reduce_population_count3A_221 = tpu.all_reduce %lt3A_207 {dim = 0 : i64, kind = #tpu.reduction_kind<sum>} : vector<16xi1> -> vector<16xi32>
        %slice3A_222 = vector.extract_strided_slice %all_reduce_population_count3A_221 {offsets = [0], sizes = [1], strides = [1]} : vector<16xi32> to vector<1xi32>
        %squeeze3A_223 = vector.extract %slice3A_222[0] : i32 from vector<1xi32>
        %add3A_224 = arith.addi %while3A_171, %squeeze3A_223 : i32
        %all_reduce_population_count3A_225 = tpu.all_reduce %lt3A_210 {dim = 0 : i64, kind = #tpu.reduction_kind<sum>} : vector<16xi1> -> vector<16xi32>
        %slice3A_226 = vector.extract_strided_slice %all_reduce_population_count3A_225 {offsets = [0], sizes = [1], strides = [1]} : vector<16xi32> to vector<1xi32>
        %squeeze3A_227 = vector.extract %slice3A_226[0] : i32 from vector<1xi32>
        %add3A_228 = arith.addi %while3A_172, %squeeze3A_227 : i32
        %all_reduce_population_count3A_229 = tpu.all_reduce %lt3A_213 {dim = 0 : i64, kind = #tpu.reduction_kind<sum>} : vector<16xi1> -> vector<16xi32>
        %slice3A_230 = vector.extract_strided_slice %all_reduce_population_count3A_229 {offsets = [0], sizes = [1], strides = [1]} : vector<16xi32> to vector<1xi32>
        %squeeze3A_231 = vector.extract %slice3A_230[0] : i32 from vector<1xi32>
        %add3A_232 = arith.addi %while3A_173, %squeeze3A_231 : i32
        %mul3A_233 = arith.constant 32 : i32
        %mul3A_234 = arith.muli %while3A_169, %mul3A_233 : i32
        %add3A_235 = arith.constant 16 : i32
        %add3A_236 = arith.addi %mul3A_234, %add3A_235 : i32
        %get3A_237 = arith.index_cast %add3A_236 : i32 to index
        %get3A_238 = tpu.vector_load %arg10[%get3A_237] {strides = array<i32>} : memref<8192xf32, #tpu.memory_space<vmem>>, vector<16xf32>,
        %get3A_239 = arith.index_cast %add3A_236 : i32 to index
        %get3A_240 = tpu.vector_load %arg11[%get3A_239] {strides = array<i32>} : memref<8192xf32, #tpu.memory_space<vmem>>, vector<16xf32>,
        %get3A_241 = arith.index_cast %add3A_236 : i32 to index
        %get3A_242 = tpu.vector_load %arg12[%get3A_241] {strides = array<i32>} : memref<8192xf32, #tpu.memory_space<vmem>>, vector<16xf32>,
        %add3A_243 = vector.broadcast %add3A_236 : i32 to vector<16xi32>
        %add3A_244 = arith.addi %add3A_243, %iota3A : vector<16xi32>
        %sub3A_245 = arith.subf %gather3A, %get3A_238 : vector<16xf32>
        %sub3A_246 = arith.subf %gather3A_54, %get3A_240 : vector<16xf32>
        %sub3A_247 = arith.subf %gather3A_56, %get3A_242 : vector<16xf32>
        %mul3A_248 = arith.mulf %sub3A_245, %sub3A_245 : vector<16xf32>
        %mul3A_249 = arith.mulf %sub3A_246, %sub3A_246 : vector<16xf32>
        %add3A_250 = arith.addf %mul3A_248, %mul3A_249 : vector<16xf32>
        %mul3A_251 = arith.mulf %sub3A_247, %sub3A_247 : vector<16xf32>
        %add3A_252 = arith.addf %add3A_250, %mul3A_251 : vector<16xf32>
        %sub3A_253 = arith.subf %gather3A_58, %get3A_238 : vector<16xf32>
        %sub3A_254 = arith.subf %gather3A_60, %get3A_240 : vector<16xf32>
        %sub3A_255 = arith.subf %gather3A_62, %get3A_242 : vector<16xf32>
        %mul3A_256 = arith.mulf %sub3A_253, %sub3A_253 : vector<16xf32>
        %mul3A_257 = arith.mulf %sub3A_254, %sub3A_254 : vector<16xf32>
        %add3A_258 = arith.addf %mul3A_256, %mul3A_257 : vector<16xf32>
        %mul3A_259 = arith.mulf %sub3A_255, %sub3A_255 : vector<16xf32>
        %add3A_260 = arith.addf %add3A_258, %mul3A_259 : vector<16xf32>
        %lt3A_261 = arith.constant 0.00999999977 : f32
        %lt3A_262 = vector.broadcast %lt3A_261 : f32 to vector<16xf32>
        %lt3A_263 = arith.cmpf olt, %add3A_252, %lt3A_262 : vector<16xf32>
        %lt3A_264 = arith.constant 4.000000e-02 : f32
        %lt3A_265 = vector.broadcast %lt3A_264 : f32 to vector<16xf32>
        %lt3A_266 = arith.cmpf olt, %add3A_252, %lt3A_265 : vector<16xf32>
        %lt3A_267 = arith.constant 0.00999999977 : f32
        %lt3A_268 = vector.broadcast %lt3A_267 : f32 to vector<16xf32>
        %lt3A_269 = arith.cmpf olt, %add3A_260, %lt3A_268 : vector<16xf32>
        %lt3A_270 = arith.constant 4.000000e-02 : f32
        %lt3A_271 = vector.broadcast %lt3A_270 : f32 to vector<16xf32>
        %lt3A_272 = arith.cmpf olt, %add3A_260, %lt3A_271 : vector<16xf32>
        %swap3A_273 = arith.index_cast %add3A_224 : i32 to index
        %swap3A_274 = tpu.vector_load %arg17[%swap3A_273] masked %lt3A_266 {strides = array<i32>} : memref<8224xi32, #tpu.memory_space<vmem>>, vector<16xi32>, vector<16xi1>
        tpu.vector_store %arg17[%swap3A_273], %add3A_244 masked %lt3A_266 {strides = array<i32>} : memref<8224xi32, #tpu.memory_space<vmem>>, vector<16xi32>, vector<16xi1>
        %swap3A_275 = arith.index_cast %add3A_232 : i32 to index
        %swap3A_276 = tpu.vector_load %arg19[%swap3A_275] masked %lt3A_272 {strides = array<i32>} : memref<8224xi32, #tpu.memory_space<vmem>>, vector<16xi32>, vector<16xi1>
        tpu.vector_store %arg19[%swap3A_275], %add3A_244 masked %lt3A_272 {strides = array<i32>} : memref<8224xi32, #tpu.memory_space<vmem>>, vector<16xi32>, vector<16xi1>
        %all_reduce_population_count3A_277 = tpu.all_reduce %lt3A_263 {dim = 0 : i64, kind = #tpu.reduction_kind<sum>} : vector<16xi1> -> vector<16xi32>
        %slice3A_278 = vector.extract_strided_slice %all_reduce_population_count3A_277 {offsets = [0], sizes = [1], strides = [1]} : vector<16xi32> to vector<1xi32>
        %squeeze3A_279 = vector.extract %slice3A_278[0] : i32 from vector<1xi32>
        %add3A_280 = arith.addi %add3A_220, %squeeze3A_279 : i32
        %all_reduce_population_count3A_281 = tpu.all_reduce %lt3A_266 {dim = 0 : i64, kind = #tpu.reduction_kind<sum>} : vector<16xi1> -> vector<16xi32>
        %slice3A_282 = vector.extract_strided_slice %all_reduce_population_count3A_281 {offsets = [0], sizes = [1], strides = [1]} : vector<16xi32> to vector<1xi32>
        %squeeze3A_283 = vector.extract %slice3A_282[0] : i32 from vector<1xi32>
        %add3A_284 = arith.addi %add3A_224, %squeeze3A_283 : i32
        %all_reduce_population_count3A_285 = tpu.all_reduce %lt3A_269 {dim = 0 : i64, kind = #tpu.reduction_kind<sum>} : vector<16xi1> -> vector<16xi32>
        %slice3A_286 = vector.extract_strided_slice %all_reduce_population_count3A_285 {offsets = [0], sizes = [1], strides = [1]} : vector<16xi32> to vector<1xi32>
        %squeeze3A_287 = vector.extract %slice3A_286[0] : i32 from vector<1xi32>
        %add3A_288 = arith.addi %add3A_228, %squeeze3A_287 : i32
        %all_reduce_population_count3A_289 = tpu.all_reduce %lt3A_272 {dim = 0 : i64, kind = #tpu.reduction_kind<sum>} : vector<16xi1> -> vector<16xi32>
        %slice3A_290 = vector.extract_strided_slice %all_reduce_population_count3A_289 {offsets = [0], sizes = [1], strides = [1]} : vector<16xi32> to vector<1xi32>
        %squeeze3A_291 = vector.extract %slice3A_290[0] : i32 from vector<1xi32>
        %add3A_292 = arith.addi %add3A_232, %squeeze3A_291 : i32
        %add3A_293 = arith.constant 1 : i32
        %add3A_294 = arith.addi %while3A_169, %add3A_293 : i32
        scf.yield %add3A_294, %add3A_280, %add3A_284, %add3A_288, %add3A_292 : i32, i32, i32, i32, i32
      }
      %lt3A_68 = arith.constant 16 : i32
      %lt3A_69 = vector.broadcast %lt3A_68 : i32 to vector<16xi32>
      %lt3A_70 = arith.cmpi slt, %iota3A, %lt3A_69 : vector<16xi32>
      %get3A = arith.constant 0 : index
      %get3A_71 = tpu.vector_load %arg17[%get3A] {strides = array<i32>} : memref<8224xi32, #tpu.memory_space<vmem>>, vector<16xi32>,
      %slice3A = vector.extract_strided_slice %get3A_71 {offsets = [0], sizes = [1], strides = [1]} : vector<16xi32> to vector<1xi32>
      %squeeze3A = vector.extract %slice3A[0] : i32 from vector<1xi32>
      %broadcast_in_dim3A_72 = vector.broadcast %squeeze3A : i32 to vector<16xi32>
      %swap3A = arith.index_cast %while3A_67#2 : i32 to index
      %swap3A_73 = tpu.vector_load %arg17[%swap3A] masked %lt3A_70 {strides = array<i32>} : memref<8224xi32, #tpu.memory_space<vmem>>, vector<16xi32>, vector<16xi1>
      tpu.vector_store %arg17[%swap3A], %broadcast_in_dim3A_72 masked %lt3A_70 {strides = array<i32>} : memref<8224xi32, #tpu.memory_space<vmem>>, vector<16xi32>, vector<16xi1>
      %add3A_74 = arith.constant 16 : i32
      %add3A_75 = arith.addi %while3A_67#2, %add3A_74 : i32
      %swap3A_76 = arith.index_cast %add3A_75 : i32 to index
      %swap3A_77 = tpu.vector_load %arg17[%swap3A_76] masked %lt3A_70 {strides = array<i32>} : memref<8224xi32, #tpu.memory_space<vmem>>, vector<16xi32>, vector<16xi1>
      tpu.vector_store %arg17[%swap3A_76], %broadcast_in_dim3A_72 masked %lt3A_70 {strides = array<i32>} : memref<8224xi32, #tpu.memory_space<vmem>>, vector<16xi32>, vector<16xi1>
      %while3A_78 = arith.constant 0 : i32
      %while3A_79 = arith.constant 0 : i32
      %while3A_80:2 = scf.while (%while3A_169 = %while3A_78, %while3A_170 = %while3A_79) : (i32, i32) -> (i32, i32) {
        %mul3A_171 = arith.constant 16 : i32
        %mul3A_172 = arith.muli %while3A_169, %mul3A_171 : i32
        %lt3A_173 = arith.cmpi slt, %mul3A_172, %while3A_67#2 : i32
        %lt3A_174 = arith.constant 16 : i32
        %lt3A_175 = arith.cmpi slt, %while3A_170, %lt3A_174 : i32
        %and3A_176 = arith.andi %lt3A_173, %lt3A_175 : i1
        scf.condition(%and3A_176) %while3A_169, %while3A_170 : i32, i32
      } do {
      ^bb0(%while3A_169: i32, %while3A_170: i32):
        %mul3A_171 = arith.constant 16 : i32
        %mul3A_172 = arith.muli %while3A_169, %mul3A_171 : i32
        %get3A_173 = arith.index_cast %mul3A_172 : i32 to index
        %get3A_174 = tpu.vector_load %arg17[%get3A_173] {strides = array<i32>} : memref<8224xi32, #tpu.memory_space<vmem>>, vector<16xi32>,
        %gather3A_175 = tpu.vector_load_idx %arg10[%get3A_174] : memref<8192xf32, #tpu.memory_space<vmem>>[vector<16xi32>], vector<16xf32>,
        %sub3A_176 = arith.subf %gather3A, %gather3A_175 : vector<16xf32>
        %gather3A_177 = tpu.vector_load_idx %arg11[%get3A_174] : memref<8192xf32, #tpu.memory_space<vmem>>[vector<16xi32>], vector<16xf32>,
        %sub3A_178 = arith.subf %gather3A_54, %gather3A_177 : vector<16xf32>
        %gather3A_179 = tpu.vector_load_idx %arg12[%get3A_174] : memref<8192xf32, #tpu.memory_space<vmem>>[vector<16xi32>], vector<16xf32>,
        %sub3A_180 = arith.subf %gather3A_56, %gather3A_179 : vector<16xf32>
        %mul3A_181 = arith.mulf %sub3A_176, %sub3A_176 : vector<16xf32>
        %mul3A_182 = arith.mulf %sub3A_178, %sub3A_178 : vector<16xf32>
        %add3A_183 = arith.addf %mul3A_181, %mul3A_182 : vector<16xf32>
        %mul3A_184 = arith.mulf %sub3A_180, %sub3A_180 : vector<16xf32>
        %add3A_185 = arith.addf %add3A_183, %mul3A_184 : vector<16xf32>
        %lt3A_186 = arith.constant 0.00999999977 : f32
        %lt3A_187 = vector.broadcast %lt3A_186 : f32 to vector<16xf32>
        %lt3A_188 = arith.cmpf olt, %add3A_185, %lt3A_187 : vector<16xf32>
        %swap3A_189 = arith.index_cast %while3A_170 : i32 to index
        %swap3A_190 = tpu.vector_load %arg16[%swap3A_189] masked %lt3A_188 {strides = array<i32>} : memref<32xi32, #tpu.memory_space<vmem>>, vector<16xi32>, vector<16xi1>
        tpu.vector_store %arg16[%swap3A_189], %get3A_174 masked %lt3A_188 {strides = array<i32>} : memref<32xi32, #tpu.memory_space<vmem>>, vector<16xi32>, vector<16xi1>
        %add3A_191 = arith.constant 1 : i32
        %add3A_192 = arith.addi %while3A_169, %add3A_191 : i32
        %all_reduce_population_count3A = tpu.all_reduce %lt3A_188 {dim = 0 : i64, kind = #tpu.reduction_kind<sum>} : vector<16xi1> -> vector<16xi32>
        %slice3A_193 = vector.extract_strided_slice %all_reduce_population_count3A {offsets = [0], sizes = [1], strides = [1]} : vector<16xi32> to vector<1xi32>
        %squeeze3A_194 = vector.extract %slice3A_193[0] : i32 from vector<1xi32>
        %add3A_195 = arith.addi %while3A_170, %squeeze3A_194 : i32
        scf.yield %add3A_192, %add3A_195 : i32, i32
      }
      %get3A_81 = arith.constant 0 : index
      %get3A_82 = tpu.vector_load %arg16[%get3A_81] {strides = array<i32>} : memref<32xi32, #tpu.memory_space<vmem>>, vector<16xi32>,
      %slice3A_83 = vector.extract_strided_slice %get3A_82 {offsets = [0], sizes = [1], strides = [1]} : vector<16xi32> to vector<1xi32>
      %squeeze3A_84 = vector.extract %slice3A_83[0] : i32 from vector<1xi32>
      %broadcast_in_dim3A_85 = vector.broadcast %squeeze3A_84 : i32 to vector<16xi32>
      %min3A = arith.constant 16 : i32
      %min3A_86 = arith.minsi %while3A_80#1, %min3A : i32
      %swap3A_87 = arith.index_cast %min3A_86 : i32 to index
      %swap3A_88 = tpu.vector_load %arg16[%swap3A_87] masked %lt3A_70 {strides = array<i32>} : memref<32xi32, #tpu.memory_space<vmem>>, vector<16xi32>, vector<16xi1>
      tpu.vector_store %arg16[%swap3A_87], %broadcast_in_dim3A_85 masked %lt3A_70 {strides = array<i32>} : memref<32xi32, #tpu.memory_space<vmem>>, vector<16xi32>, vector<16xi1>
      %get3A_89 = arith.constant 0 : index
      %get3A_90 = tpu.vector_load %arg16[%get3A_89] {strides = array<i32>} : memref<32xi32, #tpu.memory_space<vmem>>, vector<16xi32>,
      %add3A_91 = vector.broadcast %mul3A_34 : i32 to vector<16xi32>
      %add3A_92 = arith.addi %get3A_90, %add3A_91 : vector<16xi32>
      %mul3A_93 = arith.constant 16 : i32
      %mul3A_94 = arith.muli %scan3A_49, %mul3A_93 : i32
      %swap3A_95 = arith.index_cast %mul3A_94 : i32 to index
      %swap3A_96 = tpu.vector_load %arg20[%swap3A_95] {strides = array<i32>} : memref<2048xi32, #tpu.memory_space<vmem>>, vector<16xi32>,
      tpu.vector_store %arg20[%swap3A_95], %add3A_92 {strides = array<i32>} : memref<2048xi32, #tpu.memory_space<vmem>>, vector<16xi32>,
      %get3A_97 = arith.constant 0 : index
      %get3A_98 = tpu.vector_load %arg17[%get3A_97] {strides = array<i32>} : memref<8224xi32, #tpu.memory_space<vmem>>, vector<16xi32>,
      %add3A_99 = vector.broadcast %mul3A_34 : i32 to vector<16xi32>
      %add3A_100 = arith.addi %get3A_98, %add3A_99 : vector<16xi32>
      %mul3A_101 = arith.constant 32 : i32
      %mul3A_102 = arith.muli %scan3A_49, %mul3A_101 : i32
      %add3A_103 = arith.constant 0 : i32
      %add3A_104 = arith.addi %mul3A_102, %add3A_103 : i32
      %swap3A_105 = arith.index_cast %add3A_104 : i32 to index
      %swap3A_106 = tpu.vector_load %arg21[%swap3A_105] {strides = array<i32>} : memref<4096xi32, #tpu.memory_space<vmem>>, vector<16xi32>,
      tpu.vector_store %arg21[%swap3A_105], %add3A_100 {strides = array<i32>} : memref<4096xi32, #tpu.memory_space<vmem>>, vector<16xi32>,
      %get3A_107 = arith.constant 16 : index
      %get3A_108 = tpu.vector_load %arg17[%get3A_107] {strides = array<i32>} : memref<8224xi32, #tpu.memory_space<vmem>>, vector<16xi32>,
      %add3A_109 = vector.broadcast %mul3A_34 : i32 to vector<16xi32>
      %add3A_110 = arith.addi %get3A_108, %add3A_109 : vector<16xi32>
      %mul3A_111 = arith.constant 32 : i32
      %mul3A_112 = arith.muli %scan3A_49, %mul3A_111 : i32
      %add3A_113 = arith.constant 16 : i32
      %add3A_114 = arith.addi %mul3A_112, %add3A_113 : i32
      %swap3A_115 = arith.index_cast %add3A_114 : i32 to index
      %swap3A_116 = tpu.vector_load %arg21[%swap3A_115] {strides = array<i32>} : memref<4096xi32, #tpu.memory_space<vmem>>, vector<16xi32>,
      tpu.vector_store %arg21[%swap3A_115], %add3A_110 {strides = array<i32>} : memref<4096xi32, #tpu.memory_space<vmem>>, vector<16xi32>,
      %get3A_117 = arith.constant 0 : index
      %get3A_118 = tpu.vector_load %arg19[%get3A_117] {strides = array<i32>} : memref<8224xi32, #tpu.memory_space<vmem>>, vector<16xi32>,
      %slice3A_119 = vector.extract_strided_slice %get3A_118 {offsets = [0], sizes = [1], strides = [1]} : vector<16xi32> to vector<1xi32>
      %squeeze3A_120 = vector.extract %slice3A_119[0] : i32 from vector<1xi32>
      %broadcast_in_dim3A_121 = vector.broadcast %squeeze3A_120 : i32 to vector<16xi32>
      %swap3A_122 = arith.index_cast %while3A_67#4 : i32 to index
      %swap3A_123 = tpu.vector_load %arg19[%swap3A_122] masked %lt3A_70 {strides = array<i32>} : memref<8224xi32, #tpu.memory_space<vmem>>, vector<16xi32>, vector<16xi1>
      tpu.vector_store %arg19[%swap3A_122], %broadcast_in_dim3A_121 masked %lt3A_70 {strides = array<i32>} : memref<8224xi32, #tpu.memory_space<vmem>>, vector<16xi32>, vector<16xi1>
      %add3A_124 = arith.constant 16 : i32
      %add3A_125 = arith.addi %while3A_67#4, %add3A_124 : i32
      %swap3A_126 = arith.index_cast %add3A_125 : i32 to index
      %swap3A_127 = tpu.vector_load %arg19[%swap3A_126] masked %lt3A_70 {strides = array<i32>} : memref<8224xi32, #tpu.memory_space<vmem>>, vector<16xi32>, vector<16xi1>
      tpu.vector_store %arg19[%swap3A_126], %broadcast_in_dim3A_121 masked %lt3A_70 {strides = array<i32>} : memref<8224xi32, #tpu.memory_space<vmem>>, vector<16xi32>, vector<16xi1>
      %while3A_128 = arith.constant 0 : i32
      %while3A_129 = arith.constant 0 : i32
      %while3A_130:2 = scf.while (%while3A_169 = %while3A_128, %while3A_170 = %while3A_129) : (i32, i32) -> (i32, i32) {
        %mul3A_171 = arith.constant 16 : i32
        %mul3A_172 = arith.muli %while3A_169, %mul3A_171 : i32
        %lt3A_173 = arith.cmpi slt, %mul3A_172, %while3A_67#4 : i32
        %lt3A_174 = arith.constant 16 : i32
        %lt3A_175 = arith.cmpi slt, %while3A_170, %lt3A_174 : i32
        %and3A_176 = arith.andi %lt3A_173, %lt3A_175 : i1
        scf.condition(%and3A_176) %while3A_169, %while3A_170 : i32, i32
      } do {
      ^bb0(%while3A_169: i32, %while3A_170: i32):
        %mul3A_171 = arith.constant 16 : i32
        %mul3A_172 = arith.muli %while3A_169, %mul3A_171 : i32
        %get3A_173 = arith.index_cast %mul3A_172 : i32 to index
        %get3A_174 = tpu.vector_load %arg19[%get3A_173] {strides = array<i32>} : memref<8224xi32, #tpu.memory_space<vmem>>, vector<16xi32>,
        %gather3A_175 = tpu.vector_load_idx %arg10[%get3A_174] : memref<8192xf32, #tpu.memory_space<vmem>>[vector<16xi32>], vector<16xf32>,
        %sub3A_176 = arith.subf %gather3A_58, %gather3A_175 : vector<16xf32>
        %gather3A_177 = tpu.vector_load_idx %arg11[%get3A_174] : memref<8192xf32, #tpu.memory_space<vmem>>[vector<16xi32>], vector<16xf32>,
        %sub3A_178 = arith.subf %gather3A_60, %gather3A_177 : vector<16xf32>
        %gather3A_179 = tpu.vector_load_idx %arg12[%get3A_174] : memref<8192xf32, #tpu.memory_space<vmem>>[vector<16xi32>], vector<16xf32>,
        %sub3A_180 = arith.subf %gather3A_62, %gather3A_179 : vector<16xf32>
        %mul3A_181 = arith.mulf %sub3A_176, %sub3A_176 : vector<16xf32>
        %mul3A_182 = arith.mulf %sub3A_178, %sub3A_178 : vector<16xf32>
        %add3A_183 = arith.addf %mul3A_181, %mul3A_182 : vector<16xf32>
        %mul3A_184 = arith.mulf %sub3A_180, %sub3A_180 : vector<16xf32>
        %add3A_185 = arith.addf %add3A_183, %mul3A_184 : vector<16xf32>
        %lt3A_186 = arith.constant 0.00999999977 : f32
        %lt3A_187 = vector.broadcast %lt3A_186 : f32 to vector<16xf32>
        %lt3A_188 = arith.cmpf olt, %add3A_185, %lt3A_187 : vector<16xf32>
        %swap3A_189 = arith.index_cast %while3A_170 : i32 to index
        %swap3A_190 = tpu.vector_load %arg18[%swap3A_189] masked %lt3A_188 {strides = array<i32>} : memref<32xi32, #tpu.memory_space<vmem>>, vector<16xi32>, vector<16xi1>
        tpu.vector_store %arg18[%swap3A_189], %get3A_174 masked %lt3A_188 {strides = array<i32>} : memref<32xi32, #tpu.memory_space<vmem>>, vector<16xi32>, vector<16xi1>
        %add3A_191 = arith.constant 1 : i32
        %add3A_192 = arith.addi %while3A_169, %add3A_191 : i32
        %all_reduce_population_count3A = tpu.all_reduce %lt3A_188 {dim = 0 : i64, kind = #tpu.reduction_kind<sum>} : vector<16xi1> -> vector<16xi32>
        %slice3A_193 = vector.extract_strided_slice %all_reduce_population_count3A {offsets = [0], sizes = [1], strides = [1]} : vector<16xi32> to vector<1xi32>
        %squeeze3A_194 = vector.extract %slice3A_193[0] : i32 from vector<1xi32>
        %add3A_195 = arith.addi %while3A_170, %squeeze3A_194 : i32
        scf.yield %add3A_192, %add3A_195 : i32, i32
      }
      %get3A_131 = arith.constant 0 : index
      %get3A_132 = tpu.vector_load %arg18[%get3A_131] {strides = array<i32>} : memref<32xi32, #tpu.memory_space<vmem>>, vector<16xi32>,
      %slice3A_133 = vector.extract_strided_slice %get3A_132 {offsets = [0], sizes = [1], strides = [1]} : vector<16xi32> to vector<1xi32>
      %squeeze3A_134 = vector.extract %slice3A_133[0] : i32 from vector<1xi32>
      %broadcast_in_dim3A_135 = vector.broadcast %squeeze3A_134 : i32 to vector<16xi32>
      %min3A_136 = arith.constant 16 : i32
      %min3A_137 = arith.minsi %while3A_130#1, %min3A_136 : i32
      %swap3A_138 = arith.index_cast %min3A_137 : i32 to index
      %swap3A_139 = tpu.vector_load %arg18[%swap3A_138] masked %lt3A_70 {strides = array<i32>} : memref<32xi32, #tpu.memory_space<vmem>>, vector<16xi32>, vector<16xi1>
      tpu.vector_store %arg18[%swap3A_138], %broadcast_in_dim3A_135 masked %lt3A_70 {strides = array<i32>} : memref<32xi32, #tpu.memory_space<vmem>>, vector<16xi32>, vector<16xi1>
      %get3A_140 = arith.constant 0 : index
      %get3A_141 = tpu.vector_load %arg18[%get3A_140] {strides = array<i32>} : memref<32xi32, #tpu.memory_space<vmem>>, vector<16xi32>,
      %add3A_142 = vector.broadcast %mul3A_34 : i32 to vector<16xi32>
      %add3A_143 = arith.addi %get3A_141, %add3A_142 : vector<16xi32>
      %mul3A_144 = arith.constant 16 : i32
      %mul3A_145 = arith.muli %add3A_52, %mul3A_144 : i32
      %swap3A_146 = arith.index_cast %mul3A_145 : i32 to index
      %swap3A_147 = tpu.vector_load %arg20[%swap3A_146] {strides = array<i32>} : memref<2048xi32, #tpu.memory_space<vmem>>, vector<16xi32>,
      tpu.vector_store %arg20[%swap3A_146], %add3A_143 {strides = array<i32>} : memref<2048xi32, #tpu.memory_space<vmem>>, vector<16xi32>,
      %get3A_148 = arith.constant 0 : index
      %get3A_149 = tpu.vector_load %arg19[%get3A_148] {strides = array<i32>} : memref<8224xi32, #tpu.memory_space<vmem>>, vector<16xi32>,
      %add3A_150 = vector.broadcast %mul3A_34 : i32 to vector<16xi32>
      %add3A_151 = arith.addi %get3A_149, %add3A_150 : vector<16xi32>
      %mul3A_152 = arith.constant 32 : i32
      %mul3A_153 = arith.muli %add3A_52, %mul3A_152 : i32
      %add3A_154 = arith.constant 0 : i32
      %add3A_155 = arith.addi %mul3A_153, %add3A_154 : i32
      %swap3A_156 = arith.index_cast %add3A_155 : i32 to index
      %swap3A_157 = tpu.vector_load %arg21[%swap3A_156] {strides = array<i32>} : memref<4096xi32, #tpu.memory_space<vmem>>, vector<16xi32>,
      tpu.vector_store %arg21[%swap3A_156], %add3A_151 {strides = array<i32>} : memref<4096xi32, #tpu.memory_space<vmem>>, vector<16xi32>,
      %get3A_158 = arith.constant 16 : index
      %get3A_159 = tpu.vector_load %arg19[%get3A_158] {strides = array<i32>} : memref<8224xi32, #tpu.memory_space<vmem>>, vector<16xi32>,
      %add3A_160 = vector.broadcast %mul3A_34 : i32 to vector<16xi32>
      %add3A_161 = arith.addi %get3A_159, %add3A_160 : vector<16xi32>
      %mul3A_162 = arith.constant 32 : i32
      %mul3A_163 = arith.muli %add3A_52, %mul3A_162 : i32
      %add3A_164 = arith.constant 16 : i32
      %add3A_165 = arith.addi %mul3A_163, %add3A_164 : i32
      %swap3A_166 = arith.index_cast %add3A_165 : i32 to index
      %swap3A_167 = tpu.vector_load %arg21[%swap3A_166] {strides = array<i32>} : memref<4096xi32, #tpu.memory_space<vmem>>, vector<16xi32>,
      tpu.vector_store %arg21[%swap3A_166], %add3A_161 {strides = array<i32>} : memref<4096xi32, #tpu.memory_space<vmem>>, vector<16xi32>,
      %scan3A_168 = arith.constant 0 : i32
      scf.yield %scan3A_168 : i32
    }
    %scan3A_40 = arith.constant 64 : i32
    %mul3A_41 = arith.constant 128 : i32
    %mul3A_42 = arith.muli %add3A, %mul3A_41 : i32
    %mul3A_43 = arith.constant 16 : i32
    %mul3A_44 = arith.muli %mul3A_42, %mul3A_43 : i32
    "tpu.region"() ({
      %run_scoped3A = tpu.sem_alloc : memref<!tpu.dma_semaphore, #tpu.memory_space<semaphore_mem>>
      %dma_start3A = tpu.memref_slice %arg8[%mul3A_44] : memref<65536xi32, #tpu.memory_space<hbm>> -> memref<2048xi32, #tpu.memory_space<hbm>>
      %dma_start3A_49 = tpu.memref_slice %arg8[%mul3A_44] : memref<65536xi32, #tpu.memory_space<hbm>> -> memref<2048xi32, #tpu.memory_space<hbm>>
      tpu.enqueue_dma source(%arg20 : memref<2048xi32, #tpu.memory_space<vmem>>) target(%dma_start3A_49 : memref<2048xi32, #tpu.memory_space<hbm>>) target_semaphore(%run_scoped3A : memref<!tpu.dma_semaphore, #tpu.memory_space<semaphore_mem>>)
      %dma_wait3A = tpu.memref_slice %arg8[%mul3A_44] : memref<65536xi32, #tpu.memory_space<hbm>> -> memref<2048xi32, #tpu.memory_space<hbm>>
      %dma_wait3A_50 = tpu.memref_slice %arg8[%mul3A_44] : memref<65536xi32, #tpu.memory_space<hbm>> -> memref<2048xi32, #tpu.memory_space<hbm>>
      tpu.wait_dma2 semaphore(%run_scoped3A : memref<!tpu.dma_semaphore, #tpu.memory_space<semaphore_mem>>) src(%arg20 : memref<2048xi32, #tpu.memory_space<vmem>>) dst(%dma_wait3A_50 : memref<2048xi32, #tpu.memory_space<hbm>>)
      tpu.yield
    }) : () -> ()
    %mul3A_45 = arith.constant 128 : i32
    %mul3A_46 = arith.muli %add3A, %mul3A_45 : i32
    %mul3A_47 = arith.constant 32 : i32
    %mul3A_48 = arith.muli %mul3A_46, %mul3A_47 : i32
    "tpu.region"() ({
      %run_scoped3A = tpu.sem_alloc : memref<!tpu.dma_semaphore, #tpu.memory_space<semaphore_mem>>
      %dma_start3A = tpu.memref_slice %arg9[%mul3A_48] : memref<131072xi32, #tpu.memory_space<hbm>> -> memref<4096xi32, #tpu.memory_space<hbm>>
      %dma_start3A_49 = tpu.memref_slice %arg9[%mul3A_48] : memref<131072xi32, #tpu.memory_space<hbm>> -> memref<4096xi32, #tpu.memory_space<hbm>>
      tpu.enqueue_dma source(%arg21 : memref<4096xi32, #tpu.memory_space<vmem>>) target(%dma_start3A_49 : memref<4096xi32, #tpu.memory_space<hbm>>) target_semaphore(%run_scoped3A : memref<!tpu.dma_semaphore, #tpu.memory_space<semaphore_mem>>)
      %dma_wait3A = tpu.memref_slice %arg9[%mul3A_48] : memref<131072xi32, #tpu.memory_space<hbm>> -> memref<4096xi32, #tpu.memory_space<hbm>>
      %dma_wait3A_50 = tpu.memref_slice %arg9[%mul3A_48] : memref<131072xi32, #tpu.memory_space<hbm>> -> memref<4096xi32, #tpu.memory_space<hbm>>
      tpu.wait_dma2 semaphore(%run_scoped3A : memref<!tpu.dma_semaphore, #tpu.memory_space<semaphore_mem>>) src(%arg21 : memref<4096xi32, #tpu.memory_space<vmem>>) dst(%dma_wait3A_50 : memref<4096xi32, #tpu.memory_space<hbm>>)
      tpu.yield
    }) : () -> ()
    return
  }
}

module attributes {stable_mosaic.version = 14 : i64} {
  func.func @_fps_body(%arg0: memref<4x8192xf32, #tpu.memory_space<vmem>>, %arg1: memref<4x8192xf32, #tpu.memory_space<vmem>>, %arg2: memref<4x8192xf32, #tpu.memory_space<vmem>>, %arg3: memref<4x1024xf32, #tpu.memory_space<vmem>>, %arg4: memref<4x1024xf32, #tpu.memory_space<vmem>>, %arg5: memref<4x1024xf32, #tpu.memory_space<vmem>>, %arg6: memref<4x8192xf32, #tpu.memory_space<vmem>>) attributes {dimension_semantics = [], scalar_prefetch = 0 : i64, scratch_operands = 1 : i64, tpu.core_type = #tpu.core_type<tc>} {
    %get3A = arith.constant 0 : index
    %get3A_0 = arith.constant 0 : index
    %get3A_1 = vector.load %arg0[%get3A, %get3A_0] : memref<4x8192xf32, #tpu.memory_space<vmem>>, vector<4x8192xf32>
    %get3A_2 = arith.constant 0 : index
    %get3A_3 = arith.constant 0 : index
    %get3A_4 = vector.load %arg1[%get3A_2, %get3A_3] : memref<4x8192xf32, #tpu.memory_space<vmem>>, vector<4x8192xf32>
    %get3A_5 = arith.constant 0 : index
    %get3A_6 = arith.constant 0 : index
    %get3A_7 = vector.load %arg2[%get3A_5, %get3A_6] : memref<4x8192xf32, #tpu.memory_space<vmem>>, vector<4x8192xf32>
    %iota3A = tpu.iota {dimensions = array<i32: 1>} : vector<4x8192xi32>
    %iota3A_8 = tpu.iota {dimensions = array<i32: 1>} : vector<4x1024xi32>
    %broadcast_in_dim3A = arith.constant 1.000000e+10 : f32
    %broadcast_in_dim3A_9 = vector.broadcast %broadcast_in_dim3A : f32 to vector<4x8192xf32>
    %swap3A = arith.constant 0 : index
    %swap3A_10 = arith.constant 0 : index
    %swap3A_11 = vector.load %arg6[%swap3A, %swap3A_10] : memref<4x8192xf32, #tpu.memory_space<vmem>>, vector<4x8192xf32>
    tpu.vector_store %arg6[%swap3A, %swap3A_10], %broadcast_in_dim3A_9 {strides = array<i32>} : memref<4x8192xf32, #tpu.memory_space<vmem>>, vector<4x8192xf32>,
    %slice3A = vector.extract_strided_slice %get3A_1 {offsets = [0, 0], sizes = [4, 1], strides = [1, 1]} : vector<4x8192xf32> to vector<4x1xf32>
    %slice3A_12 = vector.extract_strided_slice %get3A_4 {offsets = [0, 0], sizes = [4, 1], strides = [1, 1]} : vector<4x8192xf32> to vector<4x1xf32>
    %slice3A_13 = vector.extract_strided_slice %get3A_7 {offsets = [0, 0], sizes = [4, 1], strides = [1, 1]} : vector<4x8192xf32> to vector<4x1xf32>
    %broadcast_in_dim3A_14 = vector.shape_cast %slice3A : vector<4x1xf32> to vector<4x1xf32>
    %broadcast_in_dim3A_15 = vector.broadcast %broadcast_in_dim3A_14 : vector<4x1xf32> to vector<4x1024xf32>
    %swap3A_16 = arith.constant 0 : index
    %swap3A_17 = arith.constant 0 : index
    %swap3A_18 = vector.load %arg3[%swap3A_16, %swap3A_17] : memref<4x1024xf32, #tpu.memory_space<vmem>>, vector<4x1024xf32>
    tpu.vector_store %arg3[%swap3A_16, %swap3A_17], %broadcast_in_dim3A_15 {strides = array<i32>} : memref<4x1024xf32, #tpu.memory_space<vmem>>, vector<4x1024xf32>,
    %broadcast_in_dim3A_19 = vector.shape_cast %slice3A_12 : vector<4x1xf32> to vector<4x1xf32>
    %broadcast_in_dim3A_20 = vector.broadcast %broadcast_in_dim3A_19 : vector<4x1xf32> to vector<4x1024xf32>
    %swap3A_21 = arith.constant 0 : index
    %swap3A_22 = arith.constant 0 : index
    %swap3A_23 = vector.load %arg4[%swap3A_21, %swap3A_22] : memref<4x1024xf32, #tpu.memory_space<vmem>>, vector<4x1024xf32>
    tpu.vector_store %arg4[%swap3A_21, %swap3A_22], %broadcast_in_dim3A_20 {strides = array<i32>} : memref<4x1024xf32, #tpu.memory_space<vmem>>, vector<4x1024xf32>,
    %broadcast_in_dim3A_24 = vector.shape_cast %slice3A_13 : vector<4x1xf32> to vector<4x1xf32>
    %broadcast_in_dim3A_25 = vector.broadcast %broadcast_in_dim3A_24 : vector<4x1xf32> to vector<4x1024xf32>
    %swap3A_26 = arith.constant 0 : index
    %swap3A_27 = arith.constant 0 : index
    %swap3A_28 = vector.load %arg5[%swap3A_26, %swap3A_27] : memref<4x1024xf32, #tpu.memory_space<vmem>>, vector<4x1024xf32>
    tpu.vector_store %arg5[%swap3A_26, %swap3A_27], %broadcast_in_dim3A_25 {strides = array<i32>} : memref<4x1024xf32, #tpu.memory_space<vmem>>, vector<4x1024xf32>,
    %scan3A = arith.constant 1 : i32
    %scan3A_29 = arith.constant 1023 : i32
    %scan3A_30 = arith.addi %scan3A, %scan3A_29 : i32
    %scan3A_31 = arith.constant 1 : i32
    %scan3A_32:3 = scf.for %scan3A_34 = %scan3A to %scan3A_30 step %scan3A_31 iter_args(%scan3A_35 = %slice3A, %scan3A_36 = %slice3A_12, %scan3A_37 = %slice3A_13) -> (vector<4x1xf32>, vector<4x1xf32>, vector<4x1xf32>)  : i32 {
      %sub3A = vector.broadcast %scan3A_35 : vector<4x1xf32> to vector<4x8192xf32>
      %sub3A_38 = arith.subf %get3A_1, %sub3A : vector<4x8192xf32>
      %sub3A_39 = vector.broadcast %scan3A_36 : vector<4x1xf32> to vector<4x8192xf32>
      %sub3A_40 = arith.subf %get3A_4, %sub3A_39 : vector<4x8192xf32>
      %sub3A_41 = vector.broadcast %scan3A_37 : vector<4x1xf32> to vector<4x8192xf32>
      %sub3A_42 = arith.subf %get3A_7, %sub3A_41 : vector<4x8192xf32>
      %mul3A = arith.mulf %sub3A_38, %sub3A_38 : vector<4x8192xf32>
      %mul3A_43 = arith.mulf %sub3A_40, %sub3A_40 : vector<4x8192xf32>
      %add3A = arith.addf %mul3A, %mul3A_43 : vector<4x8192xf32>
      %mul3A_44 = arith.mulf %sub3A_42, %sub3A_42 : vector<4x8192xf32>
      %add3A_45 = arith.addf %add3A, %mul3A_44 : vector<4x8192xf32>
      %get3A_46 = arith.constant 0 : index
      %get3A_47 = arith.constant 0 : index
      %get3A_48 = vector.load %arg6[%get3A_46, %get3A_47] : memref<4x8192xf32, #tpu.memory_space<vmem>>, vector<4x8192xf32>
      %min3A = arith.minimumf %get3A_48, %add3A_45 : vector<4x8192xf32>
      %swap3A_49 = arith.constant 0 : index
      %swap3A_50 = arith.constant 0 : index
      %swap3A_51 = vector.load %arg6[%swap3A_49, %swap3A_50] : memref<4x8192xf32, #tpu.memory_space<vmem>>, vector<4x8192xf32>
      tpu.vector_store %arg6[%swap3A_49, %swap3A_50], %min3A {strides = array<i32>} : memref<4x8192xf32, #tpu.memory_space<vmem>>, vector<4x8192xf32>,
      %reduce_max3A = arith.constant dense<0xFF800000> : vector<4xf32>
      %reduce_max3A_52 = vector.multi_reduction <maximumf>, %min3A, %reduce_max3A [1] : vector<4x8192xf32> to vector<4xf32>
      %broadcast_in_dim3A_53 = vector.shape_cast %reduce_max3A_52 : vector<4xf32> to vector<4x1xf32>
      %eq3A = vector.broadcast %broadcast_in_dim3A_53 : vector<4x1xf32> to vector<4x8192xf32>
      %eq3A_54 = arith.cmpf oeq, %min3A, %eq3A : vector<4x8192xf32>
      %jit3A = arith.constant 8192 : i32
      %broadcast_in_dim3A_55 = vector.broadcast %jit3A : i32 to vector<4x8192xi32>
      %select_n3A = arith.select %eq3A_54, %iota3A, %broadcast_in_dim3A_55 : vector<4x8192xi1>, vector<4x8192xi32>
      %reduce_min3A = arith.constant dense<2147483647> : vector<4xi32>
      %reduce_min3A_56 = vector.multi_reduction <minsi>, %select_n3A, %reduce_min3A [1] : vector<4x8192xi32> to vector<4xi32>
      %broadcast_in_dim3A_57 = vector.shape_cast %reduce_min3A_56 : vector<4xi32> to vector<4x1xi32>
      %eq3A_58 = vector.broadcast %broadcast_in_dim3A_57 : vector<4x1xi32> to vector<4x8192xi32>
      %eq3A_59 = arith.cmpi eq, %iota3A, %eq3A_58 : vector<4x8192xi32>
      %jit3A_60 = arith.constant 0.000000e+00 : f32
      %broadcast_in_dim3A_61 = vector.broadcast %jit3A_60 : f32 to vector<4x8192xf32>
      %select_n3A_62 = arith.select %eq3A_59, %get3A_1, %broadcast_in_dim3A_61 : vector<4x8192xi1>, vector<4x8192xf32>
      %reduce_sum3A = arith.constant dense<0.000000e+00> : vector<4xf32>
      %reduce_sum3A_63 = vector.multi_reduction <add>, %select_n3A_62, %reduce_sum3A [1] : vector<4x8192xf32> to vector<4xf32>
      %broadcast_in_dim3A_64 = vector.shape_cast %reduce_sum3A_63 : vector<4xf32> to vector<4x1xf32>
      %jit3A_65 = arith.constant 0.000000e+00 : f32
      %broadcast_in_dim3A_66 = vector.broadcast %jit3A_65 : f32 to vector<4x8192xf32>
      %select_n3A_67 = arith.select %eq3A_59, %get3A_4, %broadcast_in_dim3A_66 : vector<4x8192xi1>, vector<4x8192xf32>
      %reduce_sum3A_68 = arith.constant dense<0.000000e+00> : vector<4xf32>
      %reduce_sum3A_69 = vector.multi_reduction <add>, %select_n3A_67, %reduce_sum3A_68 [1] : vector<4x8192xf32> to vector<4xf32>
      %broadcast_in_dim3A_70 = vector.shape_cast %reduce_sum3A_69 : vector<4xf32> to vector<4x1xf32>
      %jit3A_71 = arith.constant 0.000000e+00 : f32
      %broadcast_in_dim3A_72 = vector.broadcast %jit3A_71 : f32 to vector<4x8192xf32>
      %select_n3A_73 = arith.select %eq3A_59, %get3A_7, %broadcast_in_dim3A_72 : vector<4x8192xi1>, vector<4x8192xf32>
      %reduce_sum3A_74 = arith.constant dense<0.000000e+00> : vector<4xf32>
      %reduce_sum3A_75 = vector.multi_reduction <add>, %select_n3A_73, %reduce_sum3A_74 [1] : vector<4x8192xf32> to vector<4xf32>
      %broadcast_in_dim3A_76 = vector.shape_cast %reduce_sum3A_75 : vector<4xf32> to vector<4x1xf32>
      %eq3A_77 = vector.broadcast %scan3A_34 : i32 to vector<4x1024xi32>
      %eq3A_78 = arith.cmpi eq, %iota3A_8, %eq3A_77 : vector<4x1024xi32>
      %get3A_79 = arith.constant 0 : index
      %get3A_80 = arith.constant 0 : index
      %get3A_81 = vector.load %arg3[%get3A_79, %get3A_80] : memref<4x1024xf32, #tpu.memory_space<vmem>>, vector<4x1024xf32>
      %broadcast_in_dim3A_82 = vector.shape_cast %broadcast_in_dim3A_64 : vector<4x1xf32> to vector<4x1xf32>
      %broadcast_in_dim3A_83 = vector.broadcast %broadcast_in_dim3A_82 : vector<4x1xf32> to vector<4x1024xf32>
      %select_n3A_84 = arith.select %eq3A_78, %broadcast_in_dim3A_83, %get3A_81 : vector<4x1024xi1>, vector<4x1024xf32>
      %swap3A_85 = arith.constant 0 : index
      %swap3A_86 = arith.constant 0 : index
      %swap3A_87 = vector.load %arg3[%swap3A_85, %swap3A_86] : memref<4x1024xf32, #tpu.memory_space<vmem>>, vector<4x1024xf32>
      tpu.vector_store %arg3[%swap3A_85, %swap3A_86], %select_n3A_84 {strides = array<i32>} : memref<4x1024xf32, #tpu.memory_space<vmem>>, vector<4x1024xf32>,
      %get3A_88 = arith.constant 0 : index
      %get3A_89 = arith.constant 0 : index
      %get3A_90 = vector.load %arg4[%get3A_88, %get3A_89] : memref<4x1024xf32, #tpu.memory_space<vmem>>, vector<4x1024xf32>
      %broadcast_in_dim3A_91 = vector.shape_cast %broadcast_in_dim3A_70 : vector<4x1xf32> to vector<4x1xf32>
      %broadcast_in_dim3A_92 = vector.broadcast %broadcast_in_dim3A_91 : vector<4x1xf32> to vector<4x1024xf32>
      %select_n3A_93 = arith.select %eq3A_78, %broadcast_in_dim3A_92, %get3A_90 : vector<4x1024xi1>, vector<4x1024xf32>
      %swap3A_94 = arith.constant 0 : index
      %swap3A_95 = arith.constant 0 : index
      %swap3A_96 = vector.load %arg4[%swap3A_94, %swap3A_95] : memref<4x1024xf32, #tpu.memory_space<vmem>>, vector<4x1024xf32>
      tpu.vector_store %arg4[%swap3A_94, %swap3A_95], %select_n3A_93 {strides = array<i32>} : memref<4x1024xf32, #tpu.memory_space<vmem>>, vector<4x1024xf32>,
      %get3A_97 = arith.constant 0 : index
      %get3A_98 = arith.constant 0 : index
      %get3A_99 = vector.load %arg5[%get3A_97, %get3A_98] : memref<4x1024xf32, #tpu.memory_space<vmem>>, vector<4x1024xf32>
      %broadcast_in_dim3A_100 = vector.shape_cast %broadcast_in_dim3A_76 : vector<4x1xf32> to vector<4x1xf32>
      %broadcast_in_dim3A_101 = vector.broadcast %broadcast_in_dim3A_100 : vector<4x1xf32> to vector<4x1024xf32>
      %select_n3A_102 = arith.select %eq3A_78, %broadcast_in_dim3A_101, %get3A_99 : vector<4x1024xi1>, vector<4x1024xf32>
      %swap3A_103 = arith.constant 0 : index
      %swap3A_104 = arith.constant 0 : index
      %swap3A_105 = vector.load %arg5[%swap3A_103, %swap3A_104] : memref<4x1024xf32, #tpu.memory_space<vmem>>, vector<4x1024xf32>
      tpu.vector_store %arg5[%swap3A_103, %swap3A_104], %select_n3A_102 {strides = array<i32>} : memref<4x1024xf32, #tpu.memory_space<vmem>>, vector<4x1024xf32>,
      scf.yield %broadcast_in_dim3A_64, %broadcast_in_dim3A_70, %broadcast_in_dim3A_76 : vector<4x1xf32>, vector<4x1xf32>, vector<4x1xf32>
    }
    %scan3A_33 = arith.constant 1023 : i32
    return
  }
}

module attributes {stable_mosaic.version = 14 : i64} {
  func.func @_d1_body(%arg0: i32, %arg1: memref<512x80xf32, #tpu.memory_space<vmem>>, %arg2: memref<512x8xf32, #tpu.memory_space<vmem>>, %arg3: memref<16x32xf32, #tpu.memory_space<vmem>>, %arg4: memref<2x32xf32, #tpu.memory_space<vmem>>) attributes {dimension_semantics = [#tpu.dimension_semantics<arbitrary>], iteration_bounds = array<i64: 128>, scalar_prefetch = 0 : i64, scratch_operands = 0 : i64, tpu.core_type = #tpu.core_type<tc>, window_params = [{transform_indices = @transform_0, window_bounds = array<i64: 512, 80>}, {transform_indices = @transform_1, window_bounds = array<i64: 512, 8>}, {pipeline_mode = #tpu.pipeline_mode<synchronous>, transform_indices = @transform_2, window_bounds = array<i64: 16, 32>}, {pipeline_mode = #tpu.pipeline_mode<synchronous>, transform_indices = @transform_3, window_bounds = array<i64: 2, 32>}]} {
    %get3A = arith.constant 0 : index
    %get3A_0 = arith.constant 0 : index
    %get3A_1 = vector.load %arg1[%get3A, %get3A_0] : memref<512x80xf32, #tpu.memory_space<vmem>>, vector<512x80xf32>
    %get3A_2 = arith.constant 0 : index
    %get3A_3 = arith.constant 0 : index
    %get3A_4 = vector.load %arg2[%get3A_2, %get3A_3] : memref<512x8xf32, #tpu.memory_space<vmem>>, vector<512x8xf32>
    %get3A_5 = arith.constant 0 : index
    %get3A_6 = arith.constant 0 : index
    %get3A_7 = vector.load %arg3[%get3A_5, %get3A_6] : memref<16x32xf32, #tpu.memory_space<vmem>>, vector<16x32xf32>
    %slice3A = vector.extract_strided_slice %get3A_1 {offsets = [0, 0], sizes = [512, 3], strides = [1, 1]} : vector<512x80xf32> to vector<512x3xf32>
    %slice3A_8 = vector.extract_strided_slice %get3A_4 {offsets = [0, 0], sizes = [512, 3], strides = [1, 1]} : vector<512x8xf32> to vector<512x3xf32>
    %sub3A = arith.subf %slice3A, %slice3A_8 : vector<512x3xf32>
    %slice3A_9 = vector.extract_strided_slice %sub3A {offsets = [0, 0], sizes = [512, 1], strides = [1, 1]} : vector<512x3xf32> to vector<512x1xf32>
    %slice3A_10 = vector.extract_strided_slice %sub3A {offsets = [0, 1], sizes = [512, 1], strides = [1, 1]} : vector<512x3xf32> to vector<512x1xf32>
    %slice3A_11 = vector.extract_strided_slice %sub3A {offsets = [0, 2], sizes = [512, 1], strides = [1, 1]} : vector<512x3xf32> to vector<512x1xf32>
    %mul3A = arith.mulf %slice3A_9, %slice3A_9 : vector<512x1xf32>
    %mul3A_12 = arith.mulf %slice3A_10, %slice3A_10 : vector<512x1xf32>
    %add3A = arith.addf %mul3A, %mul3A_12 : vector<512x1xf32>
    %mul3A_13 = arith.mulf %slice3A_11, %slice3A_11 : vector<512x1xf32>
    %add3A_14 = arith.addf %add3A, %mul3A_13 : vector<512x1xf32>
    %add3A_15 = arith.constant 9.99999996E-13 : f32
    %add3A_16 = vector.broadcast %add3A_15 : f32 to vector<512x1xf32>
    %add3A_17 = arith.addf %add3A_14, %add3A_16 : vector<512x1xf32>
    %sqrt3A = math.sqrt %add3A_17 : vector<512x1xf32>
    %slice3A_18 = vector.extract_strided_slice %get3A_7 {offsets = [15, 0], sizes = [1, 32], strides = [1, 1]} : vector<16x32xf32> to vector<1x32xf32>
    %convert_element_type3A = arith.truncf %sqrt3A : vector<512x1xf32> to vector<512x1xbf16>
    %convert_element_type3A_19 = arith.extf %convert_element_type3A : vector<512x1xbf16> to vector<512x1xf32>
    %slice3A_20 = vector.extract_strided_slice %get3A_7 {offsets = [0, 0], sizes = [1, 32], strides = [1, 1]} : vector<16x32xf32> to vector<1x32xf32>
    %convert_element_type3A_21 = arith.truncf %slice3A_20 : vector<1x32xf32> to vector<1x32xbf16>
    %convert_element_type3A_22 = arith.extf %convert_element_type3A_21 : vector<1x32xbf16> to vector<1x32xf32>
    %mul3A_23 = vector.broadcast %convert_element_type3A_19 : vector<512x1xf32> to vector<512x32xf32>
    %mul3A_24 = vector.broadcast %convert_element_type3A_22 : vector<1x32xf32> to vector<512x32xf32>
    %mul3A_25 = arith.mulf %mul3A_23, %mul3A_24 : vector<512x32xf32>
    %add3A_26 = vector.broadcast %slice3A_18 : vector<1x32xf32> to vector<512x32xf32>
    %add3A_27 = arith.addf %add3A_26, %mul3A_25 : vector<512x32xf32>
    %slice3A_28 = vector.extract_strided_slice %get3A_4 {offsets = [0, 3], sizes = [512, 1], strides = [1, 1]} : vector<512x8xf32> to vector<512x1xf32>
    %convert_element_type3A_29 = arith.truncf %slice3A_28 : vector<512x1xf32> to vector<512x1xbf16>
    %convert_element_type3A_30 = arith.extf %convert_element_type3A_29 : vector<512x1xbf16> to vector<512x1xf32>
    %slice3A_31 = vector.extract_strided_slice %get3A_7 {offsets = [1, 0], sizes = [1, 32], strides = [1, 1]} : vector<16x32xf32> to vector<1x32xf32>
    %convert_element_type3A_32 = arith.truncf %slice3A_31 : vector<1x32xf32> to vector<1x32xbf16>
    %convert_element_type3A_33 = arith.extf %convert_element_type3A_32 : vector<1x32xbf16> to vector<1x32xf32>
    %mul3A_34 = vector.broadcast %convert_element_type3A_30 : vector<512x1xf32> to vector<512x32xf32>
    %mul3A_35 = vector.broadcast %convert_element_type3A_33 : vector<1x32xf32> to vector<512x32xf32>
    %mul3A_36 = arith.mulf %mul3A_34, %mul3A_35 : vector<512x32xf32>
    %add3A_37 = arith.addf %add3A_27, %mul3A_36 : vector<512x32xf32>
    %slice3A_38 = vector.extract_strided_slice %get3A_4 {offsets = [0, 4], sizes = [512, 1], strides = [1, 1]} : vector<512x8xf32> to vector<512x1xf32>
    %convert_element_type3A_39 = arith.truncf %slice3A_38 : vector<512x1xf32> to vector<512x1xbf16>
    %convert_element_type3A_40 = arith.extf %convert_element_type3A_39 : vector<512x1xbf16> to vector<512x1xf32>
    %slice3A_41 = vector.extract_strided_slice %get3A_7 {offsets = [2, 0], sizes = [1, 32], strides = [1, 1]} : vector<16x32xf32> to vector<1x32xf32>
    %convert_element_type3A_42 = arith.truncf %slice3A_41 : vector<1x32xf32> to vector<1x32xbf16>
    %convert_element_type3A_43 = arith.extf %convert_element_type3A_42 : vector<1x32xbf16> to vector<1x32xf32>
    %mul3A_44 = vector.broadcast %convert_element_type3A_40 : vector<512x1xf32> to vector<512x32xf32>
    %mul3A_45 = vector.broadcast %convert_element_type3A_43 : vector<1x32xf32> to vector<512x32xf32>
    %mul3A_46 = arith.mulf %mul3A_44, %mul3A_45 : vector<512x32xf32>
    %add3A_47 = arith.addf %add3A_37, %mul3A_46 : vector<512x32xf32>
    %slice3A_48 = vector.extract_strided_slice %get3A_4 {offsets = [0, 5], sizes = [512, 1], strides = [1, 1]} : vector<512x8xf32> to vector<512x1xf32>
    %convert_element_type3A_49 = arith.truncf %slice3A_48 : vector<512x1xf32> to vector<512x1xbf16>
    %convert_element_type3A_50 = arith.extf %convert_element_type3A_49 : vector<512x1xbf16> to vector<512x1xf32>
    %slice3A_51 = vector.extract_strided_slice %get3A_7 {offsets = [3, 0], sizes = [1, 32], strides = [1, 1]} : vector<16x32xf32> to vector<1x32xf32>
    %convert_element_type3A_52 = arith.truncf %slice3A_51 : vector<1x32xf32> to vector<1x32xbf16>
    %convert_element_type3A_53 = arith.extf %convert_element_type3A_52 : vector<1x32xbf16> to vector<1x32xf32>
    %mul3A_54 = vector.broadcast %convert_element_type3A_50 : vector<512x1xf32> to vector<512x32xf32>
    %mul3A_55 = vector.broadcast %convert_element_type3A_53 : vector<1x32xf32> to vector<512x32xf32>
    %mul3A_56 = arith.mulf %mul3A_54, %mul3A_55 : vector<512x32xf32>
    %add3A_57 = arith.addf %add3A_47, %mul3A_56 : vector<512x32xf32>
    %slice3A_58 = vector.extract_strided_slice %get3A_1 {offsets = [0, 0], sizes = [512, 1], strides = [1, 1]} : vector<512x80xf32> to vector<512x1xf32>
    %convert_element_type3A_59 = arith.truncf %slice3A_58 : vector<512x1xf32> to vector<512x1xbf16>
    %convert_element_type3A_60 = arith.extf %convert_element_type3A_59 : vector<512x1xbf16> to vector<512x1xf32>
    %slice3A_61 = vector.extract_strided_slice %get3A_7 {offsets = [4, 0], sizes = [1, 32], strides = [1, 1]} : vector<16x32xf32> to vector<1x32xf32>
    %convert_element_type3A_62 = arith.truncf %slice3A_61 : vector<1x32xf32> to vector<1x32xbf16>
    %convert_element_type3A_63 = arith.extf %convert_element_type3A_62 : vector<1x32xbf16> to vector<1x32xf32>
    %mul3A_64 = vector.broadcast %convert_element_type3A_60 : vector<512x1xf32> to vector<512x32xf32>
    %mul3A_65 = vector.broadcast %convert_element_type3A_63 : vector<1x32xf32> to vector<512x32xf32>
    %mul3A_66 = arith.mulf %mul3A_64, %mul3A_65 : vector<512x32xf32>
    %add3A_67 = arith.addf %add3A_57, %mul3A_66 : vector<512x32xf32>
    %slice3A_68 = vector.extract_strided_slice %get3A_1 {offsets = [0, 1], sizes = [512, 1], strides = [1, 1]} : vector<512x80xf32> to vector<512x1xf32>
    %convert_element_type3A_69 = arith.truncf %slice3A_68 : vector<512x1xf32> to vector<512x1xbf16>
    %convert_element_type3A_70 = arith.extf %convert_element_type3A_69 : vector<512x1xbf16> to vector<512x1xf32>
    %slice3A_71 = vector.extract_strided_slice %get3A_7 {offsets = [5, 0], sizes = [1, 32], strides = [1, 1]} : vector<16x32xf32> to vector<1x32xf32>
    %convert_element_type3A_72 = arith.truncf %slice3A_71 : vector<1x32xf32> to vector<1x32xbf16>
    %convert_element_type3A_73 = arith.extf %convert_element_type3A_72 : vector<1x32xbf16> to vector<1x32xf32>
    %mul3A_74 = vector.broadcast %convert_element_type3A_70 : vector<512x1xf32> to vector<512x32xf32>
    %mul3A_75 = vector.broadcast %convert_element_type3A_73 : vector<1x32xf32> to vector<512x32xf32>
    %mul3A_76 = arith.mulf %mul3A_74, %mul3A_75 : vector<512x32xf32>
    %add3A_77 = arith.addf %add3A_67, %mul3A_76 : vector<512x32xf32>
    %slice3A_78 = vector.extract_strided_slice %get3A_1 {offsets = [0, 2], sizes = [512, 1], strides = [1, 1]} : vector<512x80xf32> to vector<512x1xf32>
    %convert_element_type3A_79 = arith.truncf %slice3A_78 : vector<512x1xf32> to vector<512x1xbf16>
    %convert_element_type3A_80 = arith.extf %convert_element_type3A_79 : vector<512x1xbf16> to vector<512x1xf32>
    %slice3A_81 = vector.extract_strided_slice %get3A_7 {offsets = [6, 0], sizes = [1, 32], strides = [1, 1]} : vector<16x32xf32> to vector<1x32xf32>
    %convert_element_type3A_82 = arith.truncf %slice3A_81 : vector<1x32xf32> to vector<1x32xbf16>
    %convert_element_type3A_83 = arith.extf %convert_element_type3A_82 : vector<1x32xbf16> to vector<1x32xf32>
    %mul3A_84 = vector.broadcast %convert_element_type3A_80 : vector<512x1xf32> to vector<512x32xf32>
    %mul3A_85 = vector.broadcast %convert_element_type3A_83 : vector<1x32xf32> to vector<512x32xf32>
    %mul3A_86 = arith.mulf %mul3A_84, %mul3A_85 : vector<512x32xf32>
    %add3A_87 = arith.addf %add3A_77, %mul3A_86 : vector<512x32xf32>
    %convert_element_type3A_88 = arith.truncf %slice3A_9 : vector<512x1xf32> to vector<512x1xbf16>
    %convert_element_type3A_89 = arith.extf %convert_element_type3A_88 : vector<512x1xbf16> to vector<512x1xf32>
    %slice3A_90 = vector.extract_strided_slice %get3A_7 {offsets = [7, 0], sizes = [1, 32], strides = [1, 1]} : vector<16x32xf32> to vector<1x32xf32>
    %convert_element_type3A_91 = arith.truncf %slice3A_90 : vector<1x32xf32> to vector<1x32xbf16>
    %convert_element_type3A_92 = arith.extf %convert_element_type3A_91 : vector<1x32xbf16> to vector<1x32xf32>
    %mul3A_93 = vector.broadcast %convert_element_type3A_89 : vector<512x1xf32> to vector<512x32xf32>
    %mul3A_94 = vector.broadcast %convert_element_type3A_92 : vector<1x32xf32> to vector<512x32xf32>
    %mul3A_95 = arith.mulf %mul3A_93, %mul3A_94 : vector<512x32xf32>
    %add3A_96 = arith.addf %add3A_87, %mul3A_95 : vector<512x32xf32>
    %convert_element_type3A_97 = arith.truncf %slice3A_10 : vector<512x1xf32> to vector<512x1xbf16>
    %convert_element_type3A_98 = arith.extf %convert_element_type3A_97 : vector<512x1xbf16> to vector<512x1xf32>
    %slice3A_99 = vector.extract_strided_slice %get3A_7 {offsets = [8, 0], sizes = [1, 32], strides = [1, 1]} : vector<16x32xf32> to vector<1x32xf32>
    %convert_element_type3A_100 = arith.truncf %slice3A_99 : vector<1x32xf32> to vector<1x32xbf16>
    %convert_element_type3A_101 = arith.extf %convert_element_type3A_100 : vector<1x32xbf16> to vector<1x32xf32>
    %mul3A_102 = vector.broadcast %convert_element_type3A_98 : vector<512x1xf32> to vector<512x32xf32>
    %mul3A_103 = vector.broadcast %convert_element_type3A_101 : vector<1x32xf32> to vector<512x32xf32>
    %mul3A_104 = arith.mulf %mul3A_102, %mul3A_103 : vector<512x32xf32>
    %add3A_105 = arith.addf %add3A_96, %mul3A_104 : vector<512x32xf32>
    %convert_element_type3A_106 = arith.truncf %slice3A_11 : vector<512x1xf32> to vector<512x1xbf16>
    %convert_element_type3A_107 = arith.extf %convert_element_type3A_106 : vector<512x1xbf16> to vector<512x1xf32>
    %slice3A_108 = vector.extract_strided_slice %get3A_7 {offsets = [9, 0], sizes = [1, 32], strides = [1, 1]} : vector<16x32xf32> to vector<1x32xf32>
    %convert_element_type3A_109 = arith.truncf %slice3A_108 : vector<1x32xf32> to vector<1x32xbf16>
    %convert_element_type3A_110 = arith.extf %convert_element_type3A_109 : vector<1x32xbf16> to vector<1x32xf32>
    %mul3A_111 = vector.broadcast %convert_element_type3A_107 : vector<512x1xf32> to vector<512x32xf32>
    %mul3A_112 = vector.broadcast %convert_element_type3A_110 : vector<1x32xf32> to vector<512x32xf32>
    %mul3A_113 = arith.mulf %mul3A_111, %mul3A_112 : vector<512x32xf32>
    %add3A_114 = arith.addf %add3A_105, %mul3A_113 : vector<512x32xf32>
    %reduce_sum3A = arith.constant dense<0.000000e+00> : vector<32xf32>
    %reduce_sum3A_115 = vector.multi_reduction <add>, %add3A_114, %reduce_sum3A [0] : vector<512x32xf32> to vector<32xf32>
    %broadcast_in_dim3A = vector.shape_cast %reduce_sum3A_115 : vector<32xf32> to vector<1x32xf32>
    %mul3A_116 = arith.mulf %add3A_114, %add3A_114 : vector<512x32xf32>
    %reduce_sum3A_117 = arith.constant dense<0.000000e+00> : vector<32xf32>
    %reduce_sum3A_118 = vector.multi_reduction <add>, %mul3A_116, %reduce_sum3A_117 [0] : vector<512x32xf32> to vector<32xf32>
    %broadcast_in_dim3A_119 = vector.shape_cast %reduce_sum3A_118 : vector<32xf32> to vector<1x32xf32>
    %concatenate3A = tpu.concatenate %broadcast_in_dim3A, %broadcast_in_dim3A_119 in 0 : vector<1x32xf32>, vector<1x32xf32> -> vector<2x32xf32>
    %eq3A = arith.constant 0 : i32
    %eq3A_120 = arith.cmpi eq, %arg0, %eq3A : i32
    %convert_element_type3A_121 = arith.extui %eq3A_120 : i1 to i32
    %cond3A = arith.constant 0 : i32
    %cond3A_122 = arith.cmpi ne, %convert_element_type3A_121, %cond3A : i32
    scf.if %cond3A_122 {
      %swap3A = arith.constant 0 : index
      %swap3A_127 = arith.constant 0 : index
      %swap3A_128 = vector.load %arg4[%swap3A, %swap3A_127] : memref<2x32xf32, #tpu.memory_space<vmem>>, vector<2x32xf32>
      tpu.vector_store %arg4[%swap3A, %swap3A_127], %concatenate3A {strides = array<i32>} : memref<2x32xf32, #tpu.memory_space<vmem>>, vector<2x32xf32>,
    } else {
    }
    %ne3A = arith.constant 0 : i32
    %ne3A_123 = arith.cmpi ne, %arg0, %ne3A : i32
    %convert_element_type3A_124 = arith.extui %ne3A_123 : i1 to i32
    %cond3A_125 = arith.constant 0 : i32
    %cond3A_126 = arith.cmpi ne, %convert_element_type3A_124, %cond3A_125 : i32
    scf.if %cond3A_126 {
      %get3A_127 = arith.constant 0 : index
      %get3A_128 = arith.constant 0 : index
      %get3A_129 = vector.load %arg4[%get3A_127, %get3A_128] : memref<2x32xf32, #tpu.memory_space<vmem>>, vector<2x32xf32>
      %add3A_130 = arith.addf %get3A_129, %concatenate3A : vector<2x32xf32>
      %swap3A = arith.constant 0 : index
      %swap3A_131 = arith.constant 0 : index
      %swap3A_132 = vector.load %arg4[%swap3A, %swap3A_131] : memref<2x32xf32, #tpu.memory_space<vmem>>, vector<2x32xf32>
      tpu.vector_store %arg4[%swap3A, %swap3A_131], %add3A_130 {strides = array<i32>} : memref<2x32xf32, #tpu.memory_space<vmem>>, vector<2x32xf32>,
    } else {
    }
    return
  }
  func.func @transform_0(%arg0: i32) -> (i32, i32) {
    %c0_i32 = arith.constant 0 : i32
    %c0_i32_0 = arith.constant 0 : i32
    return %arg0, %c0_i32 : i32, i32
  }
  func.func @transform_1(%arg0: i32) -> (i32, i32) {
    %c0_i32 = arith.constant 0 : i32
    %c0_i32_0 = arith.constant 0 : i32
    return %arg0, %c0_i32 : i32, i32
  }
  func.func @transform_2(%arg0: i32) -> (i32, i32) {
    %c0_i32 = arith.constant 0 : i32
    %c0_i32_0 = arith.constant 0 : i32
    %c0_i32_1 = arith.constant 0 : i32
    return %c0_i32, %c0_i32_0 : i32, i32
  }
  func.func @transform_3(%arg0: i32) -> (i32, i32) {
    %c0_i32 = arith.constant 0 : i32
    %c0_i32_0 = arith.constant 0 : i32
    %c0_i32_1 = arith.constant 0 : i32
    return %c0_i32, %c0_i32_0 : i32, i32
  }
}

module attributes {stable_mosaic.version = 14 : i64} {
  func.func @_d2_body(%arg0: i32, %arg1: memref<512x80xf32, #tpu.memory_space<vmem>>, %arg2: memref<512x8xf32, #tpu.memory_space<vmem>>, %arg3: memref<16x32xf32, #tpu.memory_space<vmem>>, %arg4: memref<2x32xf32, #tpu.memory_space<vmem>>, %arg5: memref<32x128xf32, #tpu.memory_space<vmem>>, %arg6: memref<1x128xf32, #tpu.memory_space<vmem>>, %arg7: memref<32x128xf32, #tpu.memory_space<vmem>>, %arg8: memref<2x128xf32, #tpu.memory_space<vmem>>) attributes {dimension_semantics = [#tpu.dimension_semantics<arbitrary>], iteration_bounds = array<i64: 128>, scalar_prefetch = 0 : i64, scratch_operands = 0 : i64, tpu.core_type = #tpu.core_type<tc>, window_params = [{transform_indices = @transform_0, window_bounds = array<i64: 512, 80>}, {transform_indices = @transform_1, window_bounds = array<i64: 512, 8>}, {pipeline_mode = #tpu.pipeline_mode<synchronous>, transform_indices = @transform_2, window_bounds = array<i64: 16, 32>}, {pipeline_mode = #tpu.pipeline_mode<synchronous>, transform_indices = @transform_3, window_bounds = array<i64: 2, 32>}, {pipeline_mode = #tpu.pipeline_mode<synchronous>, transform_indices = @transform_4, window_bounds = array<i64: 32, 128>}, {pipeline_mode = #tpu.pipeline_mode<synchronous>, transform_indices = @transform_5, window_bounds = array<i64: 1, 128>}, {transform_indices = @transform_6, window_bounds = array<i64: 32, 128>}, {pipeline_mode = #tpu.pipeline_mode<synchronous>, transform_indices = @transform_7, window_bounds = array<i64: 2, 128>}]} {
    %get3A = arith.constant 0 : index
    %get3A_0 = arith.constant 0 : index
    %get3A_1 = vector.load %arg1[%get3A, %get3A_0] : memref<512x80xf32, #tpu.memory_space<vmem>>, vector<512x80xf32>
    %get3A_2 = arith.constant 0 : index
    %get3A_3 = arith.constant 0 : index
    %get3A_4 = vector.load %arg2[%get3A_2, %get3A_3] : memref<512x8xf32, #tpu.memory_space<vmem>>, vector<512x8xf32>
    %get3A_5 = arith.constant 0 : index
    %get3A_6 = arith.constant 0 : index
    %get3A_7 = vector.load %arg3[%get3A_5, %get3A_6] : memref<16x32xf32, #tpu.memory_space<vmem>>, vector<16x32xf32>
    %slice3A = vector.extract_strided_slice %get3A_1 {offsets = [0, 0], sizes = [512, 3], strides = [1, 1]} : vector<512x80xf32> to vector<512x3xf32>
    %slice3A_8 = vector.extract_strided_slice %get3A_4 {offsets = [0, 0], sizes = [512, 3], strides = [1, 1]} : vector<512x8xf32> to vector<512x3xf32>
    %sub3A = arith.subf %slice3A, %slice3A_8 : vector<512x3xf32>
    %slice3A_9 = vector.extract_strided_slice %sub3A {offsets = [0, 0], sizes = [512, 1], strides = [1, 1]} : vector<512x3xf32> to vector<512x1xf32>
    %slice3A_10 = vector.extract_strided_slice %sub3A {offsets = [0, 1], sizes = [512, 1], strides = [1, 1]} : vector<512x3xf32> to vector<512x1xf32>
    %slice3A_11 = vector.extract_strided_slice %sub3A {offsets = [0, 2], sizes = [512, 1], strides = [1, 1]} : vector<512x3xf32> to vector<512x1xf32>
    %mul3A = arith.mulf %slice3A_9, %slice3A_9 : vector<512x1xf32>
    %mul3A_12 = arith.mulf %slice3A_10, %slice3A_10 : vector<512x1xf32>
    %add3A = arith.addf %mul3A, %mul3A_12 : vector<512x1xf32>
    %mul3A_13 = arith.mulf %slice3A_11, %slice3A_11 : vector<512x1xf32>
    %add3A_14 = arith.addf %add3A, %mul3A_13 : vector<512x1xf32>
    %add3A_15 = arith.constant 9.99999996E-13 : f32
    %add3A_16 = vector.broadcast %add3A_15 : f32 to vector<512x1xf32>
    %add3A_17 = arith.addf %add3A_14, %add3A_16 : vector<512x1xf32>
    %sqrt3A = math.sqrt %add3A_17 : vector<512x1xf32>
    %slice3A_18 = vector.extract_strided_slice %get3A_7 {offsets = [15, 0], sizes = [1, 32], strides = [1, 1]} : vector<16x32xf32> to vector<1x32xf32>
    %convert_element_type3A = arith.truncf %sqrt3A : vector<512x1xf32> to vector<512x1xbf16>
    %convert_element_type3A_19 = arith.extf %convert_element_type3A : vector<512x1xbf16> to vector<512x1xf32>
    %slice3A_20 = vector.extract_strided_slice %get3A_7 {offsets = [0, 0], sizes = [1, 32], strides = [1, 1]} : vector<16x32xf32> to vector<1x32xf32>
    %convert_element_type3A_21 = arith.truncf %slice3A_20 : vector<1x32xf32> to vector<1x32xbf16>
    %convert_element_type3A_22 = arith.extf %convert_element_type3A_21 : vector<1x32xbf16> to vector<1x32xf32>
    %mul3A_23 = vector.broadcast %convert_element_type3A_19 : vector<512x1xf32> to vector<512x32xf32>
    %mul3A_24 = vector.broadcast %convert_element_type3A_22 : vector<1x32xf32> to vector<512x32xf32>
    %mul3A_25 = arith.mulf %mul3A_23, %mul3A_24 : vector<512x32xf32>
    %add3A_26 = vector.broadcast %slice3A_18 : vector<1x32xf32> to vector<512x32xf32>
    %add3A_27 = arith.addf %add3A_26, %mul3A_25 : vector<512x32xf32>
    %slice3A_28 = vector.extract_strided_slice %get3A_4 {offsets = [0, 3], sizes = [512, 1], strides = [1, 1]} : vector<512x8xf32> to vector<512x1xf32>
    %convert_element_type3A_29 = arith.truncf %slice3A_28 : vector<512x1xf32> to vector<512x1xbf16>
    %convert_element_type3A_30 = arith.extf %convert_element_type3A_29 : vector<512x1xbf16> to vector<512x1xf32>
    %slice3A_31 = vector.extract_strided_slice %get3A_7 {offsets = [1, 0], sizes = [1, 32], strides = [1, 1]} : vector<16x32xf32> to vector<1x32xf32>
    %convert_element_type3A_32 = arith.truncf %slice3A_31 : vector<1x32xf32> to vector<1x32xbf16>
    %convert_element_type3A_33 = arith.extf %convert_element_type3A_32 : vector<1x32xbf16> to vector<1x32xf32>
    %mul3A_34 = vector.broadcast %convert_element_type3A_30 : vector<512x1xf32> to vector<512x32xf32>
    %mul3A_35 = vector.broadcast %convert_element_type3A_33 : vector<1x32xf32> to vector<512x32xf32>
    %mul3A_36 = arith.mulf %mul3A_34, %mul3A_35 : vector<512x32xf32>
    %add3A_37 = arith.addf %add3A_27, %mul3A_36 : vector<512x32xf32>
    %slice3A_38 = vector.extract_strided_slice %get3A_4 {offsets = [0, 4], sizes = [512, 1], strides = [1, 1]} : vector<512x8xf32> to vector<512x1xf32>
    %convert_element_type3A_39 = arith.truncf %slice3A_38 : vector<512x1xf32> to vector<512x1xbf16>
    %convert_element_type3A_40 = arith.extf %convert_element_type3A_39 : vector<512x1xbf16> to vector<512x1xf32>
    %slice3A_41 = vector.extract_strided_slice %get3A_7 {offsets = [2, 0], sizes = [1, 32], strides = [1, 1]} : vector<16x32xf32> to vector<1x32xf32>
    %convert_element_type3A_42 = arith.truncf %slice3A_41 : vector<1x32xf32> to vector<1x32xbf16>
    %convert_element_type3A_43 = arith.extf %convert_element_type3A_42 : vector<1x32xbf16> to vector<1x32xf32>
    %mul3A_44 = vector.broadcast %convert_element_type3A_40 : vector<512x1xf32> to vector<512x32xf32>
    %mul3A_45 = vector.broadcast %convert_element_type3A_43 : vector<1x32xf32> to vector<512x32xf32>
    %mul3A_46 = arith.mulf %mul3A_44, %mul3A_45 : vector<512x32xf32>
    %add3A_47 = arith.addf %add3A_37, %mul3A_46 : vector<512x32xf32>
    %slice3A_48 = vector.extract_strided_slice %get3A_4 {offsets = [0, 5], sizes = [512, 1], strides = [1, 1]} : vector<512x8xf32> to vector<512x1xf32>
    %convert_element_type3A_49 = arith.truncf %slice3A_48 : vector<512x1xf32> to vector<512x1xbf16>
    %convert_element_type3A_50 = arith.extf %convert_element_type3A_49 : vector<512x1xbf16> to vector<512x1xf32>
    %slice3A_51 = vector.extract_strided_slice %get3A_7 {offsets = [3, 0], sizes = [1, 32], strides = [1, 1]} : vector<16x32xf32> to vector<1x32xf32>
    %convert_element_type3A_52 = arith.truncf %slice3A_51 : vector<1x32xf32> to vector<1x32xbf16>
    %convert_element_type3A_53 = arith.extf %convert_element_type3A_52 : vector<1x32xbf16> to vector<1x32xf32>
    %mul3A_54 = vector.broadcast %convert_element_type3A_50 : vector<512x1xf32> to vector<512x32xf32>
    %mul3A_55 = vector.broadcast %convert_element_type3A_53 : vector<1x32xf32> to vector<512x32xf32>
    %mul3A_56 = arith.mulf %mul3A_54, %mul3A_55 : vector<512x32xf32>
    %add3A_57 = arith.addf %add3A_47, %mul3A_56 : vector<512x32xf32>
    %slice3A_58 = vector.extract_strided_slice %get3A_1 {offsets = [0, 0], sizes = [512, 1], strides = [1, 1]} : vector<512x80xf32> to vector<512x1xf32>
    %convert_element_type3A_59 = arith.truncf %slice3A_58 : vector<512x1xf32> to vector<512x1xbf16>
    %convert_element_type3A_60 = arith.extf %convert_element_type3A_59 : vector<512x1xbf16> to vector<512x1xf32>
    %slice3A_61 = vector.extract_strided_slice %get3A_7 {offsets = [4, 0], sizes = [1, 32], strides = [1, 1]} : vector<16x32xf32> to vector<1x32xf32>
    %convert_element_type3A_62 = arith.truncf %slice3A_61 : vector<1x32xf32> to vector<1x32xbf16>
    %convert_element_type3A_63 = arith.extf %convert_element_type3A_62 : vector<1x32xbf16> to vector<1x32xf32>
    %mul3A_64 = vector.broadcast %convert_element_type3A_60 : vector<512x1xf32> to vector<512x32xf32>
    %mul3A_65 = vector.broadcast %convert_element_type3A_63 : vector<1x32xf32> to vector<512x32xf32>
    %mul3A_66 = arith.mulf %mul3A_64, %mul3A_65 : vector<512x32xf32>
    %add3A_67 = arith.addf %add3A_57, %mul3A_66 : vector<512x32xf32>
    %slice3A_68 = vector.extract_strided_slice %get3A_1 {offsets = [0, 1], sizes = [512, 1], strides = [1, 1]} : vector<512x80xf32> to vector<512x1xf32>
    %convert_element_type3A_69 = arith.truncf %slice3A_68 : vector<512x1xf32> to vector<512x1xbf16>
    %convert_element_type3A_70 = arith.extf %convert_element_type3A_69 : vector<512x1xbf16> to vector<512x1xf32>
    %slice3A_71 = vector.extract_strided_slice %get3A_7 {offsets = [5, 0], sizes = [1, 32], strides = [1, 1]} : vector<16x32xf32> to vector<1x32xf32>
    %convert_element_type3A_72 = arith.truncf %slice3A_71 : vector<1x32xf32> to vector<1x32xbf16>
    %convert_element_type3A_73 = arith.extf %convert_element_type3A_72 : vector<1x32xbf16> to vector<1x32xf32>
    %mul3A_74 = vector.broadcast %convert_element_type3A_70 : vector<512x1xf32> to vector<512x32xf32>
    %mul3A_75 = vector.broadcast %convert_element_type3A_73 : vector<1x32xf32> to vector<512x32xf32>
    %mul3A_76 = arith.mulf %mul3A_74, %mul3A_75 : vector<512x32xf32>
    %add3A_77 = arith.addf %add3A_67, %mul3A_76 : vector<512x32xf32>
    %slice3A_78 = vector.extract_strided_slice %get3A_1 {offsets = [0, 2], sizes = [512, 1], strides = [1, 1]} : vector<512x80xf32> to vector<512x1xf32>
    %convert_element_type3A_79 = arith.truncf %slice3A_78 : vector<512x1xf32> to vector<512x1xbf16>
    %convert_element_type3A_80 = arith.extf %convert_element_type3A_79 : vector<512x1xbf16> to vector<512x1xf32>
    %slice3A_81 = vector.extract_strided_slice %get3A_7 {offsets = [6, 0], sizes = [1, 32], strides = [1, 1]} : vector<16x32xf32> to vector<1x32xf32>
    %convert_element_type3A_82 = arith.truncf %slice3A_81 : vector<1x32xf32> to vector<1x32xbf16>
    %convert_element_type3A_83 = arith.extf %convert_element_type3A_82 : vector<1x32xbf16> to vector<1x32xf32>
    %mul3A_84 = vector.broadcast %convert_element_type3A_80 : vector<512x1xf32> to vector<512x32xf32>
    %mul3A_85 = vector.broadcast %convert_element_type3A_83 : vector<1x32xf32> to vector<512x32xf32>
    %mul3A_86 = arith.mulf %mul3A_84, %mul3A_85 : vector<512x32xf32>
    %add3A_87 = arith.addf %add3A_77, %mul3A_86 : vector<512x32xf32>
    %convert_element_type3A_88 = arith.truncf %slice3A_9 : vector<512x1xf32> to vector<512x1xbf16>
    %convert_element_type3A_89 = arith.extf %convert_element_type3A_88 : vector<512x1xbf16> to vector<512x1xf32>
    %slice3A_90 = vector.extract_strided_slice %get3A_7 {offsets = [7, 0], sizes = [1, 32], strides = [1, 1]} : vector<16x32xf32> to vector<1x32xf32>
    %convert_element_type3A_91 = arith.truncf %slice3A_90 : vector<1x32xf32> to vector<1x32xbf16>
    %convert_element_type3A_92 = arith.extf %convert_element_type3A_91 : vector<1x32xbf16> to vector<1x32xf32>
    %mul3A_93 = vector.broadcast %convert_element_type3A_89 : vector<512x1xf32> to vector<512x32xf32>
    %mul3A_94 = vector.broadcast %convert_element_type3A_92 : vector<1x32xf32> to vector<512x32xf32>
    %mul3A_95 = arith.mulf %mul3A_93, %mul3A_94 : vector<512x32xf32>
    %add3A_96 = arith.addf %add3A_87, %mul3A_95 : vector<512x32xf32>
    %convert_element_type3A_97 = arith.truncf %slice3A_10 : vector<512x1xf32> to vector<512x1xbf16>
    %convert_element_type3A_98 = arith.extf %convert_element_type3A_97 : vector<512x1xbf16> to vector<512x1xf32>
    %slice3A_99 = vector.extract_strided_slice %get3A_7 {offsets = [8, 0], sizes = [1, 32], strides = [1, 1]} : vector<16x32xf32> to vector<1x32xf32>
    %convert_element_type3A_100 = arith.truncf %slice3A_99 : vector<1x32xf32> to vector<1x32xbf16>
    %convert_element_type3A_101 = arith.extf %convert_element_type3A_100 : vector<1x32xbf16> to vector<1x32xf32>
    %mul3A_102 = vector.broadcast %convert_element_type3A_98 : vector<512x1xf32> to vector<512x32xf32>
    %mul3A_103 = vector.broadcast %convert_element_type3A_101 : vector<1x32xf32> to vector<512x32xf32>
    %mul3A_104 = arith.mulf %mul3A_102, %mul3A_103 : vector<512x32xf32>
    %add3A_105 = arith.addf %add3A_96, %mul3A_104 : vector<512x32xf32>
    %convert_element_type3A_106 = arith.truncf %slice3A_11 : vector<512x1xf32> to vector<512x1xbf16>
    %convert_element_type3A_107 = arith.extf %convert_element_type3A_106 : vector<512x1xbf16> to vector<512x1xf32>
    %slice3A_108 = vector.extract_strided_slice %get3A_7 {offsets = [9, 0], sizes = [1, 32], strides = [1, 1]} : vector<16x32xf32> to vector<1x32xf32>
    %convert_element_type3A_109 = arith.truncf %slice3A_108 : vector<1x32xf32> to vector<1x32xbf16>
    %convert_element_type3A_110 = arith.extf %convert_element_type3A_109 : vector<1x32xbf16> to vector<1x32xf32>
    %mul3A_111 = vector.broadcast %convert_element_type3A_107 : vector<512x1xf32> to vector<512x32xf32>
    %mul3A_112 = vector.broadcast %convert_element_type3A_110 : vector<1x32xf32> to vector<512x32xf32>
    %mul3A_113 = arith.mulf %mul3A_111, %mul3A_112 : vector<512x32xf32>
    %add3A_114 = arith.addf %add3A_105, %mul3A_113 : vector<512x32xf32>
    %get3A_115 = arith.constant 0 : index
    %get3A_116 = arith.constant 0 : index
    %get3A_117 = vector.load %arg4[%get3A_115, %get3A_116] : memref<2x32xf32, #tpu.memory_space<vmem>>, vector<2x32xf32>
    %slice3A_118 = vector.extract_strided_slice %get3A_117 {offsets = [0, 0], sizes = [1, 32], strides = [1, 1]} : vector<2x32xf32> to vector<1x32xf32>
    %mul3A_119 = arith.constant 1.52587891E-5 : f32
    %mul3A_120 = vector.broadcast %mul3A_119 : f32 to vector<1x32xf32>
    %mul3A_121 = arith.mulf %slice3A_118, %mul3A_120 : vector<1x32xf32>
    %slice3A_122 = vector.extract_strided_slice %get3A_117 {offsets = [1, 0], sizes = [1, 32], strides = [1, 1]} : vector<2x32xf32> to vector<1x32xf32>
    %mul3A_123 = arith.constant 1.52587891E-5 : f32
    %mul3A_124 = vector.broadcast %mul3A_123 : f32 to vector<1x32xf32>
    %mul3A_125 = arith.mulf %slice3A_122, %mul3A_124 : vector<1x32xf32>
    %mul3A_126 = arith.mulf %mul3A_121, %mul3A_121 : vector<1x32xf32>
    %sub3A_127 = arith.subf %mul3A_125, %mul3A_126 : vector<1x32xf32>
    %add3A_128 = arith.constant 9.99999974E-6 : f32
    %add3A_129 = vector.broadcast %add3A_128 : f32 to vector<1x32xf32>
    %add3A_130 = arith.addf %sub3A_127, %add3A_129 : vector<1x32xf32>
    %sqrt3A_131 = math.sqrt %add3A_130 : vector<1x32xf32>
    %div3A = arith.constant 1.000000e+00 : f32
    %div3A_132 = vector.broadcast %div3A : f32 to vector<1x32xf32>
    %div3A_133 = arith.divf %div3A_132, %sqrt3A_131 : vector<1x32xf32>
    %sub3A_134 = vector.broadcast %mul3A_121 : vector<1x32xf32> to vector<512x32xf32>
    %sub3A_135 = arith.subf %add3A_114, %sub3A_134 : vector<512x32xf32>
    %mul3A_136 = vector.broadcast %div3A_133 : vector<1x32xf32> to vector<512x32xf32>
    %mul3A_137 = arith.mulf %sub3A_135, %mul3A_136 : vector<512x32xf32>
    %max3A = arith.constant 0.000000e+00 : f32
    %max3A_138 = vector.broadcast %max3A : f32 to vector<512x32xf32>
    %max3A_139 = arith.maximumf %mul3A_137, %max3A_138 : vector<512x32xf32>
    %convert_element_type3A_140 = arith.truncf %max3A_139 : vector<512x32xf32> to vector<512x32xbf16>
    %convert_element_type3A_141 = arith.extf %convert_element_type3A_140 : vector<512x32xbf16> to vector<512x32xf32>
    %get3A_142 = arith.constant 0 : index
    %get3A_143 = arith.constant 0 : index
    %get3A_144 = vector.load %arg5[%get3A_142, %get3A_143] : memref<32x128xf32, #tpu.memory_space<vmem>>, vector<32x128xf32>
    %convert_element_type3A_145 = arith.truncf %get3A_144 : vector<32x128xf32> to vector<32x128xbf16>
    %convert_element_type3A_146 = arith.extf %convert_element_type3A_145 : vector<32x128xbf16> to vector<32x128xf32>
    %dot_general3A = arith.constant dense<0.000000e+00> : vector<512x128xf32>
    %dot_general3A_147 = tpu.matmul %convert_element_type3A_141, %convert_element_type3A_146, %dot_general3A {dimension_numbers = #tpu.dot_dimension_numbers<[1], [0], [0], [1], [0, 0, 1, 1], [], []>, precision = #tpu.contract_precision<fp32>, transpose_lhs_hint = false} : vector<512x32xf32>, vector<32x128xf32>, vector<512x128xf32> -> vector<512x128xf32>
    %get3A_148 = arith.constant 0 : index
    %get3A_149 = arith.constant 0 : index
    %get3A_150 = vector.load %arg6[%get3A_148, %get3A_149] : memref<1x128xf32, #tpu.memory_space<vmem>>, vector<1x128xf32>
    %add3A_151 = vector.broadcast %get3A_150 : vector<1x128xf32> to vector<512x128xf32>
    %add3A_152 = arith.addf %dot_general3A_147, %add3A_151 : vector<512x128xf32>
    %get3A_153 = arith.constant 0 : index
    %get3A_154 = arith.constant 16 : index
    %get3A_155 = vector.load %arg1[%get3A_153, %get3A_154] : memref<512x80xf32, #tpu.memory_space<vmem>>, vector<512x64xf32>
    %broadcast_in_dim3A = arith.constant 0.000000e+00 : f32
    %broadcast_in_dim3A_156 = vector.broadcast %broadcast_in_dim3A : f32 to vector<512x61xf32>
    %concatenate3A = tpu.concatenate %sub3A, %get3A_155, %broadcast_in_dim3A_156 in 1 : vector<512x3xf32>, vector<512x64xf32>, vector<512x61xf32> -> vector<512x128xf32>
    %mul3A_157 = arith.mulf %add3A_152, %concatenate3A : vector<512x128xf32>
    %reduce_sum3A = arith.constant dense<0.000000e+00> : vector<128xf32>
    %reduce_sum3A_158 = vector.multi_reduction <add>, %mul3A_157, %reduce_sum3A [0] : vector<512x128xf32> to vector<128xf32>
    %broadcast_in_dim3A_159 = vector.shape_cast %reduce_sum3A_158 : vector<128xf32> to vector<1x128xf32>
    %mul3A_160 = arith.mulf %mul3A_157, %mul3A_157 : vector<512x128xf32>
    %reduce_sum3A_161 = arith.constant dense<0.000000e+00> : vector<128xf32>
    %reduce_sum3A_162 = vector.multi_reduction <add>, %mul3A_160, %reduce_sum3A_161 [0] : vector<512x128xf32> to vector<128xf32>
    %broadcast_in_dim3A_163 = vector.shape_cast %reduce_sum3A_162 : vector<128xf32> to vector<1x128xf32>
    %concatenate3A_164 = tpu.concatenate %broadcast_in_dim3A_159, %broadcast_in_dim3A_163 in 0 : vector<1x128xf32>, vector<1x128xf32> -> vector<2x128xf32>
    %eq3A = arith.constant 0 : i32
    %eq3A_165 = arith.cmpi eq, %arg0, %eq3A : i32
    %convert_element_type3A_166 = arith.extui %eq3A_165 : i1 to i32
    %cond3A = arith.constant 0 : i32
    %cond3A_167 = arith.cmpi ne, %convert_element_type3A_166, %cond3A : i32
    scf.if %cond3A_167 {
      %swap3A_394 = arith.constant 0 : index
      %swap3A_395 = arith.constant 0 : index
      %swap3A_396 = vector.load %arg8[%swap3A_394, %swap3A_395] : memref<2x128xf32, #tpu.memory_space<vmem>>, vector<2x128xf32>
      tpu.vector_store %arg8[%swap3A_394, %swap3A_395], %concatenate3A_164 {strides = array<i32>} : memref<2x128xf32, #tpu.memory_space<vmem>>, vector<2x128xf32>,
    } else {
    }
    %ne3A = arith.constant 0 : i32
    %ne3A_168 = arith.cmpi ne, %arg0, %ne3A : i32
    %convert_element_type3A_169 = arith.extui %ne3A_168 : i1 to i32
    %cond3A_170 = arith.constant 0 : i32
    %cond3A_171 = arith.cmpi ne, %convert_element_type3A_169, %cond3A_170 : i32
    scf.if %cond3A_171 {
      %get3A_394 = arith.constant 0 : index
      %get3A_395 = arith.constant 0 : index
      %get3A_396 = vector.load %arg8[%get3A_394, %get3A_395] : memref<2x128xf32, #tpu.memory_space<vmem>>, vector<2x128xf32>
      %add3A_397 = arith.addf %get3A_396, %concatenate3A_164 : vector<2x128xf32>
      %swap3A_398 = arith.constant 0 : index
      %swap3A_399 = arith.constant 0 : index
      %swap3A_400 = vector.load %arg8[%swap3A_398, %swap3A_399] : memref<2x128xf32, #tpu.memory_space<vmem>>, vector<2x128xf32>
      tpu.vector_store %arg8[%swap3A_398, %swap3A_399], %add3A_397 {strides = array<i32>} : memref<2x128xf32, #tpu.memory_space<vmem>>, vector<2x128xf32>,
    } else {
    }
    %slice3A_172 = vector.extract_strided_slice %mul3A_157 {offsets = [0, 0], sizes = [16, 128], strides = [1, 1]} : vector<512x128xf32> to vector<16x128xf32>
    %reduce_max3A = arith.constant dense<0xFF800000> : vector<128xf32>
    %reduce_max3A_173 = vector.multi_reduction <maximumf>, %slice3A_172, %reduce_max3A [0] : vector<16x128xf32> to vector<128xf32>
    %broadcast_in_dim3A_174 = vector.shape_cast %reduce_max3A_173 : vector<128xf32> to vector<1x128xf32>
    %swap3A = arith.constant 0 : index
    %swap3A_175 = arith.constant 0 : index
    %swap3A_176 = vector.load %arg7[%swap3A, %swap3A_175] : memref<32x128xf32, #tpu.memory_space<vmem>>, vector<1x128xf32>
    tpu.vector_store %arg7[%swap3A, %swap3A_175], %broadcast_in_dim3A_174 {strides = array<i32>} : memref<32x128xf32, #tpu.memory_space<vmem>>, vector<1x128xf32>,
    %slice3A_177 = vector.extract_strided_slice %mul3A_157 {offsets = [16, 0], sizes = [16, 128], strides = [1, 1]} : vector<512x128xf32> to vector<16x128xf32>
    %reduce_max3A_178 = arith.constant dense<0xFF800000> : vector<128xf32>
    %reduce_max3A_179 = vector.multi_reduction <maximumf>, %slice3A_177, %reduce_max3A_178 [0] : vector<16x128xf32> to vector<128xf32>
    %broadcast_in_dim3A_180 = vector.shape_cast %reduce_max3A_179 : vector<128xf32> to vector<1x128xf32>
    %swap3A_181 = arith.constant 1 : index
    %swap3A_182 = arith.constant 0 : index
    %swap3A_183 = vector.load %arg7[%swap3A_181, %swap3A_182] : memref<32x128xf32, #tpu.memory_space<vmem>>, vector<1x128xf32>
    tpu.vector_store %arg7[%swap3A_181, %swap3A_182], %broadcast_in_dim3A_180 {strides = array<i32>} : memref<32x128xf32, #tpu.memory_space<vmem>>, vector<1x128xf32>,
    %slice3A_184 = vector.extract_strided_slice %mul3A_157 {offsets = [32, 0], sizes = [16, 128], strides = [1, 1]} : vector<512x128xf32> to vector<16x128xf32>
    %reduce_max3A_185 = arith.constant dense<0xFF800000> : vector<128xf32>
    %reduce_max3A_186 = vector.multi_reduction <maximumf>, %slice3A_184, %reduce_max3A_185 [0] : vector<16x128xf32> to vector<128xf32>
    %broadcast_in_dim3A_187 = vector.shape_cast %reduce_max3A_186 : vector<128xf32> to vector<1x128xf32>
    %swap3A_188 = arith.constant 2 : index
    %swap3A_189 = arith.constant 0 : index
    %swap3A_190 = vector.load %arg7[%swap3A_188, %swap3A_189] : memref<32x128xf32, #tpu.memory_space<vmem>>, vector<1x128xf32>
    tpu.vector_store %arg7[%swap3A_188, %swap3A_189], %broadcast_in_dim3A_187 {strides = array<i32>} : memref<32x128xf32, #tpu.memory_space<vmem>>, vector<1x128xf32>,
    %slice3A_191 = vector.extract_strided_slice %mul3A_157 {offsets = [48, 0], sizes = [16, 128], strides = [1, 1]} : vector<512x128xf32> to vector<16x128xf32>
    %reduce_max3A_192 = arith.constant dense<0xFF800000> : vector<128xf32>
    %reduce_max3A_193 = vector.multi_reduction <maximumf>, %slice3A_191, %reduce_max3A_192 [0] : vector<16x128xf32> to vector<128xf32>
    %broadcast_in_dim3A_194 = vector.shape_cast %reduce_max3A_193 : vector<128xf32> to vector<1x128xf32>
    %swap3A_195 = arith.constant 3 : index
    %swap3A_196 = arith.constant 0 : index
    %swap3A_197 = vector.load %arg7[%swap3A_195, %swap3A_196] : memref<32x128xf32, #tpu.memory_space<vmem>>, vector<1x128xf32>
    tpu.vector_store %arg7[%swap3A_195, %swap3A_196], %broadcast_in_dim3A_194 {strides = array<i32>} : memref<32x128xf32, #tpu.memory_space<vmem>>, vector<1x128xf32>,
    %slice3A_198 = vector.extract_strided_slice %mul3A_157 {offsets = [64, 0], sizes = [16, 128], strides = [1, 1]} : vector<512x128xf32> to vector<16x128xf32>
    %reduce_max3A_199 = arith.constant dense<0xFF800000> : vector<128xf32>
    %reduce_max3A_200 = vector.multi_reduction <maximumf>, %slice3A_198, %reduce_max3A_199 [0] : vector<16x128xf32> to vector<128xf32>
    %broadcast_in_dim3A_201 = vector.shape_cast %reduce_max3A_200 : vector<128xf32> to vector<1x128xf32>
    %swap3A_202 = arith.constant 4 : index
    %swap3A_203 = arith.constant 0 : index
    %swap3A_204 = vector.load %arg7[%swap3A_202, %swap3A_203] : memref<32x128xf32, #tpu.memory_space<vmem>>, vector<1x128xf32>
    tpu.vector_store %arg7[%swap3A_202, %swap3A_203], %broadcast_in_dim3A_201 {strides = array<i32>} : memref<32x128xf32, #tpu.memory_space<vmem>>, vector<1x128xf32>,
    %slice3A_205 = vector.extract_strided_slice %mul3A_157 {offsets = [80, 0], sizes = [16, 128], strides = [1, 1]} : vector<512x128xf32> to vector<16x128xf32>
    %reduce_max3A_206 = arith.constant dense<0xFF800000> : vector<128xf32>
    %reduce_max3A_207 = vector.multi_reduction <maximumf>, %slice3A_205, %reduce_max3A_206 [0] : vector<16x128xf32> to vector<128xf32>
    %broadcast_in_dim3A_208 = vector.shape_cast %reduce_max3A_207 : vector<128xf32> to vector<1x128xf32>
    %swap3A_209 = arith.constant 5 : index
    %swap3A_210 = arith.constant 0 : index
    %swap3A_211 = vector.load %arg7[%swap3A_209, %swap3A_210] : memref<32x128xf32, #tpu.memory_space<vmem>>, vector<1x128xf32>
    tpu.vector_store %arg7[%swap3A_209, %swap3A_210], %broadcast_in_dim3A_208 {strides = array<i32>} : memref<32x128xf32, #tpu.memory_space<vmem>>, vector<1x128xf32>,
    %slice3A_212 = vector.extract_strided_slice %mul3A_157 {offsets = [96, 0], sizes = [16, 128], strides = [1, 1]} : vector<512x128xf32> to vector<16x128xf32>
    %reduce_max3A_213 = arith.constant dense<0xFF800000> : vector<128xf32>
    %reduce_max3A_214 = vector.multi_reduction <maximumf>, %slice3A_212, %reduce_max3A_213 [0] : vector<16x128xf32> to vector<128xf32>
    %broadcast_in_dim3A_215 = vector.shape_cast %reduce_max3A_214 : vector<128xf32> to vector<1x128xf32>
    %swap3A_216 = arith.constant 6 : index
    %swap3A_217 = arith.constant 0 : index
    %swap3A_218 = vector.load %arg7[%swap3A_216, %swap3A_217] : memref<32x128xf32, #tpu.memory_space<vmem>>, vector<1x128xf32>
    tpu.vector_store %arg7[%swap3A_216, %swap3A_217], %broadcast_in_dim3A_215 {strides = array<i32>} : memref<32x128xf32, #tpu.memory_space<vmem>>, vector<1x128xf32>,
    %slice3A_219 = vector.extract_strided_slice %mul3A_157 {offsets = [112, 0], sizes = [16, 128], strides = [1, 1]} : vector<512x128xf32> to vector<16x128xf32>
    %reduce_max3A_220 = arith.constant dense<0xFF800000> : vector<128xf32>
    %reduce_max3A_221 = vector.multi_reduction <maximumf>, %slice3A_219, %reduce_max3A_220 [0] : vector<16x128xf32> to vector<128xf32>
    %broadcast_in_dim3A_222 = vector.shape_cast %reduce_max3A_221 : vector<128xf32> to vector<1x128xf32>
    %swap3A_223 = arith.constant 7 : index
    %swap3A_224 = arith.constant 0 : index
    %swap3A_225 = vector.load %arg7[%swap3A_223, %swap3A_224] : memref<32x128xf32, #tpu.memory_space<vmem>>, vector<1x128xf32>
    tpu.vector_store %arg7[%swap3A_223, %swap3A_224], %broadcast_in_dim3A_222 {strides = array<i32>} : memref<32x128xf32, #tpu.memory_space<vmem>>, vector<1x128xf32>,
    %slice3A_226 = vector.extract_strided_slice %mul3A_157 {offsets = [128, 0], sizes = [16, 128], strides = [1, 1]} : vector<512x128xf32> to vector<16x128xf32>
    %reduce_max3A_227 = arith.constant dense<0xFF800000> : vector<128xf32>
    %reduce_max3A_228 = vector.multi_reduction <maximumf>, %slice3A_226, %reduce_max3A_227 [0] : vector<16x128xf32> to vector<128xf32>
    %broadcast_in_dim3A_229 = vector.shape_cast %reduce_max3A_228 : vector<128xf32> to vector<1x128xf32>
    %swap3A_230 = arith.constant 8 : index
    %swap3A_231 = arith.constant 0 : index
    %swap3A_232 = vector.load %arg7[%swap3A_230, %swap3A_231] : memref<32x128xf32, #tpu.memory_space<vmem>>, vector<1x128xf32>
    tpu.vector_store %arg7[%swap3A_230, %swap3A_231], %broadcast_in_dim3A_229 {strides = array<i32>} : memref<32x128xf32, #tpu.memory_space<vmem>>, vector<1x128xf32>,
    %slice3A_233 = vector.extract_strided_slice %mul3A_157 {offsets = [144, 0], sizes = [16, 128], strides = [1, 1]} : vector<512x128xf32> to vector<16x128xf32>
    %reduce_max3A_234 = arith.constant dense<0xFF800000> : vector<128xf32>
    %reduce_max3A_235 = vector.multi_reduction <maximumf>, %slice3A_233, %reduce_max3A_234 [0] : vector<16x128xf32> to vector<128xf32>
    %broadcast_in_dim3A_236 = vector.shape_cast %reduce_max3A_235 : vector<128xf32> to vector<1x128xf32>
    %swap3A_237 = arith.constant 9 : index
    %swap3A_238 = arith.constant 0 : index
    %swap3A_239 = vector.load %arg7[%swap3A_237, %swap3A_238] : memref<32x128xf32, #tpu.memory_space<vmem>>, vector<1x128xf32>
    tpu.vector_store %arg7[%swap3A_237, %swap3A_238], %broadcast_in_dim3A_236 {strides = array<i32>} : memref<32x128xf32, #tpu.memory_space<vmem>>, vector<1x128xf32>,
    %slice3A_240 = vector.extract_strided_slice %mul3A_157 {offsets = [160, 0], sizes = [16, 128], strides = [1, 1]} : vector<512x128xf32> to vector<16x128xf32>
    %reduce_max3A_241 = arith.constant dense<0xFF800000> : vector<128xf32>
    %reduce_max3A_242 = vector.multi_reduction <maximumf>, %slice3A_240, %reduce_max3A_241 [0] : vector<16x128xf32> to vector<128xf32>
    %broadcast_in_dim3A_243 = vector.shape_cast %reduce_max3A_242 : vector<128xf32> to vector<1x128xf32>
    %swap3A_244 = arith.constant 10 : index
    %swap3A_245 = arith.constant 0 : index
    %swap3A_246 = vector.load %arg7[%swap3A_244, %swap3A_245] : memref<32x128xf32, #tpu.memory_space<vmem>>, vector<1x128xf32>
    tpu.vector_store %arg7[%swap3A_244, %swap3A_245], %broadcast_in_dim3A_243 {strides = array<i32>} : memref<32x128xf32, #tpu.memory_space<vmem>>, vector<1x128xf32>,
    %slice3A_247 = vector.extract_strided_slice %mul3A_157 {offsets = [176, 0], sizes = [16, 128], strides = [1, 1]} : vector<512x128xf32> to vector<16x128xf32>
    %reduce_max3A_248 = arith.constant dense<0xFF800000> : vector<128xf32>
    %reduce_max3A_249 = vector.multi_reduction <maximumf>, %slice3A_247, %reduce_max3A_248 [0] : vector<16x128xf32> to vector<128xf32>
    %broadcast_in_dim3A_250 = vector.shape_cast %reduce_max3A_249 : vector<128xf32> to vector<1x128xf32>
    %swap3A_251 = arith.constant 11 : index
    %swap3A_252 = arith.constant 0 : index
    %swap3A_253 = vector.load %arg7[%swap3A_251, %swap3A_252] : memref<32x128xf32, #tpu.memory_space<vmem>>, vector<1x128xf32>
    tpu.vector_store %arg7[%swap3A_251, %swap3A_252], %broadcast_in_dim3A_250 {strides = array<i32>} : memref<32x128xf32, #tpu.memory_space<vmem>>, vector<1x128xf32>,
    %slice3A_254 = vector.extract_strided_slice %mul3A_157 {offsets = [192, 0], sizes = [16, 128], strides = [1, 1]} : vector<512x128xf32> to vector<16x128xf32>
    %reduce_max3A_255 = arith.constant dense<0xFF800000> : vector<128xf32>
    %reduce_max3A_256 = vector.multi_reduction <maximumf>, %slice3A_254, %reduce_max3A_255 [0] : vector<16x128xf32> to vector<128xf32>
    %broadcast_in_dim3A_257 = vector.shape_cast %reduce_max3A_256 : vector<128xf32> to vector<1x128xf32>
    %swap3A_258 = arith.constant 12 : index
    %swap3A_259 = arith.constant 0 : index
    %swap3A_260 = vector.load %arg7[%swap3A_258, %swap3A_259] : memref<32x128xf32, #tpu.memory_space<vmem>>, vector<1x128xf32>
    tpu.vector_store %arg7[%swap3A_258, %swap3A_259], %broadcast_in_dim3A_257 {strides = array<i32>} : memref<32x128xf32, #tpu.memory_space<vmem>>, vector<1x128xf32>,
    %slice3A_261 = vector.extract_strided_slice %mul3A_157 {offsets = [208, 0], sizes = [16, 128], strides = [1, 1]} : vector<512x128xf32> to vector<16x128xf32>
    %reduce_max3A_262 = arith.constant dense<0xFF800000> : vector<128xf32>
    %reduce_max3A_263 = vector.multi_reduction <maximumf>, %slice3A_261, %reduce_max3A_262 [0] : vector<16x128xf32> to vector<128xf32>
    %broadcast_in_dim3A_264 = vector.shape_cast %reduce_max3A_263 : vector<128xf32> to vector<1x128xf32>
    %swap3A_265 = arith.constant 13 : index
    %swap3A_266 = arith.constant 0 : index
    %swap3A_267 = vector.load %arg7[%swap3A_265, %swap3A_266] : memref<32x128xf32, #tpu.memory_space<vmem>>, vector<1x128xf32>
    tpu.vector_store %arg7[%swap3A_265, %swap3A_266], %broadcast_in_dim3A_264 {strides = array<i32>} : memref<32x128xf32, #tpu.memory_space<vmem>>, vector<1x128xf32>,
    %slice3A_268 = vector.extract_strided_slice %mul3A_157 {offsets = [224, 0], sizes = [16, 128], strides = [1, 1]} : vector<512x128xf32> to vector<16x128xf32>
    %reduce_max3A_269 = arith.constant dense<0xFF800000> : vector<128xf32>
    %reduce_max3A_270 = vector.multi_reduction <maximumf>, %slice3A_268, %reduce_max3A_269 [0] : vector<16x128xf32> to vector<128xf32>
    %broadcast_in_dim3A_271 = vector.shape_cast %reduce_max3A_270 : vector<128xf32> to vector<1x128xf32>
    %swap3A_272 = arith.constant 14 : index
    %swap3A_273 = arith.constant 0 : index
    %swap3A_274 = vector.load %arg7[%swap3A_272, %swap3A_273] : memref<32x128xf32, #tpu.memory_space<vmem>>, vector<1x128xf32>
    tpu.vector_store %arg7[%swap3A_272, %swap3A_273], %broadcast_in_dim3A_271 {strides = array<i32>} : memref<32x128xf32, #tpu.memory_space<vmem>>, vector<1x128xf32>,
    %slice3A_275 = vector.extract_strided_slice %mul3A_157 {offsets = [240, 0], sizes = [16, 128], strides = [1, 1]} : vector<512x128xf32> to vector<16x128xf32>
    %reduce_max3A_276 = arith.constant dense<0xFF800000> : vector<128xf32>
    %reduce_max3A_277 = vector.multi_reduction <maximumf>, %slice3A_275, %reduce_max3A_276 [0] : vector<16x128xf32> to vector<128xf32>
    %broadcast_in_dim3A_278 = vector.shape_cast %reduce_max3A_277 : vector<128xf32> to vector<1x128xf32>
    %swap3A_279 = arith.constant 15 : index
    %swap3A_280 = arith.constant 0 : index
    %swap3A_281 = vector.load %arg7[%swap3A_279, %swap3A_280] : memref<32x128xf32, #tpu.memory_space<vmem>>, vector<1x128xf32>
    tpu.vector_store %arg7[%swap3A_279, %swap3A_280], %broadcast_in_dim3A_278 {strides = array<i32>} : memref<32x128xf32, #tpu.memory_space<vmem>>, vector<1x128xf32>,
    %slice3A_282 = vector.extract_strided_slice %mul3A_157 {offsets = [256, 0], sizes = [16, 128], strides = [1, 1]} : vector<512x128xf32> to vector<16x128xf32>
    %reduce_max3A_283 = arith.constant dense<0xFF800000> : vector<128xf32>
    %reduce_max3A_284 = vector.multi_reduction <maximumf>, %slice3A_282, %reduce_max3A_283 [0] : vector<16x128xf32> to vector<128xf32>
    %broadcast_in_dim3A_285 = vector.shape_cast %reduce_max3A_284 : vector<128xf32> to vector<1x128xf32>
    %swap3A_286 = arith.constant 16 : index
    %swap3A_287 = arith.constant 0 : index
    %swap3A_288 = vector.load %arg7[%swap3A_286, %swap3A_287] : memref<32x128xf32, #tpu.memory_space<vmem>>, vector<1x128xf32>
    tpu.vector_store %arg7[%swap3A_286, %swap3A_287], %broadcast_in_dim3A_285 {strides = array<i32>} : memref<32x128xf32, #tpu.memory_space<vmem>>, vector<1x128xf32>,
    %slice3A_289 = vector.extract_strided_slice %mul3A_157 {offsets = [272, 0], sizes = [16, 128], strides = [1, 1]} : vector<512x128xf32> to vector<16x128xf32>
    %reduce_max3A_290 = arith.constant dense<0xFF800000> : vector<128xf32>
    %reduce_max3A_291 = vector.multi_reduction <maximumf>, %slice3A_289, %reduce_max3A_290 [0] : vector<16x128xf32> to vector<128xf32>
    %broadcast_in_dim3A_292 = vector.shape_cast %reduce_max3A_291 : vector<128xf32> to vector<1x128xf32>
    %swap3A_293 = arith.constant 17 : index
    %swap3A_294 = arith.constant 0 : index
    %swap3A_295 = vector.load %arg7[%swap3A_293, %swap3A_294] : memref<32x128xf32, #tpu.memory_space<vmem>>, vector<1x128xf32>
    tpu.vector_store %arg7[%swap3A_293, %swap3A_294], %broadcast_in_dim3A_292 {strides = array<i32>} : memref<32x128xf32, #tpu.memory_space<vmem>>, vector<1x128xf32>,
    %slice3A_296 = vector.extract_strided_slice %mul3A_157 {offsets = [288, 0], sizes = [16, 128], strides = [1, 1]} : vector<512x128xf32> to vector<16x128xf32>
    %reduce_max3A_297 = arith.constant dense<0xFF800000> : vector<128xf32>
    %reduce_max3A_298 = vector.multi_reduction <maximumf>, %slice3A_296, %reduce_max3A_297 [0] : vector<16x128xf32> to vector<128xf32>
    %broadcast_in_dim3A_299 = vector.shape_cast %reduce_max3A_298 : vector<128xf32> to vector<1x128xf32>
    %swap3A_300 = arith.constant 18 : index
    %swap3A_301 = arith.constant 0 : index
    %swap3A_302 = vector.load %arg7[%swap3A_300, %swap3A_301] : memref<32x128xf32, #tpu.memory_space<vmem>>, vector<1x128xf32>
    tpu.vector_store %arg7[%swap3A_300, %swap3A_301], %broadcast_in_dim3A_299 {strides = array<i32>} : memref<32x128xf32, #tpu.memory_space<vmem>>, vector<1x128xf32>,
    %slice3A_303 = vector.extract_strided_slice %mul3A_157 {offsets = [304, 0], sizes = [16, 128], strides = [1, 1]} : vector<512x128xf32> to vector<16x128xf32>
    %reduce_max3A_304 = arith.constant dense<0xFF800000> : vector<128xf32>
    %reduce_max3A_305 = vector.multi_reduction <maximumf>, %slice3A_303, %reduce_max3A_304 [0] : vector<16x128xf32> to vector<128xf32>
    %broadcast_in_dim3A_306 = vector.shape_cast %reduce_max3A_305 : vector<128xf32> to vector<1x128xf32>
    %swap3A_307 = arith.constant 19 : index
    %swap3A_308 = arith.constant 0 : index
    %swap3A_309 = vector.load %arg7[%swap3A_307, %swap3A_308] : memref<32x128xf32, #tpu.memory_space<vmem>>, vector<1x128xf32>
    tpu.vector_store %arg7[%swap3A_307, %swap3A_308], %broadcast_in_dim3A_306 {strides = array<i32>} : memref<32x128xf32, #tpu.memory_space<vmem>>, vector<1x128xf32>,
    %slice3A_310 = vector.extract_strided_slice %mul3A_157 {offsets = [320, 0], sizes = [16, 128], strides = [1, 1]} : vector<512x128xf32> to vector<16x128xf32>
    %reduce_max3A_311 = arith.constant dense<0xFF800000> : vector<128xf32>
    %reduce_max3A_312 = vector.multi_reduction <maximumf>, %slice3A_310, %reduce_max3A_311 [0] : vector<16x128xf32> to vector<128xf32>
    %broadcast_in_dim3A_313 = vector.shape_cast %reduce_max3A_312 : vector<128xf32> to vector<1x128xf32>
    %swap3A_314 = arith.constant 20 : index
    %swap3A_315 = arith.constant 0 : index
    %swap3A_316 = vector.load %arg7[%swap3A_314, %swap3A_315] : memref<32x128xf32, #tpu.memory_space<vmem>>, vector<1x128xf32>
    tpu.vector_store %arg7[%swap3A_314, %swap3A_315], %broadcast_in_dim3A_313 {strides = array<i32>} : memref<32x128xf32, #tpu.memory_space<vmem>>, vector<1x128xf32>,
    %slice3A_317 = vector.extract_strided_slice %mul3A_157 {offsets = [336, 0], sizes = [16, 128], strides = [1, 1]} : vector<512x128xf32> to vector<16x128xf32>
    %reduce_max3A_318 = arith.constant dense<0xFF800000> : vector<128xf32>
    %reduce_max3A_319 = vector.multi_reduction <maximumf>, %slice3A_317, %reduce_max3A_318 [0] : vector<16x128xf32> to vector<128xf32>
    %broadcast_in_dim3A_320 = vector.shape_cast %reduce_max3A_319 : vector<128xf32> to vector<1x128xf32>
    %swap3A_321 = arith.constant 21 : index
    %swap3A_322 = arith.constant 0 : index
    %swap3A_323 = vector.load %arg7[%swap3A_321, %swap3A_322] : memref<32x128xf32, #tpu.memory_space<vmem>>, vector<1x128xf32>
    tpu.vector_store %arg7[%swap3A_321, %swap3A_322], %broadcast_in_dim3A_320 {strides = array<i32>} : memref<32x128xf32, #tpu.memory_space<vmem>>, vector<1x128xf32>,
    %slice3A_324 = vector.extract_strided_slice %mul3A_157 {offsets = [352, 0], sizes = [16, 128], strides = [1, 1]} : vector<512x128xf32> to vector<16x128xf32>
    %reduce_max3A_325 = arith.constant dense<0xFF800000> : vector<128xf32>
    %reduce_max3A_326 = vector.multi_reduction <maximumf>, %slice3A_324, %reduce_max3A_325 [0] : vector<16x128xf32> to vector<128xf32>
    %broadcast_in_dim3A_327 = vector.shape_cast %reduce_max3A_326 : vector<128xf32> to vector<1x128xf32>
    %swap3A_328 = arith.constant 22 : index
    %swap3A_329 = arith.constant 0 : index
    %swap3A_330 = vector.load %arg7[%swap3A_328, %swap3A_329] : memref<32x128xf32, #tpu.memory_space<vmem>>, vector<1x128xf32>
    tpu.vector_store %arg7[%swap3A_328, %swap3A_329], %broadcast_in_dim3A_327 {strides = array<i32>} : memref<32x128xf32, #tpu.memory_space<vmem>>, vector<1x128xf32>,
    %slice3A_331 = vector.extract_strided_slice %mul3A_157 {offsets = [368, 0], sizes = [16, 128], strides = [1, 1]} : vector<512x128xf32> to vector<16x128xf32>
    %reduce_max3A_332 = arith.constant dense<0xFF800000> : vector<128xf32>
    %reduce_max3A_333 = vector.multi_reduction <maximumf>, %slice3A_331, %reduce_max3A_332 [0] : vector<16x128xf32> to vector<128xf32>
    %broadcast_in_dim3A_334 = vector.shape_cast %reduce_max3A_333 : vector<128xf32> to vector<1x128xf32>
    %swap3A_335 = arith.constant 23 : index
    %swap3A_336 = arith.constant 0 : index
    %swap3A_337 = vector.load %arg7[%swap3A_335, %swap3A_336] : memref<32x128xf32, #tpu.memory_space<vmem>>, vector<1x128xf32>
    tpu.vector_store %arg7[%swap3A_335, %swap3A_336], %broadcast_in_dim3A_334 {strides = array<i32>} : memref<32x128xf32, #tpu.memory_space<vmem>>, vector<1x128xf32>,
    %slice3A_338 = vector.extract_strided_slice %mul3A_157 {offsets = [384, 0], sizes = [16, 128], strides = [1, 1]} : vector<512x128xf32> to vector<16x128xf32>
    %reduce_max3A_339 = arith.constant dense<0xFF800000> : vector<128xf32>
    %reduce_max3A_340 = vector.multi_reduction <maximumf>, %slice3A_338, %reduce_max3A_339 [0] : vector<16x128xf32> to vector<128xf32>
    %broadcast_in_dim3A_341 = vector.shape_cast %reduce_max3A_340 : vector<128xf32> to vector<1x128xf32>
    %swap3A_342 = arith.constant 24 : index
    %swap3A_343 = arith.constant 0 : index
    %swap3A_344 = vector.load %arg7[%swap3A_342, %swap3A_343] : memref<32x128xf32, #tpu.memory_space<vmem>>, vector<1x128xf32>
    tpu.vector_store %arg7[%swap3A_342, %swap3A_343], %broadcast_in_dim3A_341 {strides = array<i32>} : memref<32x128xf32, #tpu.memory_space<vmem>>, vector<1x128xf32>,
    %slice3A_345 = vector.extract_strided_slice %mul3A_157 {offsets = [400, 0], sizes = [16, 128], strides = [1, 1]} : vector<512x128xf32> to vector<16x128xf32>
    %reduce_max3A_346 = arith.constant dense<0xFF800000> : vector<128xf32>
    %reduce_max3A_347 = vector.multi_reduction <maximumf>, %slice3A_345, %reduce_max3A_346 [0] : vector<16x128xf32> to vector<128xf32>
    %broadcast_in_dim3A_348 = vector.shape_cast %reduce_max3A_347 : vector<128xf32> to vector<1x128xf32>
    %swap3A_349 = arith.constant 25 : index
    %swap3A_350 = arith.constant 0 : index
    %swap3A_351 = vector.load %arg7[%swap3A_349, %swap3A_350] : memref<32x128xf32, #tpu.memory_space<vmem>>, vector<1x128xf32>
    tpu.vector_store %arg7[%swap3A_349, %swap3A_350], %broadcast_in_dim3A_348 {strides = array<i32>} : memref<32x128xf32, #tpu.memory_space<vmem>>, vector<1x128xf32>,
    %slice3A_352 = vector.extract_strided_slice %mul3A_157 {offsets = [416, 0], sizes = [16, 128], strides = [1, 1]} : vector<512x128xf32> to vector<16x128xf32>
    %reduce_max3A_353 = arith.constant dense<0xFF800000> : vector<128xf32>
    %reduce_max3A_354 = vector.multi_reduction <maximumf>, %slice3A_352, %reduce_max3A_353 [0] : vector<16x128xf32> to vector<128xf32>
    %broadcast_in_dim3A_355 = vector.shape_cast %reduce_max3A_354 : vector<128xf32> to vector<1x128xf32>
    %swap3A_356 = arith.constant 26 : index
    %swap3A_357 = arith.constant 0 : index
    %swap3A_358 = vector.load %arg7[%swap3A_356, %swap3A_357] : memref<32x128xf32, #tpu.memory_space<vmem>>, vector<1x128xf32>
    tpu.vector_store %arg7[%swap3A_356, %swap3A_357], %broadcast_in_dim3A_355 {strides = array<i32>} : memref<32x128xf32, #tpu.memory_space<vmem>>, vector<1x128xf32>,
    %slice3A_359 = vector.extract_strided_slice %mul3A_157 {offsets = [432, 0], sizes = [16, 128], strides = [1, 1]} : vector<512x128xf32> to vector<16x128xf32>
    %reduce_max3A_360 = arith.constant dense<0xFF800000> : vector<128xf32>
    %reduce_max3A_361 = vector.multi_reduction <maximumf>, %slice3A_359, %reduce_max3A_360 [0] : vector<16x128xf32> to vector<128xf32>
    %broadcast_in_dim3A_362 = vector.shape_cast %reduce_max3A_361 : vector<128xf32> to vector<1x128xf32>
    %swap3A_363 = arith.constant 27 : index
    %swap3A_364 = arith.constant 0 : index
    %swap3A_365 = vector.load %arg7[%swap3A_363, %swap3A_364] : memref<32x128xf32, #tpu.memory_space<vmem>>, vector<1x128xf32>
    tpu.vector_store %arg7[%swap3A_363, %swap3A_364], %broadcast_in_dim3A_362 {strides = array<i32>} : memref<32x128xf32, #tpu.memory_space<vmem>>, vector<1x128xf32>,
    %slice3A_366 = vector.extract_strided_slice %mul3A_157 {offsets = [448, 0], sizes = [16, 128], strides = [1, 1]} : vector<512x128xf32> to vector<16x128xf32>
    %reduce_max3A_367 = arith.constant dense<0xFF800000> : vector<128xf32>
    %reduce_max3A_368 = vector.multi_reduction <maximumf>, %slice3A_366, %reduce_max3A_367 [0] : vector<16x128xf32> to vector<128xf32>
    %broadcast_in_dim3A_369 = vector.shape_cast %reduce_max3A_368 : vector<128xf32> to vector<1x128xf32>
    %swap3A_370 = arith.constant 28 : index
    %swap3A_371 = arith.constant 0 : index
    %swap3A_372 = vector.load %arg7[%swap3A_370, %swap3A_371] : memref<32x128xf32, #tpu.memory_space<vmem>>, vector<1x128xf32>
    tpu.vector_store %arg7[%swap3A_370, %swap3A_371], %broadcast_in_dim3A_369 {strides = array<i32>} : memref<32x128xf32, #tpu.memory_space<vmem>>, vector<1x128xf32>,
    %slice3A_373 = vector.extract_strided_slice %mul3A_157 {offsets = [464, 0], sizes = [16, 128], strides = [1, 1]} : vector<512x128xf32> to vector<16x128xf32>
    %reduce_max3A_374 = arith.constant dense<0xFF800000> : vector<128xf32>
    %reduce_max3A_375 = vector.multi_reduction <maximumf>, %slice3A_373, %reduce_max3A_374 [0] : vector<16x128xf32> to vector<128xf32>
    %broadcast_in_dim3A_376 = vector.shape_cast %reduce_max3A_375 : vector<128xf32> to vector<1x128xf32>
    %swap3A_377 = arith.constant 29 : index
    %swap3A_378 = arith.constant 0 : index
    %swap3A_379 = vector.load %arg7[%swap3A_377, %swap3A_378] : memref<32x128xf32, #tpu.memory_space<vmem>>, vector<1x128xf32>
    tpu.vector_store %arg7[%swap3A_377, %swap3A_378], %broadcast_in_dim3A_376 {strides = array<i32>} : memref<32x128xf32, #tpu.memory_space<vmem>>, vector<1x128xf32>,
    %slice3A_380 = vector.extract_strided_slice %mul3A_157 {offsets = [480, 0], sizes = [16, 128], strides = [1, 1]} : vector<512x128xf32> to vector<16x128xf32>
    %reduce_max3A_381 = arith.constant dense<0xFF800000> : vector<128xf32>
    %reduce_max3A_382 = vector.multi_reduction <maximumf>, %slice3A_380, %reduce_max3A_381 [0] : vector<16x128xf32> to vector<128xf32>
    %broadcast_in_dim3A_383 = vector.shape_cast %reduce_max3A_382 : vector<128xf32> to vector<1x128xf32>
    %swap3A_384 = arith.constant 30 : index
    %swap3A_385 = arith.constant 0 : index
    %swap3A_386 = vector.load %arg7[%swap3A_384, %swap3A_385] : memref<32x128xf32, #tpu.memory_space<vmem>>, vector<1x128xf32>
    tpu.vector_store %arg7[%swap3A_384, %swap3A_385], %broadcast_in_dim3A_383 {strides = array<i32>} : memref<32x128xf32, #tpu.memory_space<vmem>>, vector<1x128xf32>,
    %slice3A_387 = vector.extract_strided_slice %mul3A_157 {offsets = [496, 0], sizes = [16, 128], strides = [1, 1]} : vector<512x128xf32> to vector<16x128xf32>
    %reduce_max3A_388 = arith.constant dense<0xFF800000> : vector<128xf32>
    %reduce_max3A_389 = vector.multi_reduction <maximumf>, %slice3A_387, %reduce_max3A_388 [0] : vector<16x128xf32> to vector<128xf32>
    %broadcast_in_dim3A_390 = vector.shape_cast %reduce_max3A_389 : vector<128xf32> to vector<1x128xf32>
    %swap3A_391 = arith.constant 31 : index
    %swap3A_392 = arith.constant 0 : index
    %swap3A_393 = vector.load %arg7[%swap3A_391, %swap3A_392] : memref<32x128xf32, #tpu.memory_space<vmem>>, vector<1x128xf32>
    tpu.vector_store %arg7[%swap3A_391, %swap3A_392], %broadcast_in_dim3A_390 {strides = array<i32>} : memref<32x128xf32, #tpu.memory_space<vmem>>, vector<1x128xf32>,
    return
  }
  func.func @transform_0(%arg0: i32) -> (i32, i32) {
    %c0_i32 = arith.constant 0 : i32
    %c0_i32_0 = arith.constant 0 : i32
    return %arg0, %c0_i32 : i32, i32
  }
  func.func @transform_1(%arg0: i32) -> (i32, i32) {
    %c0_i32 = arith.constant 0 : i32
    %c0_i32_0 = arith.constant 0 : i32
    return %arg0, %c0_i32 : i32, i32
  }
  func.func @transform_2(%arg0: i32) -> (i32, i32) {
    %c0_i32 = arith.constant 0 : i32
    %c0_i32_0 = arith.constant 0 : i32
    %c0_i32_1 = arith.constant 0 : i32
    return %c0_i32, %c0_i32_0 : i32, i32
  }
  func.func @transform_3(%arg0: i32) -> (i32, i32) {
    %c0_i32 = arith.constant 0 : i32
    %c0_i32_0 = arith.constant 0 : i32
    %c0_i32_1 = arith.constant 0 : i32
    return %c0_i32, %c0_i32_0 : i32, i32
  }
  func.func @transform_4(%arg0: i32) -> (i32, i32) {
    %c0_i32 = arith.constant 0 : i32
    %c0_i32_0 = arith.constant 0 : i32
    %c0_i32_1 = arith.constant 0 : i32
    return %c0_i32, %c0_i32_0 : i32, i32
  }
  func.func @transform_5(%arg0: i32) -> (i32, i32) {
    %c0_i32 = arith.constant 0 : i32
    %c0_i32_0 = arith.constant 0 : i32
    %c0_i32_1 = arith.constant 0 : i32
    return %c0_i32, %c0_i32_0 : i32, i32
  }
  func.func @transform_6(%arg0: i32) -> (i32, i32) {
    %c0_i32 = arith.constant 0 : i32
    %c0_i32_0 = arith.constant 0 : i32
    return %arg0, %c0_i32 : i32, i32
  }
  func.func @transform_7(%arg0: i32) -> (i32, i32) {
    %c0_i32 = arith.constant 0 : i32
    %c0_i32_0 = arith.constant 0 : i32
    %c0_i32_1 = arith.constant 0 : i32
    return %c0_i32, %c0_i32_0 : i32, i32
  }
}

module attributes {stable_mosaic.version = 14 : i64} {
  func.func @_e_body(%arg0: memref<4096x128xf32, #tpu.memory_space<vmem>>, %arg1: memref<2x128xf32, #tpu.memory_space<vmem>>, %arg2: memref<128x128xf32, #tpu.memory_space<vmem>>, %arg3: memref<1x128xf32, #tpu.memory_space<vmem>>, %arg4: memref<4096x128xf32, #tpu.memory_space<vmem>>) attributes {dimension_semantics = [], scalar_prefetch = 0 : i64, scratch_operands = 0 : i64, tpu.core_type = #tpu.core_type<tc>} {
    %get3A = arith.constant 0 : index
    %get3A_0 = arith.constant 0 : index
    %get3A_1 = vector.load %arg1[%get3A, %get3A_0] : memref<2x128xf32, #tpu.memory_space<vmem>>, vector<2x128xf32>
    %slice3A = vector.extract_strided_slice %get3A_1 {offsets = [0, 0], sizes = [1, 128], strides = [1, 1]} : vector<2x128xf32> to vector<1x128xf32>
    %mul3A = arith.constant 1.52587891E-5 : f32
    %mul3A_2 = vector.broadcast %mul3A : f32 to vector<1x128xf32>
    %mul3A_3 = arith.mulf %slice3A, %mul3A_2 : vector<1x128xf32>
    %slice3A_4 = vector.extract_strided_slice %get3A_1 {offsets = [1, 0], sizes = [1, 128], strides = [1, 1]} : vector<2x128xf32> to vector<1x128xf32>
    %mul3A_5 = arith.constant 1.52587891E-5 : f32
    %mul3A_6 = vector.broadcast %mul3A_5 : f32 to vector<1x128xf32>
    %mul3A_7 = arith.mulf %slice3A_4, %mul3A_6 : vector<1x128xf32>
    %mul3A_8 = arith.mulf %mul3A_3, %mul3A_3 : vector<1x128xf32>
    %sub3A = arith.subf %mul3A_7, %mul3A_8 : vector<1x128xf32>
    %add3A = arith.constant 9.99999974E-6 : f32
    %add3A_9 = vector.broadcast %add3A : f32 to vector<1x128xf32>
    %add3A_10 = arith.addf %sub3A, %add3A_9 : vector<1x128xf32>
    %sqrt3A = math.sqrt %add3A_10 : vector<1x128xf32>
    %div3A = arith.constant 1.000000e+00 : f32
    %div3A_11 = vector.broadcast %div3A : f32 to vector<1x128xf32>
    %div3A_12 = arith.divf %div3A_11, %sqrt3A : vector<1x128xf32>
    %get3A_13 = arith.constant 0 : index
    %get3A_14 = arith.constant 0 : index
    %get3A_15 = vector.load %arg0[%get3A_13, %get3A_14] : memref<4096x128xf32, #tpu.memory_space<vmem>>, vector<4096x128xf32>
    %sub3A_16 = vector.broadcast %mul3A_3 : vector<1x128xf32> to vector<4096x128xf32>
    %sub3A_17 = arith.subf %get3A_15, %sub3A_16 : vector<4096x128xf32>
    %mul3A_18 = vector.broadcast %div3A_12 : vector<1x128xf32> to vector<4096x128xf32>
    %mul3A_19 = arith.mulf %sub3A_17, %mul3A_18 : vector<4096x128xf32>
    %max3A = arith.constant 0.000000e+00 : f32
    %max3A_20 = vector.broadcast %max3A : f32 to vector<4096x128xf32>
    %max3A_21 = arith.maximumf %mul3A_19, %max3A_20 : vector<4096x128xf32>
    %convert_element_type3A = arith.truncf %max3A_21 : vector<4096x128xf32> to vector<4096x128xbf16>
    %convert_element_type3A_22 = arith.extf %convert_element_type3A : vector<4096x128xbf16> to vector<4096x128xf32>
    %get3A_23 = arith.constant 0 : index
    %get3A_24 = arith.constant 0 : index
    %get3A_25 = vector.load %arg2[%get3A_23, %get3A_24] : memref<128x128xf32, #tpu.memory_space<vmem>>, vector<128x128xf32>
    %convert_element_type3A_26 = arith.truncf %get3A_25 : vector<128x128xf32> to vector<128x128xbf16>
    %convert_element_type3A_27 = arith.extf %convert_element_type3A_26 : vector<128x128xbf16> to vector<128x128xf32>
    %dot_general3A = arith.constant dense<0.000000e+00> : vector<4096x128xf32>
    %dot_general3A_28 = tpu.matmul %convert_element_type3A_22, %convert_element_type3A_27, %dot_general3A {dimension_numbers = #tpu.dot_dimension_numbers<[1], [0], [0], [1], [0, 0, 1, 1], [], []>, precision = #tpu.contract_precision<fp32>, transpose_lhs_hint = false} : vector<4096x128xf32>, vector<128x128xf32>, vector<4096x128xf32> -> vector<4096x128xf32>
    %get3A_29 = arith.constant 0 : index
    %get3A_30 = arith.constant 0 : index
    %get3A_31 = vector.load %arg3[%get3A_29, %get3A_30] : memref<1x128xf32, #tpu.memory_space<vmem>>, vector<1x128xf32>
    %add3A_32 = vector.broadcast %get3A_31 : vector<1x128xf32> to vector<4096x128xf32>
    %add3A_33 = arith.addf %dot_general3A_28, %add3A_32 : vector<4096x128xf32>
    %reduce_sum3A = arith.constant dense<0.000000e+00> : vector<128xf32>
    %reduce_sum3A_34 = vector.multi_reduction <add>, %add3A_33, %reduce_sum3A [0] : vector<4096x128xf32> to vector<128xf32>
    %broadcast_in_dim3A = vector.shape_cast %reduce_sum3A_34 : vector<128xf32> to vector<1x128xf32>
    %mul3A_35 = arith.constant 2.44140625E-4 : f32
    %mul3A_36 = vector.broadcast %mul3A_35 : f32 to vector<1x128xf32>
    %mul3A_37 = arith.mulf %broadcast_in_dim3A, %mul3A_36 : vector<1x128xf32>
    %mul3A_38 = arith.mulf %add3A_33, %add3A_33 : vector<4096x128xf32>
    %reduce_sum3A_39 = arith.constant dense<0.000000e+00> : vector<128xf32>
    %reduce_sum3A_40 = vector.multi_reduction <add>, %mul3A_38, %reduce_sum3A_39 [0] : vector<4096x128xf32> to vector<128xf32>
    %broadcast_in_dim3A_41 = vector.shape_cast %reduce_sum3A_40 : vector<128xf32> to vector<1x128xf32>
    %mul3A_42 = arith.constant 2.44140625E-4 : f32
    %mul3A_43 = vector.broadcast %mul3A_42 : f32 to vector<1x128xf32>
    %mul3A_44 = arith.mulf %broadcast_in_dim3A_41, %mul3A_43 : vector<1x128xf32>
    %mul3A_45 = arith.mulf %mul3A_37, %mul3A_37 : vector<1x128xf32>
    %sub3A_46 = arith.subf %mul3A_44, %mul3A_45 : vector<1x128xf32>
    %sub3A_47 = vector.broadcast %mul3A_37 : vector<1x128xf32> to vector<4096x128xf32>
    %sub3A_48 = arith.subf %add3A_33, %sub3A_47 : vector<4096x128xf32>
    %add3A_49 = arith.constant 9.99999974E-6 : f32
    %add3A_50 = vector.broadcast %add3A_49 : f32 to vector<1x128xf32>
    %add3A_51 = arith.addf %sub3A_46, %add3A_50 : vector<1x128xf32>
    %sqrt3A_52 = math.sqrt %add3A_51 : vector<1x128xf32>
    %div3A_53 = vector.broadcast %sqrt3A_52 : vector<1x128xf32> to vector<4096x128xf32>
    %div3A_54 = arith.divf %sub3A_48, %div3A_53 : vector<4096x128xf32>
    %max3A_55 = arith.constant 0.000000e+00 : f32
    %max3A_56 = vector.broadcast %max3A_55 : f32 to vector<4096x128xf32>
    %max3A_57 = arith.maximumf %div3A_54, %max3A_56 : vector<4096x128xf32>
    %swap3A = arith.constant 0 : index
    %swap3A_58 = arith.constant 0 : index
    %swap3A_59 = vector.load %arg4[%swap3A, %swap3A_58] : memref<4096x128xf32, #tpu.memory_space<vmem>>, vector<4096x128xf32>
    tpu.vector_store %arg4[%swap3A, %swap3A_58], %max3A_57 {strides = array<i32>} : memref<4096x128xf32, #tpu.memory_space<vmem>>, vector<4096x128xf32>,
    return
  }
}

module attributes {stable_mosaic.version = 14 : i64} {
  func.func @_d1_body(%arg0: i32, %arg1: memref<512x80xf32, #tpu.memory_space<vmem>>, %arg2: memref<512x8xf32, #tpu.memory_space<vmem>>, %arg3: memref<16x32xf32, #tpu.memory_space<vmem>>, %arg4: memref<2x32xf32, #tpu.memory_space<vmem>>) attributes {dimension_semantics = [#tpu.dimension_semantics<arbitrary>], iteration_bounds = array<i64: 256>, scalar_prefetch = 0 : i64, scratch_operands = 0 : i64, tpu.core_type = #tpu.core_type<tc>, window_params = [{transform_indices = @transform_0, window_bounds = array<i64: 512, 80>}, {transform_indices = @transform_1, window_bounds = array<i64: 512, 8>}, {pipeline_mode = #tpu.pipeline_mode<synchronous>, transform_indices = @transform_2, window_bounds = array<i64: 16, 32>}, {pipeline_mode = #tpu.pipeline_mode<synchronous>, transform_indices = @transform_3, window_bounds = array<i64: 2, 32>}]} {
    %get3A = arith.constant 0 : index
    %get3A_0 = arith.constant 0 : index
    %get3A_1 = vector.load %arg1[%get3A, %get3A_0] : memref<512x80xf32, #tpu.memory_space<vmem>>, vector<512x80xf32>
    %get3A_2 = arith.constant 0 : index
    %get3A_3 = arith.constant 0 : index
    %get3A_4 = vector.load %arg2[%get3A_2, %get3A_3] : memref<512x8xf32, #tpu.memory_space<vmem>>, vector<512x8xf32>
    %get3A_5 = arith.constant 0 : index
    %get3A_6 = arith.constant 0 : index
    %get3A_7 = vector.load %arg3[%get3A_5, %get3A_6] : memref<16x32xf32, #tpu.memory_space<vmem>>, vector<16x32xf32>
    %slice3A = vector.extract_strided_slice %get3A_1 {offsets = [0, 0], sizes = [512, 3], strides = [1, 1]} : vector<512x80xf32> to vector<512x3xf32>
    %slice3A_8 = vector.extract_strided_slice %get3A_4 {offsets = [0, 0], sizes = [512, 3], strides = [1, 1]} : vector<512x8xf32> to vector<512x3xf32>
    %sub3A = arith.subf %slice3A, %slice3A_8 : vector<512x3xf32>
    %slice3A_9 = vector.extract_strided_slice %sub3A {offsets = [0, 0], sizes = [512, 1], strides = [1, 1]} : vector<512x3xf32> to vector<512x1xf32>
    %slice3A_10 = vector.extract_strided_slice %sub3A {offsets = [0, 1], sizes = [512, 1], strides = [1, 1]} : vector<512x3xf32> to vector<512x1xf32>
    %slice3A_11 = vector.extract_strided_slice %sub3A {offsets = [0, 2], sizes = [512, 1], strides = [1, 1]} : vector<512x3xf32> to vector<512x1xf32>
    %mul3A = arith.mulf %slice3A_9, %slice3A_9 : vector<512x1xf32>
    %mul3A_12 = arith.mulf %slice3A_10, %slice3A_10 : vector<512x1xf32>
    %add3A = arith.addf %mul3A, %mul3A_12 : vector<512x1xf32>
    %mul3A_13 = arith.mulf %slice3A_11, %slice3A_11 : vector<512x1xf32>
    %add3A_14 = arith.addf %add3A, %mul3A_13 : vector<512x1xf32>
    %add3A_15 = arith.constant 9.99999996E-13 : f32
    %add3A_16 = vector.broadcast %add3A_15 : f32 to vector<512x1xf32>
    %add3A_17 = arith.addf %add3A_14, %add3A_16 : vector<512x1xf32>
    %sqrt3A = math.sqrt %add3A_17 : vector<512x1xf32>
    %slice3A_18 = vector.extract_strided_slice %get3A_7 {offsets = [15, 0], sizes = [1, 32], strides = [1, 1]} : vector<16x32xf32> to vector<1x32xf32>
    %convert_element_type3A = arith.truncf %sqrt3A : vector<512x1xf32> to vector<512x1xbf16>
    %convert_element_type3A_19 = arith.extf %convert_element_type3A : vector<512x1xbf16> to vector<512x1xf32>
    %slice3A_20 = vector.extract_strided_slice %get3A_7 {offsets = [0, 0], sizes = [1, 32], strides = [1, 1]} : vector<16x32xf32> to vector<1x32xf32>
    %convert_element_type3A_21 = arith.truncf %slice3A_20 : vector<1x32xf32> to vector<1x32xbf16>
    %convert_element_type3A_22 = arith.extf %convert_element_type3A_21 : vector<1x32xbf16> to vector<1x32xf32>
    %mul3A_23 = vector.broadcast %convert_element_type3A_19 : vector<512x1xf32> to vector<512x32xf32>
    %mul3A_24 = vector.broadcast %convert_element_type3A_22 : vector<1x32xf32> to vector<512x32xf32>
    %mul3A_25 = arith.mulf %mul3A_23, %mul3A_24 : vector<512x32xf32>
    %add3A_26 = vector.broadcast %slice3A_18 : vector<1x32xf32> to vector<512x32xf32>
    %add3A_27 = arith.addf %add3A_26, %mul3A_25 : vector<512x32xf32>
    %slice3A_28 = vector.extract_strided_slice %get3A_4 {offsets = [0, 3], sizes = [512, 1], strides = [1, 1]} : vector<512x8xf32> to vector<512x1xf32>
    %convert_element_type3A_29 = arith.truncf %slice3A_28 : vector<512x1xf32> to vector<512x1xbf16>
    %convert_element_type3A_30 = arith.extf %convert_element_type3A_29 : vector<512x1xbf16> to vector<512x1xf32>
    %slice3A_31 = vector.extract_strided_slice %get3A_7 {offsets = [1, 0], sizes = [1, 32], strides = [1, 1]} : vector<16x32xf32> to vector<1x32xf32>
    %convert_element_type3A_32 = arith.truncf %slice3A_31 : vector<1x32xf32> to vector<1x32xbf16>
    %convert_element_type3A_33 = arith.extf %convert_element_type3A_32 : vector<1x32xbf16> to vector<1x32xf32>
    %mul3A_34 = vector.broadcast %convert_element_type3A_30 : vector<512x1xf32> to vector<512x32xf32>
    %mul3A_35 = vector.broadcast %convert_element_type3A_33 : vector<1x32xf32> to vector<512x32xf32>
    %mul3A_36 = arith.mulf %mul3A_34, %mul3A_35 : vector<512x32xf32>
    %add3A_37 = arith.addf %add3A_27, %mul3A_36 : vector<512x32xf32>
    %slice3A_38 = vector.extract_strided_slice %get3A_4 {offsets = [0, 4], sizes = [512, 1], strides = [1, 1]} : vector<512x8xf32> to vector<512x1xf32>
    %convert_element_type3A_39 = arith.truncf %slice3A_38 : vector<512x1xf32> to vector<512x1xbf16>
    %convert_element_type3A_40 = arith.extf %convert_element_type3A_39 : vector<512x1xbf16> to vector<512x1xf32>
    %slice3A_41 = vector.extract_strided_slice %get3A_7 {offsets = [2, 0], sizes = [1, 32], strides = [1, 1]} : vector<16x32xf32> to vector<1x32xf32>
    %convert_element_type3A_42 = arith.truncf %slice3A_41 : vector<1x32xf32> to vector<1x32xbf16>
    %convert_element_type3A_43 = arith.extf %convert_element_type3A_42 : vector<1x32xbf16> to vector<1x32xf32>
    %mul3A_44 = vector.broadcast %convert_element_type3A_40 : vector<512x1xf32> to vector<512x32xf32>
    %mul3A_45 = vector.broadcast %convert_element_type3A_43 : vector<1x32xf32> to vector<512x32xf32>
    %mul3A_46 = arith.mulf %mul3A_44, %mul3A_45 : vector<512x32xf32>
    %add3A_47 = arith.addf %add3A_37, %mul3A_46 : vector<512x32xf32>
    %slice3A_48 = vector.extract_strided_slice %get3A_4 {offsets = [0, 5], sizes = [512, 1], strides = [1, 1]} : vector<512x8xf32> to vector<512x1xf32>
    %convert_element_type3A_49 = arith.truncf %slice3A_48 : vector<512x1xf32> to vector<512x1xbf16>
    %convert_element_type3A_50 = arith.extf %convert_element_type3A_49 : vector<512x1xbf16> to vector<512x1xf32>
    %slice3A_51 = vector.extract_strided_slice %get3A_7 {offsets = [3, 0], sizes = [1, 32], strides = [1, 1]} : vector<16x32xf32> to vector<1x32xf32>
    %convert_element_type3A_52 = arith.truncf %slice3A_51 : vector<1x32xf32> to vector<1x32xbf16>
    %convert_element_type3A_53 = arith.extf %convert_element_type3A_52 : vector<1x32xbf16> to vector<1x32xf32>
    %mul3A_54 = vector.broadcast %convert_element_type3A_50 : vector<512x1xf32> to vector<512x32xf32>
    %mul3A_55 = vector.broadcast %convert_element_type3A_53 : vector<1x32xf32> to vector<512x32xf32>
    %mul3A_56 = arith.mulf %mul3A_54, %mul3A_55 : vector<512x32xf32>
    %add3A_57 = arith.addf %add3A_47, %mul3A_56 : vector<512x32xf32>
    %slice3A_58 = vector.extract_strided_slice %get3A_1 {offsets = [0, 0], sizes = [512, 1], strides = [1, 1]} : vector<512x80xf32> to vector<512x1xf32>
    %convert_element_type3A_59 = arith.truncf %slice3A_58 : vector<512x1xf32> to vector<512x1xbf16>
    %convert_element_type3A_60 = arith.extf %convert_element_type3A_59 : vector<512x1xbf16> to vector<512x1xf32>
    %slice3A_61 = vector.extract_strided_slice %get3A_7 {offsets = [4, 0], sizes = [1, 32], strides = [1, 1]} : vector<16x32xf32> to vector<1x32xf32>
    %convert_element_type3A_62 = arith.truncf %slice3A_61 : vector<1x32xf32> to vector<1x32xbf16>
    %convert_element_type3A_63 = arith.extf %convert_element_type3A_62 : vector<1x32xbf16> to vector<1x32xf32>
    %mul3A_64 = vector.broadcast %convert_element_type3A_60 : vector<512x1xf32> to vector<512x32xf32>
    %mul3A_65 = vector.broadcast %convert_element_type3A_63 : vector<1x32xf32> to vector<512x32xf32>
    %mul3A_66 = arith.mulf %mul3A_64, %mul3A_65 : vector<512x32xf32>
    %add3A_67 = arith.addf %add3A_57, %mul3A_66 : vector<512x32xf32>
    %slice3A_68 = vector.extract_strided_slice %get3A_1 {offsets = [0, 1], sizes = [512, 1], strides = [1, 1]} : vector<512x80xf32> to vector<512x1xf32>
    %convert_element_type3A_69 = arith.truncf %slice3A_68 : vector<512x1xf32> to vector<512x1xbf16>
    %convert_element_type3A_70 = arith.extf %convert_element_type3A_69 : vector<512x1xbf16> to vector<512x1xf32>
    %slice3A_71 = vector.extract_strided_slice %get3A_7 {offsets = [5, 0], sizes = [1, 32], strides = [1, 1]} : vector<16x32xf32> to vector<1x32xf32>
    %convert_element_type3A_72 = arith.truncf %slice3A_71 : vector<1x32xf32> to vector<1x32xbf16>
    %convert_element_type3A_73 = arith.extf %convert_element_type3A_72 : vector<1x32xbf16> to vector<1x32xf32>
    %mul3A_74 = vector.broadcast %convert_element_type3A_70 : vector<512x1xf32> to vector<512x32xf32>
    %mul3A_75 = vector.broadcast %convert_element_type3A_73 : vector<1x32xf32> to vector<512x32xf32>
    %mul3A_76 = arith.mulf %mul3A_74, %mul3A_75 : vector<512x32xf32>
    %add3A_77 = arith.addf %add3A_67, %mul3A_76 : vector<512x32xf32>
    %slice3A_78 = vector.extract_strided_slice %get3A_1 {offsets = [0, 2], sizes = [512, 1], strides = [1, 1]} : vector<512x80xf32> to vector<512x1xf32>
    %convert_element_type3A_79 = arith.truncf %slice3A_78 : vector<512x1xf32> to vector<512x1xbf16>
    %convert_element_type3A_80 = arith.extf %convert_element_type3A_79 : vector<512x1xbf16> to vector<512x1xf32>
    %slice3A_81 = vector.extract_strided_slice %get3A_7 {offsets = [6, 0], sizes = [1, 32], strides = [1, 1]} : vector<16x32xf32> to vector<1x32xf32>
    %convert_element_type3A_82 = arith.truncf %slice3A_81 : vector<1x32xf32> to vector<1x32xbf16>
    %convert_element_type3A_83 = arith.extf %convert_element_type3A_82 : vector<1x32xbf16> to vector<1x32xf32>
    %mul3A_84 = vector.broadcast %convert_element_type3A_80 : vector<512x1xf32> to vector<512x32xf32>
    %mul3A_85 = vector.broadcast %convert_element_type3A_83 : vector<1x32xf32> to vector<512x32xf32>
    %mul3A_86 = arith.mulf %mul3A_84, %mul3A_85 : vector<512x32xf32>
    %add3A_87 = arith.addf %add3A_77, %mul3A_86 : vector<512x32xf32>
    %convert_element_type3A_88 = arith.truncf %slice3A_9 : vector<512x1xf32> to vector<512x1xbf16>
    %convert_element_type3A_89 = arith.extf %convert_element_type3A_88 : vector<512x1xbf16> to vector<512x1xf32>
    %slice3A_90 = vector.extract_strided_slice %get3A_7 {offsets = [7, 0], sizes = [1, 32], strides = [1, 1]} : vector<16x32xf32> to vector<1x32xf32>
    %convert_element_type3A_91 = arith.truncf %slice3A_90 : vector<1x32xf32> to vector<1x32xbf16>
    %convert_element_type3A_92 = arith.extf %convert_element_type3A_91 : vector<1x32xbf16> to vector<1x32xf32>
    %mul3A_93 = vector.broadcast %convert_element_type3A_89 : vector<512x1xf32> to vector<512x32xf32>
    %mul3A_94 = vector.broadcast %convert_element_type3A_92 : vector<1x32xf32> to vector<512x32xf32>
    %mul3A_95 = arith.mulf %mul3A_93, %mul3A_94 : vector<512x32xf32>
    %add3A_96 = arith.addf %add3A_87, %mul3A_95 : vector<512x32xf32>
    %convert_element_type3A_97 = arith.truncf %slice3A_10 : vector<512x1xf32> to vector<512x1xbf16>
    %convert_element_type3A_98 = arith.extf %convert_element_type3A_97 : vector<512x1xbf16> to vector<512x1xf32>
    %slice3A_99 = vector.extract_strided_slice %get3A_7 {offsets = [8, 0], sizes = [1, 32], strides = [1, 1]} : vector<16x32xf32> to vector<1x32xf32>
    %convert_element_type3A_100 = arith.truncf %slice3A_99 : vector<1x32xf32> to vector<1x32xbf16>
    %convert_element_type3A_101 = arith.extf %convert_element_type3A_100 : vector<1x32xbf16> to vector<1x32xf32>
    %mul3A_102 = vector.broadcast %convert_element_type3A_98 : vector<512x1xf32> to vector<512x32xf32>
    %mul3A_103 = vector.broadcast %convert_element_type3A_101 : vector<1x32xf32> to vector<512x32xf32>
    %mul3A_104 = arith.mulf %mul3A_102, %mul3A_103 : vector<512x32xf32>
    %add3A_105 = arith.addf %add3A_96, %mul3A_104 : vector<512x32xf32>
    %convert_element_type3A_106 = arith.truncf %slice3A_11 : vector<512x1xf32> to vector<512x1xbf16>
    %convert_element_type3A_107 = arith.extf %convert_element_type3A_106 : vector<512x1xbf16> to vector<512x1xf32>
    %slice3A_108 = vector.extract_strided_slice %get3A_7 {offsets = [9, 0], sizes = [1, 32], strides = [1, 1]} : vector<16x32xf32> to vector<1x32xf32>
    %convert_element_type3A_109 = arith.truncf %slice3A_108 : vector<1x32xf32> to vector<1x32xbf16>
    %convert_element_type3A_110 = arith.extf %convert_element_type3A_109 : vector<1x32xbf16> to vector<1x32xf32>
    %mul3A_111 = vector.broadcast %convert_element_type3A_107 : vector<512x1xf32> to vector<512x32xf32>
    %mul3A_112 = vector.broadcast %convert_element_type3A_110 : vector<1x32xf32> to vector<512x32xf32>
    %mul3A_113 = arith.mulf %mul3A_111, %mul3A_112 : vector<512x32xf32>
    %add3A_114 = arith.addf %add3A_105, %mul3A_113 : vector<512x32xf32>
    %reduce_sum3A = arith.constant dense<0.000000e+00> : vector<32xf32>
    %reduce_sum3A_115 = vector.multi_reduction <add>, %add3A_114, %reduce_sum3A [0] : vector<512x32xf32> to vector<32xf32>
    %broadcast_in_dim3A = vector.shape_cast %reduce_sum3A_115 : vector<32xf32> to vector<1x32xf32>
    %mul3A_116 = arith.mulf %add3A_114, %add3A_114 : vector<512x32xf32>
    %reduce_sum3A_117 = arith.constant dense<0.000000e+00> : vector<32xf32>
    %reduce_sum3A_118 = vector.multi_reduction <add>, %mul3A_116, %reduce_sum3A_117 [0] : vector<512x32xf32> to vector<32xf32>
    %broadcast_in_dim3A_119 = vector.shape_cast %reduce_sum3A_118 : vector<32xf32> to vector<1x32xf32>
    %concatenate3A = tpu.concatenate %broadcast_in_dim3A, %broadcast_in_dim3A_119 in 0 : vector<1x32xf32>, vector<1x32xf32> -> vector<2x32xf32>
    %eq3A = arith.constant 0 : i32
    %eq3A_120 = arith.cmpi eq, %arg0, %eq3A : i32
    %convert_element_type3A_121 = arith.extui %eq3A_120 : i1 to i32
    %cond3A = arith.constant 0 : i32
    %cond3A_122 = arith.cmpi ne, %convert_element_type3A_121, %cond3A : i32
    scf.if %cond3A_122 {
      %swap3A = arith.constant 0 : index
      %swap3A_127 = arith.constant 0 : index
      %swap3A_128 = vector.load %arg4[%swap3A, %swap3A_127] : memref<2x32xf32, #tpu.memory_space<vmem>>, vector<2x32xf32>
      tpu.vector_store %arg4[%swap3A, %swap3A_127], %concatenate3A {strides = array<i32>} : memref<2x32xf32, #tpu.memory_space<vmem>>, vector<2x32xf32>,
    } else {
    }
    %ne3A = arith.constant 0 : i32
    %ne3A_123 = arith.cmpi ne, %arg0, %ne3A : i32
    %convert_element_type3A_124 = arith.extui %ne3A_123 : i1 to i32
    %cond3A_125 = arith.constant 0 : i32
    %cond3A_126 = arith.cmpi ne, %convert_element_type3A_124, %cond3A_125 : i32
    scf.if %cond3A_126 {
      %get3A_127 = arith.constant 0 : index
      %get3A_128 = arith.constant 0 : index
      %get3A_129 = vector.load %arg4[%get3A_127, %get3A_128] : memref<2x32xf32, #tpu.memory_space<vmem>>, vector<2x32xf32>
      %add3A_130 = arith.addf %get3A_129, %concatenate3A : vector<2x32xf32>
      %swap3A = arith.constant 0 : index
      %swap3A_131 = arith.constant 0 : index
      %swap3A_132 = vector.load %arg4[%swap3A, %swap3A_131] : memref<2x32xf32, #tpu.memory_space<vmem>>, vector<2x32xf32>
      tpu.vector_store %arg4[%swap3A, %swap3A_131], %add3A_130 {strides = array<i32>} : memref<2x32xf32, #tpu.memory_space<vmem>>, vector<2x32xf32>,
    } else {
    }
    return
  }
  func.func @transform_0(%arg0: i32) -> (i32, i32) {
    %c0_i32 = arith.constant 0 : i32
    %c0_i32_0 = arith.constant 0 : i32
    return %arg0, %c0_i32 : i32, i32
  }
  func.func @transform_1(%arg0: i32) -> (i32, i32) {
    %c0_i32 = arith.constant 0 : i32
    %c0_i32_0 = arith.constant 0 : i32
    return %arg0, %c0_i32 : i32, i32
  }
  func.func @transform_2(%arg0: i32) -> (i32, i32) {
    %c0_i32 = arith.constant 0 : i32
    %c0_i32_0 = arith.constant 0 : i32
    %c0_i32_1 = arith.constant 0 : i32
    return %c0_i32, %c0_i32_0 : i32, i32
  }
  func.func @transform_3(%arg0: i32) -> (i32, i32) {
    %c0_i32 = arith.constant 0 : i32
    %c0_i32_0 = arith.constant 0 : i32
    %c0_i32_1 = arith.constant 0 : i32
    return %c0_i32, %c0_i32_0 : i32, i32
  }
}

module attributes {stable_mosaic.version = 14 : i64} {
  func.func @_d2_body(%arg0: i32, %arg1: memref<512x80xf32, #tpu.memory_space<vmem>>, %arg2: memref<512x8xf32, #tpu.memory_space<vmem>>, %arg3: memref<16x32xf32, #tpu.memory_space<vmem>>, %arg4: memref<2x32xf32, #tpu.memory_space<vmem>>, %arg5: memref<32x128xf32, #tpu.memory_space<vmem>>, %arg6: memref<1x128xf32, #tpu.memory_space<vmem>>, %arg7: memref<16x128xf32, #tpu.memory_space<vmem>>, %arg8: memref<2x128xf32, #tpu.memory_space<vmem>>) attributes {dimension_semantics = [#tpu.dimension_semantics<arbitrary>], iteration_bounds = array<i64: 256>, scalar_prefetch = 0 : i64, scratch_operands = 0 : i64, tpu.core_type = #tpu.core_type<tc>, window_params = [{transform_indices = @transform_0, window_bounds = array<i64: 512, 80>}, {transform_indices = @transform_1, window_bounds = array<i64: 512, 8>}, {pipeline_mode = #tpu.pipeline_mode<synchronous>, transform_indices = @transform_2, window_bounds = array<i64: 16, 32>}, {pipeline_mode = #tpu.pipeline_mode<synchronous>, transform_indices = @transform_3, window_bounds = array<i64: 2, 32>}, {pipeline_mode = #tpu.pipeline_mode<synchronous>, transform_indices = @transform_4, window_bounds = array<i64: 32, 128>}, {pipeline_mode = #tpu.pipeline_mode<synchronous>, transform_indices = @transform_5, window_bounds = array<i64: 1, 128>}, {transform_indices = @transform_6, window_bounds = array<i64: 16, 128>}, {pipeline_mode = #tpu.pipeline_mode<synchronous>, transform_indices = @transform_7, window_bounds = array<i64: 2, 128>}]} {
    %get3A = arith.constant 0 : index
    %get3A_0 = arith.constant 0 : index
    %get3A_1 = vector.load %arg1[%get3A, %get3A_0] : memref<512x80xf32, #tpu.memory_space<vmem>>, vector<512x80xf32>
    %get3A_2 = arith.constant 0 : index
    %get3A_3 = arith.constant 0 : index
    %get3A_4 = vector.load %arg2[%get3A_2, %get3A_3] : memref<512x8xf32, #tpu.memory_space<vmem>>, vector<512x8xf32>
    %get3A_5 = arith.constant 0 : index
    %get3A_6 = arith.constant 0 : index
    %get3A_7 = vector.load %arg3[%get3A_5, %get3A_6] : memref<16x32xf32, #tpu.memory_space<vmem>>, vector<16x32xf32>
    %slice3A = vector.extract_strided_slice %get3A_1 {offsets = [0, 0], sizes = [512, 3], strides = [1, 1]} : vector<512x80xf32> to vector<512x3xf32>
    %slice3A_8 = vector.extract_strided_slice %get3A_4 {offsets = [0, 0], sizes = [512, 3], strides = [1, 1]} : vector<512x8xf32> to vector<512x3xf32>
    %sub3A = arith.subf %slice3A, %slice3A_8 : vector<512x3xf32>
    %slice3A_9 = vector.extract_strided_slice %sub3A {offsets = [0, 0], sizes = [512, 1], strides = [1, 1]} : vector<512x3xf32> to vector<512x1xf32>
    %slice3A_10 = vector.extract_strided_slice %sub3A {offsets = [0, 1], sizes = [512, 1], strides = [1, 1]} : vector<512x3xf32> to vector<512x1xf32>
    %slice3A_11 = vector.extract_strided_slice %sub3A {offsets = [0, 2], sizes = [512, 1], strides = [1, 1]} : vector<512x3xf32> to vector<512x1xf32>
    %mul3A = arith.mulf %slice3A_9, %slice3A_9 : vector<512x1xf32>
    %mul3A_12 = arith.mulf %slice3A_10, %slice3A_10 : vector<512x1xf32>
    %add3A = arith.addf %mul3A, %mul3A_12 : vector<512x1xf32>
    %mul3A_13 = arith.mulf %slice3A_11, %slice3A_11 : vector<512x1xf32>
    %add3A_14 = arith.addf %add3A, %mul3A_13 : vector<512x1xf32>
    %add3A_15 = arith.constant 9.99999996E-13 : f32
    %add3A_16 = vector.broadcast %add3A_15 : f32 to vector<512x1xf32>
    %add3A_17 = arith.addf %add3A_14, %add3A_16 : vector<512x1xf32>
    %sqrt3A = math.sqrt %add3A_17 : vector<512x1xf32>
    %slice3A_18 = vector.extract_strided_slice %get3A_7 {offsets = [15, 0], sizes = [1, 32], strides = [1, 1]} : vector<16x32xf32> to vector<1x32xf32>
    %convert_element_type3A = arith.truncf %sqrt3A : vector<512x1xf32> to vector<512x1xbf16>
    %convert_element_type3A_19 = arith.extf %convert_element_type3A : vector<512x1xbf16> to vector<512x1xf32>
    %slice3A_20 = vector.extract_strided_slice %get3A_7 {offsets = [0, 0], sizes = [1, 32], strides = [1, 1]} : vector<16x32xf32> to vector<1x32xf32>
    %convert_element_type3A_21 = arith.truncf %slice3A_20 : vector<1x32xf32> to vector<1x32xbf16>
    %convert_element_type3A_22 = arith.extf %convert_element_type3A_21 : vector<1x32xbf16> to vector<1x32xf32>
    %mul3A_23 = vector.broadcast %convert_element_type3A_19 : vector<512x1xf32> to vector<512x32xf32>
    %mul3A_24 = vector.broadcast %convert_element_type3A_22 : vector<1x32xf32> to vector<512x32xf32>
    %mul3A_25 = arith.mulf %mul3A_23, %mul3A_24 : vector<512x32xf32>
    %add3A_26 = vector.broadcast %slice3A_18 : vector<1x32xf32> to vector<512x32xf32>
    %add3A_27 = arith.addf %add3A_26, %mul3A_25 : vector<512x32xf32>
    %slice3A_28 = vector.extract_strided_slice %get3A_4 {offsets = [0, 3], sizes = [512, 1], strides = [1, 1]} : vector<512x8xf32> to vector<512x1xf32>
    %convert_element_type3A_29 = arith.truncf %slice3A_28 : vector<512x1xf32> to vector<512x1xbf16>
    %convert_element_type3A_30 = arith.extf %convert_element_type3A_29 : vector<512x1xbf16> to vector<512x1xf32>
    %slice3A_31 = vector.extract_strided_slice %get3A_7 {offsets = [1, 0], sizes = [1, 32], strides = [1, 1]} : vector<16x32xf32> to vector<1x32xf32>
    %convert_element_type3A_32 = arith.truncf %slice3A_31 : vector<1x32xf32> to vector<1x32xbf16>
    %convert_element_type3A_33 = arith.extf %convert_element_type3A_32 : vector<1x32xbf16> to vector<1x32xf32>
    %mul3A_34 = vector.broadcast %convert_element_type3A_30 : vector<512x1xf32> to vector<512x32xf32>
    %mul3A_35 = vector.broadcast %convert_element_type3A_33 : vector<1x32xf32> to vector<512x32xf32>
    %mul3A_36 = arith.mulf %mul3A_34, %mul3A_35 : vector<512x32xf32>
    %add3A_37 = arith.addf %add3A_27, %mul3A_36 : vector<512x32xf32>
    %slice3A_38 = vector.extract_strided_slice %get3A_4 {offsets = [0, 4], sizes = [512, 1], strides = [1, 1]} : vector<512x8xf32> to vector<512x1xf32>
    %convert_element_type3A_39 = arith.truncf %slice3A_38 : vector<512x1xf32> to vector<512x1xbf16>
    %convert_element_type3A_40 = arith.extf %convert_element_type3A_39 : vector<512x1xbf16> to vector<512x1xf32>
    %slice3A_41 = vector.extract_strided_slice %get3A_7 {offsets = [2, 0], sizes = [1, 32], strides = [1, 1]} : vector<16x32xf32> to vector<1x32xf32>
    %convert_element_type3A_42 = arith.truncf %slice3A_41 : vector<1x32xf32> to vector<1x32xbf16>
    %convert_element_type3A_43 = arith.extf %convert_element_type3A_42 : vector<1x32xbf16> to vector<1x32xf32>
    %mul3A_44 = vector.broadcast %convert_element_type3A_40 : vector<512x1xf32> to vector<512x32xf32>
    %mul3A_45 = vector.broadcast %convert_element_type3A_43 : vector<1x32xf32> to vector<512x32xf32>
    %mul3A_46 = arith.mulf %mul3A_44, %mul3A_45 : vector<512x32xf32>
    %add3A_47 = arith.addf %add3A_37, %mul3A_46 : vector<512x32xf32>
    %slice3A_48 = vector.extract_strided_slice %get3A_4 {offsets = [0, 5], sizes = [512, 1], strides = [1, 1]} : vector<512x8xf32> to vector<512x1xf32>
    %convert_element_type3A_49 = arith.truncf %slice3A_48 : vector<512x1xf32> to vector<512x1xbf16>
    %convert_element_type3A_50 = arith.extf %convert_element_type3A_49 : vector<512x1xbf16> to vector<512x1xf32>
    %slice3A_51 = vector.extract_strided_slice %get3A_7 {offsets = [3, 0], sizes = [1, 32], strides = [1, 1]} : vector<16x32xf32> to vector<1x32xf32>
    %convert_element_type3A_52 = arith.truncf %slice3A_51 : vector<1x32xf32> to vector<1x32xbf16>
    %convert_element_type3A_53 = arith.extf %convert_element_type3A_52 : vector<1x32xbf16> to vector<1x32xf32>
    %mul3A_54 = vector.broadcast %convert_element_type3A_50 : vector<512x1xf32> to vector<512x32xf32>
    %mul3A_55 = vector.broadcast %convert_element_type3A_53 : vector<1x32xf32> to vector<512x32xf32>
    %mul3A_56 = arith.mulf %mul3A_54, %mul3A_55 : vector<512x32xf32>
    %add3A_57 = arith.addf %add3A_47, %mul3A_56 : vector<512x32xf32>
    %slice3A_58 = vector.extract_strided_slice %get3A_1 {offsets = [0, 0], sizes = [512, 1], strides = [1, 1]} : vector<512x80xf32> to vector<512x1xf32>
    %convert_element_type3A_59 = arith.truncf %slice3A_58 : vector<512x1xf32> to vector<512x1xbf16>
    %convert_element_type3A_60 = arith.extf %convert_element_type3A_59 : vector<512x1xbf16> to vector<512x1xf32>
    %slice3A_61 = vector.extract_strided_slice %get3A_7 {offsets = [4, 0], sizes = [1, 32], strides = [1, 1]} : vector<16x32xf32> to vector<1x32xf32>
    %convert_element_type3A_62 = arith.truncf %slice3A_61 : vector<1x32xf32> to vector<1x32xbf16>
    %convert_element_type3A_63 = arith.extf %convert_element_type3A_62 : vector<1x32xbf16> to vector<1x32xf32>
    %mul3A_64 = vector.broadcast %convert_element_type3A_60 : vector<512x1xf32> to vector<512x32xf32>
    %mul3A_65 = vector.broadcast %convert_element_type3A_63 : vector<1x32xf32> to vector<512x32xf32>
    %mul3A_66 = arith.mulf %mul3A_64, %mul3A_65 : vector<512x32xf32>
    %add3A_67 = arith.addf %add3A_57, %mul3A_66 : vector<512x32xf32>
    %slice3A_68 = vector.extract_strided_slice %get3A_1 {offsets = [0, 1], sizes = [512, 1], strides = [1, 1]} : vector<512x80xf32> to vector<512x1xf32>
    %convert_element_type3A_69 = arith.truncf %slice3A_68 : vector<512x1xf32> to vector<512x1xbf16>
    %convert_element_type3A_70 = arith.extf %convert_element_type3A_69 : vector<512x1xbf16> to vector<512x1xf32>
    %slice3A_71 = vector.extract_strided_slice %get3A_7 {offsets = [5, 0], sizes = [1, 32], strides = [1, 1]} : vector<16x32xf32> to vector<1x32xf32>
    %convert_element_type3A_72 = arith.truncf %slice3A_71 : vector<1x32xf32> to vector<1x32xbf16>
    %convert_element_type3A_73 = arith.extf %convert_element_type3A_72 : vector<1x32xbf16> to vector<1x32xf32>
    %mul3A_74 = vector.broadcast %convert_element_type3A_70 : vector<512x1xf32> to vector<512x32xf32>
    %mul3A_75 = vector.broadcast %convert_element_type3A_73 : vector<1x32xf32> to vector<512x32xf32>
    %mul3A_76 = arith.mulf %mul3A_74, %mul3A_75 : vector<512x32xf32>
    %add3A_77 = arith.addf %add3A_67, %mul3A_76 : vector<512x32xf32>
    %slice3A_78 = vector.extract_strided_slice %get3A_1 {offsets = [0, 2], sizes = [512, 1], strides = [1, 1]} : vector<512x80xf32> to vector<512x1xf32>
    %convert_element_type3A_79 = arith.truncf %slice3A_78 : vector<512x1xf32> to vector<512x1xbf16>
    %convert_element_type3A_80 = arith.extf %convert_element_type3A_79 : vector<512x1xbf16> to vector<512x1xf32>
    %slice3A_81 = vector.extract_strided_slice %get3A_7 {offsets = [6, 0], sizes = [1, 32], strides = [1, 1]} : vector<16x32xf32> to vector<1x32xf32>
    %convert_element_type3A_82 = arith.truncf %slice3A_81 : vector<1x32xf32> to vector<1x32xbf16>
    %convert_element_type3A_83 = arith.extf %convert_element_type3A_82 : vector<1x32xbf16> to vector<1x32xf32>
    %mul3A_84 = vector.broadcast %convert_element_type3A_80 : vector<512x1xf32> to vector<512x32xf32>
    %mul3A_85 = vector.broadcast %convert_element_type3A_83 : vector<1x32xf32> to vector<512x32xf32>
    %mul3A_86 = arith.mulf %mul3A_84, %mul3A_85 : vector<512x32xf32>
    %add3A_87 = arith.addf %add3A_77, %mul3A_86 : vector<512x32xf32>
    %convert_element_type3A_88 = arith.truncf %slice3A_9 : vector<512x1xf32> to vector<512x1xbf16>
    %convert_element_type3A_89 = arith.extf %convert_element_type3A_88 : vector<512x1xbf16> to vector<512x1xf32>
    %slice3A_90 = vector.extract_strided_slice %get3A_7 {offsets = [7, 0], sizes = [1, 32], strides = [1, 1]} : vector<16x32xf32> to vector<1x32xf32>
    %convert_element_type3A_91 = arith.truncf %slice3A_90 : vector<1x32xf32> to vector<1x32xbf16>
    %convert_element_type3A_92 = arith.extf %convert_element_type3A_91 : vector<1x32xbf16> to vector<1x32xf32>
    %mul3A_93 = vector.broadcast %convert_element_type3A_89 : vector<512x1xf32> to vector<512x32xf32>
    %mul3A_94 = vector.broadcast %convert_element_type3A_92 : vector<1x32xf32> to vector<512x32xf32>
    %mul3A_95 = arith.mulf %mul3A_93, %mul3A_94 : vector<512x32xf32>
    %add3A_96 = arith.addf %add3A_87, %mul3A_95 : vector<512x32xf32>
    %convert_element_type3A_97 = arith.truncf %slice3A_10 : vector<512x1xf32> to vector<512x1xbf16>
    %convert_element_type3A_98 = arith.extf %convert_element_type3A_97 : vector<512x1xbf16> to vector<512x1xf32>
    %slice3A_99 = vector.extract_strided_slice %get3A_7 {offsets = [8, 0], sizes = [1, 32], strides = [1, 1]} : vector<16x32xf32> to vector<1x32xf32>
    %convert_element_type3A_100 = arith.truncf %slice3A_99 : vector<1x32xf32> to vector<1x32xbf16>
    %convert_element_type3A_101 = arith.extf %convert_element_type3A_100 : vector<1x32xbf16> to vector<1x32xf32>
    %mul3A_102 = vector.broadcast %convert_element_type3A_98 : vector<512x1xf32> to vector<512x32xf32>
    %mul3A_103 = vector.broadcast %convert_element_type3A_101 : vector<1x32xf32> to vector<512x32xf32>
    %mul3A_104 = arith.mulf %mul3A_102, %mul3A_103 : vector<512x32xf32>
    %add3A_105 = arith.addf %add3A_96, %mul3A_104 : vector<512x32xf32>
    %convert_element_type3A_106 = arith.truncf %slice3A_11 : vector<512x1xf32> to vector<512x1xbf16>
    %convert_element_type3A_107 = arith.extf %convert_element_type3A_106 : vector<512x1xbf16> to vector<512x1xf32>
    %slice3A_108 = vector.extract_strided_slice %get3A_7 {offsets = [9, 0], sizes = [1, 32], strides = [1, 1]} : vector<16x32xf32> to vector<1x32xf32>
    %convert_element_type3A_109 = arith.truncf %slice3A_108 : vector<1x32xf32> to vector<1x32xbf16>
    %convert_element_type3A_110 = arith.extf %convert_element_type3A_109 : vector<1x32xbf16> to vector<1x32xf32>
    %mul3A_111 = vector.broadcast %convert_element_type3A_107 : vector<512x1xf32> to vector<512x32xf32>
    %mul3A_112 = vector.broadcast %convert_element_type3A_110 : vector<1x32xf32> to vector<512x32xf32>
    %mul3A_113 = arith.mulf %mul3A_111, %mul3A_112 : vector<512x32xf32>
    %add3A_114 = arith.addf %add3A_105, %mul3A_113 : vector<512x32xf32>
    %get3A_115 = arith.constant 0 : index
    %get3A_116 = arith.constant 0 : index
    %get3A_117 = vector.load %arg4[%get3A_115, %get3A_116] : memref<2x32xf32, #tpu.memory_space<vmem>>, vector<2x32xf32>
    %slice3A_118 = vector.extract_strided_slice %get3A_117 {offsets = [0, 0], sizes = [1, 32], strides = [1, 1]} : vector<2x32xf32> to vector<1x32xf32>
    %mul3A_119 = arith.constant 7.62939453E-6 : f32
    %mul3A_120 = vector.broadcast %mul3A_119 : f32 to vector<1x32xf32>
    %mul3A_121 = arith.mulf %slice3A_118, %mul3A_120 : vector<1x32xf32>
    %slice3A_122 = vector.extract_strided_slice %get3A_117 {offsets = [1, 0], sizes = [1, 32], strides = [1, 1]} : vector<2x32xf32> to vector<1x32xf32>
    %mul3A_123 = arith.constant 7.62939453E-6 : f32
    %mul3A_124 = vector.broadcast %mul3A_123 : f32 to vector<1x32xf32>
    %mul3A_125 = arith.mulf %slice3A_122, %mul3A_124 : vector<1x32xf32>
    %mul3A_126 = arith.mulf %mul3A_121, %mul3A_121 : vector<1x32xf32>
    %sub3A_127 = arith.subf %mul3A_125, %mul3A_126 : vector<1x32xf32>
    %add3A_128 = arith.constant 9.99999974E-6 : f32
    %add3A_129 = vector.broadcast %add3A_128 : f32 to vector<1x32xf32>
    %add3A_130 = arith.addf %sub3A_127, %add3A_129 : vector<1x32xf32>
    %sqrt3A_131 = math.sqrt %add3A_130 : vector<1x32xf32>
    %div3A = arith.constant 1.000000e+00 : f32
    %div3A_132 = vector.broadcast %div3A : f32 to vector<1x32xf32>
    %div3A_133 = arith.divf %div3A_132, %sqrt3A_131 : vector<1x32xf32>
    %sub3A_134 = vector.broadcast %mul3A_121 : vector<1x32xf32> to vector<512x32xf32>
    %sub3A_135 = arith.subf %add3A_114, %sub3A_134 : vector<512x32xf32>
    %mul3A_136 = vector.broadcast %div3A_133 : vector<1x32xf32> to vector<512x32xf32>
    %mul3A_137 = arith.mulf %sub3A_135, %mul3A_136 : vector<512x32xf32>
    %max3A = arith.constant 0.000000e+00 : f32
    %max3A_138 = vector.broadcast %max3A : f32 to vector<512x32xf32>
    %max3A_139 = arith.maximumf %mul3A_137, %max3A_138 : vector<512x32xf32>
    %convert_element_type3A_140 = arith.truncf %max3A_139 : vector<512x32xf32> to vector<512x32xbf16>
    %convert_element_type3A_141 = arith.extf %convert_element_type3A_140 : vector<512x32xbf16> to vector<512x32xf32>
    %get3A_142 = arith.constant 0 : index
    %get3A_143 = arith.constant 0 : index
    %get3A_144 = vector.load %arg5[%get3A_142, %get3A_143] : memref<32x128xf32, #tpu.memory_space<vmem>>, vector<32x128xf32>
    %convert_element_type3A_145 = arith.truncf %get3A_144 : vector<32x128xf32> to vector<32x128xbf16>
    %convert_element_type3A_146 = arith.extf %convert_element_type3A_145 : vector<32x128xbf16> to vector<32x128xf32>
    %dot_general3A = arith.constant dense<0.000000e+00> : vector<512x128xf32>
    %dot_general3A_147 = tpu.matmul %convert_element_type3A_141, %convert_element_type3A_146, %dot_general3A {dimension_numbers = #tpu.dot_dimension_numbers<[1], [0], [0], [1], [0, 0, 1, 1], [], []>, precision = #tpu.contract_precision<fp32>, transpose_lhs_hint = false} : vector<512x32xf32>, vector<32x128xf32>, vector<512x128xf32> -> vector<512x128xf32>
    %get3A_148 = arith.constant 0 : index
    %get3A_149 = arith.constant 0 : index
    %get3A_150 = vector.load %arg6[%get3A_148, %get3A_149] : memref<1x128xf32, #tpu.memory_space<vmem>>, vector<1x128xf32>
    %add3A_151 = vector.broadcast %get3A_150 : vector<1x128xf32> to vector<512x128xf32>
    %add3A_152 = arith.addf %dot_general3A_147, %add3A_151 : vector<512x128xf32>
    %get3A_153 = arith.constant 0 : index
    %get3A_154 = arith.constant 16 : index
    %get3A_155 = vector.load %arg1[%get3A_153, %get3A_154] : memref<512x80xf32, #tpu.memory_space<vmem>>, vector<512x64xf32>
    %broadcast_in_dim3A = arith.constant 0.000000e+00 : f32
    %broadcast_in_dim3A_156 = vector.broadcast %broadcast_in_dim3A : f32 to vector<512x61xf32>
    %concatenate3A = tpu.concatenate %sub3A, %get3A_155, %broadcast_in_dim3A_156 in 1 : vector<512x3xf32>, vector<512x64xf32>, vector<512x61xf32> -> vector<512x128xf32>
    %mul3A_157 = arith.mulf %add3A_152, %concatenate3A : vector<512x128xf32>
    %reduce_sum3A = arith.constant dense<0.000000e+00> : vector<128xf32>
    %reduce_sum3A_158 = vector.multi_reduction <add>, %mul3A_157, %reduce_sum3A [0] : vector<512x128xf32> to vector<128xf32>
    %broadcast_in_dim3A_159 = vector.shape_cast %reduce_sum3A_158 : vector<128xf32> to vector<1x128xf32>
    %mul3A_160 = arith.mulf %mul3A_157, %mul3A_157 : vector<512x128xf32>
    %reduce_sum3A_161 = arith.constant dense<0.000000e+00> : vector<128xf32>
    %reduce_sum3A_162 = vector.multi_reduction <add>, %mul3A_160, %reduce_sum3A_161 [0] : vector<512x128xf32> to vector<128xf32>
    %broadcast_in_dim3A_163 = vector.shape_cast %reduce_sum3A_162 : vector<128xf32> to vector<1x128xf32>
    %concatenate3A_164 = tpu.concatenate %broadcast_in_dim3A_159, %broadcast_in_dim3A_163 in 0 : vector<1x128xf32>, vector<1x128xf32> -> vector<2x128xf32>
    %eq3A = arith.constant 0 : i32
    %eq3A_165 = arith.cmpi eq, %arg0, %eq3A : i32
    %convert_element_type3A_166 = arith.extui %eq3A_165 : i1 to i32
    %cond3A = arith.constant 0 : i32
    %cond3A_167 = arith.cmpi ne, %convert_element_type3A_166, %cond3A : i32
    scf.if %cond3A_167 {
      %swap3A_282 = arith.constant 0 : index
      %swap3A_283 = arith.constant 0 : index
      %swap3A_284 = vector.load %arg8[%swap3A_282, %swap3A_283] : memref<2x128xf32, #tpu.memory_space<vmem>>, vector<2x128xf32>
      tpu.vector_store %arg8[%swap3A_282, %swap3A_283], %concatenate3A_164 {strides = array<i32>} : memref<2x128xf32, #tpu.memory_space<vmem>>, vector<2x128xf32>,
    } else {
    }
    %ne3A = arith.constant 0 : i32
    %ne3A_168 = arith.cmpi ne, %arg0, %ne3A : i32
    %convert_element_type3A_169 = arith.extui %ne3A_168 : i1 to i32
    %cond3A_170 = arith.constant 0 : i32
    %cond3A_171 = arith.cmpi ne, %convert_element_type3A_169, %cond3A_170 : i32
    scf.if %cond3A_171 {
      %get3A_282 = arith.constant 0 : index
      %get3A_283 = arith.constant 0 : index
      %get3A_284 = vector.load %arg8[%get3A_282, %get3A_283] : memref<2x128xf32, #tpu.memory_space<vmem>>, vector<2x128xf32>
      %add3A_285 = arith.addf %get3A_284, %concatenate3A_164 : vector<2x128xf32>
      %swap3A_286 = arith.constant 0 : index
      %swap3A_287 = arith.constant 0 : index
      %swap3A_288 = vector.load %arg8[%swap3A_286, %swap3A_287] : memref<2x128xf32, #tpu.memory_space<vmem>>, vector<2x128xf32>
      tpu.vector_store %arg8[%swap3A_286, %swap3A_287], %add3A_285 {strides = array<i32>} : memref<2x128xf32, #tpu.memory_space<vmem>>, vector<2x128xf32>,
    } else {
    }
    %slice3A_172 = vector.extract_strided_slice %mul3A_157 {offsets = [0, 0], sizes = [32, 128], strides = [1, 1]} : vector<512x128xf32> to vector<32x128xf32>
    %reduce_max3A = arith.constant dense<0xFF800000> : vector<128xf32>
    %reduce_max3A_173 = vector.multi_reduction <maximumf>, %slice3A_172, %reduce_max3A [0] : vector<32x128xf32> to vector<128xf32>
    %broadcast_in_dim3A_174 = vector.shape_cast %reduce_max3A_173 : vector<128xf32> to vector<1x128xf32>
    %swap3A = arith.constant 0 : index
    %swap3A_175 = arith.constant 0 : index
    %swap3A_176 = vector.load %arg7[%swap3A, %swap3A_175] : memref<16x128xf32, #tpu.memory_space<vmem>>, vector<1x128xf32>
    tpu.vector_store %arg7[%swap3A, %swap3A_175], %broadcast_in_dim3A_174 {strides = array<i32>} : memref<16x128xf32, #tpu.memory_space<vmem>>, vector<1x128xf32>,
    %slice3A_177 = vector.extract_strided_slice %mul3A_157 {offsets = [32, 0], sizes = [32, 128], strides = [1, 1]} : vector<512x128xf32> to vector<32x128xf32>
    %reduce_max3A_178 = arith.constant dense<0xFF800000> : vector<128xf32>
    %reduce_max3A_179 = vector.multi_reduction <maximumf>, %slice3A_177, %reduce_max3A_178 [0] : vector<32x128xf32> to vector<128xf32>
    %broadcast_in_dim3A_180 = vector.shape_cast %reduce_max3A_179 : vector<128xf32> to vector<1x128xf32>
    %swap3A_181 = arith.constant 1 : index
    %swap3A_182 = arith.constant 0 : index
    %swap3A_183 = vector.load %arg7[%swap3A_181, %swap3A_182] : memref<16x128xf32, #tpu.memory_space<vmem>>, vector<1x128xf32>
    tpu.vector_store %arg7[%swap3A_181, %swap3A_182], %broadcast_in_dim3A_180 {strides = array<i32>} : memref<16x128xf32, #tpu.memory_space<vmem>>, vector<1x128xf32>,
    %slice3A_184 = vector.extract_strided_slice %mul3A_157 {offsets = [64, 0], sizes = [32, 128], strides = [1, 1]} : vector<512x128xf32> to vector<32x128xf32>
    %reduce_max3A_185 = arith.constant dense<0xFF800000> : vector<128xf32>
    %reduce_max3A_186 = vector.multi_reduction <maximumf>, %slice3A_184, %reduce_max3A_185 [0] : vector<32x128xf32> to vector<128xf32>
    %broadcast_in_dim3A_187 = vector.shape_cast %reduce_max3A_186 : vector<128xf32> to vector<1x128xf32>
    %swap3A_188 = arith.constant 2 : index
    %swap3A_189 = arith.constant 0 : index
    %swap3A_190 = vector.load %arg7[%swap3A_188, %swap3A_189] : memref<16x128xf32, #tpu.memory_space<vmem>>, vector<1x128xf32>
    tpu.vector_store %arg7[%swap3A_188, %swap3A_189], %broadcast_in_dim3A_187 {strides = array<i32>} : memref<16x128xf32, #tpu.memory_space<vmem>>, vector<1x128xf32>,
    %slice3A_191 = vector.extract_strided_slice %mul3A_157 {offsets = [96, 0], sizes = [32, 128], strides = [1, 1]} : vector<512x128xf32> to vector<32x128xf32>
    %reduce_max3A_192 = arith.constant dense<0xFF800000> : vector<128xf32>
    %reduce_max3A_193 = vector.multi_reduction <maximumf>, %slice3A_191, %reduce_max3A_192 [0] : vector<32x128xf32> to vector<128xf32>
    %broadcast_in_dim3A_194 = vector.shape_cast %reduce_max3A_193 : vector<128xf32> to vector<1x128xf32>
    %swap3A_195 = arith.constant 3 : index
    %swap3A_196 = arith.constant 0 : index
    %swap3A_197 = vector.load %arg7[%swap3A_195, %swap3A_196] : memref<16x128xf32, #tpu.memory_space<vmem>>, vector<1x128xf32>
    tpu.vector_store %arg7[%swap3A_195, %swap3A_196], %broadcast_in_dim3A_194 {strides = array<i32>} : memref<16x128xf32, #tpu.memory_space<vmem>>, vector<1x128xf32>,
    %slice3A_198 = vector.extract_strided_slice %mul3A_157 {offsets = [128, 0], sizes = [32, 128], strides = [1, 1]} : vector<512x128xf32> to vector<32x128xf32>
    %reduce_max3A_199 = arith.constant dense<0xFF800000> : vector<128xf32>
    %reduce_max3A_200 = vector.multi_reduction <maximumf>, %slice3A_198, %reduce_max3A_199 [0] : vector<32x128xf32> to vector<128xf32>
    %broadcast_in_dim3A_201 = vector.shape_cast %reduce_max3A_200 : vector<128xf32> to vector<1x128xf32>
    %swap3A_202 = arith.constant 4 : index
    %swap3A_203 = arith.constant 0 : index
    %swap3A_204 = vector.load %arg7[%swap3A_202, %swap3A_203] : memref<16x128xf32, #tpu.memory_space<vmem>>, vector<1x128xf32>
    tpu.vector_store %arg7[%swap3A_202, %swap3A_203], %broadcast_in_dim3A_201 {strides = array<i32>} : memref<16x128xf32, #tpu.memory_space<vmem>>, vector<1x128xf32>,
    %slice3A_205 = vector.extract_strided_slice %mul3A_157 {offsets = [160, 0], sizes = [32, 128], strides = [1, 1]} : vector<512x128xf32> to vector<32x128xf32>
    %reduce_max3A_206 = arith.constant dense<0xFF800000> : vector<128xf32>
    %reduce_max3A_207 = vector.multi_reduction <maximumf>, %slice3A_205, %reduce_max3A_206 [0] : vector<32x128xf32> to vector<128xf32>
    %broadcast_in_dim3A_208 = vector.shape_cast %reduce_max3A_207 : vector<128xf32> to vector<1x128xf32>
    %swap3A_209 = arith.constant 5 : index
    %swap3A_210 = arith.constant 0 : index
    %swap3A_211 = vector.load %arg7[%swap3A_209, %swap3A_210] : memref<16x128xf32, #tpu.memory_space<vmem>>, vector<1x128xf32>
    tpu.vector_store %arg7[%swap3A_209, %swap3A_210], %broadcast_in_dim3A_208 {strides = array<i32>} : memref<16x128xf32, #tpu.memory_space<vmem>>, vector<1x128xf32>,
    %slice3A_212 = vector.extract_strided_slice %mul3A_157 {offsets = [192, 0], sizes = [32, 128], strides = [1, 1]} : vector<512x128xf32> to vector<32x128xf32>
    %reduce_max3A_213 = arith.constant dense<0xFF800000> : vector<128xf32>
    %reduce_max3A_214 = vector.multi_reduction <maximumf>, %slice3A_212, %reduce_max3A_213 [0] : vector<32x128xf32> to vector<128xf32>
    %broadcast_in_dim3A_215 = vector.shape_cast %reduce_max3A_214 : vector<128xf32> to vector<1x128xf32>
    %swap3A_216 = arith.constant 6 : index
    %swap3A_217 = arith.constant 0 : index
    %swap3A_218 = vector.load %arg7[%swap3A_216, %swap3A_217] : memref<16x128xf32, #tpu.memory_space<vmem>>, vector<1x128xf32>
    tpu.vector_store %arg7[%swap3A_216, %swap3A_217], %broadcast_in_dim3A_215 {strides = array<i32>} : memref<16x128xf32, #tpu.memory_space<vmem>>, vector<1x128xf32>,
    %slice3A_219 = vector.extract_strided_slice %mul3A_157 {offsets = [224, 0], sizes = [32, 128], strides = [1, 1]} : vector<512x128xf32> to vector<32x128xf32>
    %reduce_max3A_220 = arith.constant dense<0xFF800000> : vector<128xf32>
    %reduce_max3A_221 = vector.multi_reduction <maximumf>, %slice3A_219, %reduce_max3A_220 [0] : vector<32x128xf32> to vector<128xf32>
    %broadcast_in_dim3A_222 = vector.shape_cast %reduce_max3A_221 : vector<128xf32> to vector<1x128xf32>
    %swap3A_223 = arith.constant 7 : index
    %swap3A_224 = arith.constant 0 : index
    %swap3A_225 = vector.load %arg7[%swap3A_223, %swap3A_224] : memref<16x128xf32, #tpu.memory_space<vmem>>, vector<1x128xf32>
    tpu.vector_store %arg7[%swap3A_223, %swap3A_224], %broadcast_in_dim3A_222 {strides = array<i32>} : memref<16x128xf32, #tpu.memory_space<vmem>>, vector<1x128xf32>,
    %slice3A_226 = vector.extract_strided_slice %mul3A_157 {offsets = [256, 0], sizes = [32, 128], strides = [1, 1]} : vector<512x128xf32> to vector<32x128xf32>
    %reduce_max3A_227 = arith.constant dense<0xFF800000> : vector<128xf32>
    %reduce_max3A_228 = vector.multi_reduction <maximumf>, %slice3A_226, %reduce_max3A_227 [0] : vector<32x128xf32> to vector<128xf32>
    %broadcast_in_dim3A_229 = vector.shape_cast %reduce_max3A_228 : vector<128xf32> to vector<1x128xf32>
    %swap3A_230 = arith.constant 8 : index
    %swap3A_231 = arith.constant 0 : index
    %swap3A_232 = vector.load %arg7[%swap3A_230, %swap3A_231] : memref<16x128xf32, #tpu.memory_space<vmem>>, vector<1x128xf32>
    tpu.vector_store %arg7[%swap3A_230, %swap3A_231], %broadcast_in_dim3A_229 {strides = array<i32>} : memref<16x128xf32, #tpu.memory_space<vmem>>, vector<1x128xf32>,
    %slice3A_233 = vector.extract_strided_slice %mul3A_157 {offsets = [288, 0], sizes = [32, 128], strides = [1, 1]} : vector<512x128xf32> to vector<32x128xf32>
    %reduce_max3A_234 = arith.constant dense<0xFF800000> : vector<128xf32>
    %reduce_max3A_235 = vector.multi_reduction <maximumf>, %slice3A_233, %reduce_max3A_234 [0] : vector<32x128xf32> to vector<128xf32>
    %broadcast_in_dim3A_236 = vector.shape_cast %reduce_max3A_235 : vector<128xf32> to vector<1x128xf32>
    %swap3A_237 = arith.constant 9 : index
    %swap3A_238 = arith.constant 0 : index
    %swap3A_239 = vector.load %arg7[%swap3A_237, %swap3A_238] : memref<16x128xf32, #tpu.memory_space<vmem>>, vector<1x128xf32>
    tpu.vector_store %arg7[%swap3A_237, %swap3A_238], %broadcast_in_dim3A_236 {strides = array<i32>} : memref<16x128xf32, #tpu.memory_space<vmem>>, vector<1x128xf32>,
    %slice3A_240 = vector.extract_strided_slice %mul3A_157 {offsets = [320, 0], sizes = [32, 128], strides = [1, 1]} : vector<512x128xf32> to vector<32x128xf32>
    %reduce_max3A_241 = arith.constant dense<0xFF800000> : vector<128xf32>
    %reduce_max3A_242 = vector.multi_reduction <maximumf>, %slice3A_240, %reduce_max3A_241 [0] : vector<32x128xf32> to vector<128xf32>
    %broadcast_in_dim3A_243 = vector.shape_cast %reduce_max3A_242 : vector<128xf32> to vector<1x128xf32>
    %swap3A_244 = arith.constant 10 : index
    %swap3A_245 = arith.constant 0 : index
    %swap3A_246 = vector.load %arg7[%swap3A_244, %swap3A_245] : memref<16x128xf32, #tpu.memory_space<vmem>>, vector<1x128xf32>
    tpu.vector_store %arg7[%swap3A_244, %swap3A_245], %broadcast_in_dim3A_243 {strides = array<i32>} : memref<16x128xf32, #tpu.memory_space<vmem>>, vector<1x128xf32>,
    %slice3A_247 = vector.extract_strided_slice %mul3A_157 {offsets = [352, 0], sizes = [32, 128], strides = [1, 1]} : vector<512x128xf32> to vector<32x128xf32>
    %reduce_max3A_248 = arith.constant dense<0xFF800000> : vector<128xf32>
    %reduce_max3A_249 = vector.multi_reduction <maximumf>, %slice3A_247, %reduce_max3A_248 [0] : vector<32x128xf32> to vector<128xf32>
    %broadcast_in_dim3A_250 = vector.shape_cast %reduce_max3A_249 : vector<128xf32> to vector<1x128xf32>
    %swap3A_251 = arith.constant 11 : index
    %swap3A_252 = arith.constant 0 : index
    %swap3A_253 = vector.load %arg7[%swap3A_251, %swap3A_252] : memref<16x128xf32, #tpu.memory_space<vmem>>, vector<1x128xf32>
    tpu.vector_store %arg7[%swap3A_251, %swap3A_252], %broadcast_in_dim3A_250 {strides = array<i32>} : memref<16x128xf32, #tpu.memory_space<vmem>>, vector<1x128xf32>,
    %slice3A_254 = vector.extract_strided_slice %mul3A_157 {offsets = [384, 0], sizes = [32, 128], strides = [1, 1]} : vector<512x128xf32> to vector<32x128xf32>
    %reduce_max3A_255 = arith.constant dense<0xFF800000> : vector<128xf32>
    %reduce_max3A_256 = vector.multi_reduction <maximumf>, %slice3A_254, %reduce_max3A_255 [0] : vector<32x128xf32> to vector<128xf32>
    %broadcast_in_dim3A_257 = vector.shape_cast %reduce_max3A_256 : vector<128xf32> to vector<1x128xf32>
    %swap3A_258 = arith.constant 12 : index
    %swap3A_259 = arith.constant 0 : index
    %swap3A_260 = vector.load %arg7[%swap3A_258, %swap3A_259] : memref<16x128xf32, #tpu.memory_space<vmem>>, vector<1x128xf32>
    tpu.vector_store %arg7[%swap3A_258, %swap3A_259], %broadcast_in_dim3A_257 {strides = array<i32>} : memref<16x128xf32, #tpu.memory_space<vmem>>, vector<1x128xf32>,
    %slice3A_261 = vector.extract_strided_slice %mul3A_157 {offsets = [416, 0], sizes = [32, 128], strides = [1, 1]} : vector<512x128xf32> to vector<32x128xf32>
    %reduce_max3A_262 = arith.constant dense<0xFF800000> : vector<128xf32>
    %reduce_max3A_263 = vector.multi_reduction <maximumf>, %slice3A_261, %reduce_max3A_262 [0] : vector<32x128xf32> to vector<128xf32>
    %broadcast_in_dim3A_264 = vector.shape_cast %reduce_max3A_263 : vector<128xf32> to vector<1x128xf32>
    %swap3A_265 = arith.constant 13 : index
    %swap3A_266 = arith.constant 0 : index
    %swap3A_267 = vector.load %arg7[%swap3A_265, %swap3A_266] : memref<16x128xf32, #tpu.memory_space<vmem>>, vector<1x128xf32>
    tpu.vector_store %arg7[%swap3A_265, %swap3A_266], %broadcast_in_dim3A_264 {strides = array<i32>} : memref<16x128xf32, #tpu.memory_space<vmem>>, vector<1x128xf32>,
    %slice3A_268 = vector.extract_strided_slice %mul3A_157 {offsets = [448, 0], sizes = [32, 128], strides = [1, 1]} : vector<512x128xf32> to vector<32x128xf32>
    %reduce_max3A_269 = arith.constant dense<0xFF800000> : vector<128xf32>
    %reduce_max3A_270 = vector.multi_reduction <maximumf>, %slice3A_268, %reduce_max3A_269 [0] : vector<32x128xf32> to vector<128xf32>
    %broadcast_in_dim3A_271 = vector.shape_cast %reduce_max3A_270 : vector<128xf32> to vector<1x128xf32>
    %swap3A_272 = arith.constant 14 : index
    %swap3A_273 = arith.constant 0 : index
    %swap3A_274 = vector.load %arg7[%swap3A_272, %swap3A_273] : memref<16x128xf32, #tpu.memory_space<vmem>>, vector<1x128xf32>
    tpu.vector_store %arg7[%swap3A_272, %swap3A_273], %broadcast_in_dim3A_271 {strides = array<i32>} : memref<16x128xf32, #tpu.memory_space<vmem>>, vector<1x128xf32>,
    %slice3A_275 = vector.extract_strided_slice %mul3A_157 {offsets = [480, 0], sizes = [32, 128], strides = [1, 1]} : vector<512x128xf32> to vector<32x128xf32>
    %reduce_max3A_276 = arith.constant dense<0xFF800000> : vector<128xf32>
    %reduce_max3A_277 = vector.multi_reduction <maximumf>, %slice3A_275, %reduce_max3A_276 [0] : vector<32x128xf32> to vector<128xf32>
    %broadcast_in_dim3A_278 = vector.shape_cast %reduce_max3A_277 : vector<128xf32> to vector<1x128xf32>
    %swap3A_279 = arith.constant 15 : index
    %swap3A_280 = arith.constant 0 : index
    %swap3A_281 = vector.load %arg7[%swap3A_279, %swap3A_280] : memref<16x128xf32, #tpu.memory_space<vmem>>, vector<1x128xf32>
    tpu.vector_store %arg7[%swap3A_279, %swap3A_280], %broadcast_in_dim3A_278 {strides = array<i32>} : memref<16x128xf32, #tpu.memory_space<vmem>>, vector<1x128xf32>,
    return
  }
  func.func @transform_0(%arg0: i32) -> (i32, i32) {
    %c0_i32 = arith.constant 0 : i32
    %c0_i32_0 = arith.constant 0 : i32
    return %arg0, %c0_i32 : i32, i32
  }
  func.func @transform_1(%arg0: i32) -> (i32, i32) {
    %c0_i32 = arith.constant 0 : i32
    %c0_i32_0 = arith.constant 0 : i32
    return %arg0, %c0_i32 : i32, i32
  }
  func.func @transform_2(%arg0: i32) -> (i32, i32) {
    %c0_i32 = arith.constant 0 : i32
    %c0_i32_0 = arith.constant 0 : i32
    %c0_i32_1 = arith.constant 0 : i32
    return %c0_i32, %c0_i32_0 : i32, i32
  }
  func.func @transform_3(%arg0: i32) -> (i32, i32) {
    %c0_i32 = arith.constant 0 : i32
    %c0_i32_0 = arith.constant 0 : i32
    %c0_i32_1 = arith.constant 0 : i32
    return %c0_i32, %c0_i32_0 : i32, i32
  }
  func.func @transform_4(%arg0: i32) -> (i32, i32) {
    %c0_i32 = arith.constant 0 : i32
    %c0_i32_0 = arith.constant 0 : i32
    %c0_i32_1 = arith.constant 0 : i32
    return %c0_i32, %c0_i32_0 : i32, i32
  }
  func.func @transform_5(%arg0: i32) -> (i32, i32) {
    %c0_i32 = arith.constant 0 : i32
    %c0_i32_0 = arith.constant 0 : i32
    %c0_i32_1 = arith.constant 0 : i32
    return %c0_i32, %c0_i32_0 : i32, i32
  }
  func.func @transform_6(%arg0: i32) -> (i32, i32) {
    %c0_i32 = arith.constant 0 : i32
    %c0_i32_0 = arith.constant 0 : i32
    return %arg0, %c0_i32 : i32, i32
  }
  func.func @transform_7(%arg0: i32) -> (i32, i32) {
    %c0_i32 = arith.constant 0 : i32
    %c0_i32_0 = arith.constant 0 : i32
    %c0_i32_1 = arith.constant 0 : i32
    return %c0_i32, %c0_i32_0 : i32, i32
  }
}

module attributes {stable_mosaic.version = 14 : i64} {
  func.func @_e_body(%arg0: memref<4096x128xf32, #tpu.memory_space<vmem>>, %arg1: memref<2x128xf32, #tpu.memory_space<vmem>>, %arg2: memref<128x128xf32, #tpu.memory_space<vmem>>, %arg3: memref<1x128xf32, #tpu.memory_space<vmem>>, %arg4: memref<4096x128xf32, #tpu.memory_space<vmem>>) attributes {dimension_semantics = [], scalar_prefetch = 0 : i64, scratch_operands = 0 : i64, tpu.core_type = #tpu.core_type<tc>} {
    %get3A = arith.constant 0 : index
    %get3A_0 = arith.constant 0 : index
    %get3A_1 = vector.load %arg1[%get3A, %get3A_0] : memref<2x128xf32, #tpu.memory_space<vmem>>, vector<2x128xf32>
    %slice3A = vector.extract_strided_slice %get3A_1 {offsets = [0, 0], sizes = [1, 128], strides = [1, 1]} : vector<2x128xf32> to vector<1x128xf32>
    %mul3A = arith.constant 7.62939453E-6 : f32
    %mul3A_2 = vector.broadcast %mul3A : f32 to vector<1x128xf32>
    %mul3A_3 = arith.mulf %slice3A, %mul3A_2 : vector<1x128xf32>
    %slice3A_4 = vector.extract_strided_slice %get3A_1 {offsets = [1, 0], sizes = [1, 128], strides = [1, 1]} : vector<2x128xf32> to vector<1x128xf32>
    %mul3A_5 = arith.constant 7.62939453E-6 : f32
    %mul3A_6 = vector.broadcast %mul3A_5 : f32 to vector<1x128xf32>
    %mul3A_7 = arith.mulf %slice3A_4, %mul3A_6 : vector<1x128xf32>
    %mul3A_8 = arith.mulf %mul3A_3, %mul3A_3 : vector<1x128xf32>
    %sub3A = arith.subf %mul3A_7, %mul3A_8 : vector<1x128xf32>
    %add3A = arith.constant 9.99999974E-6 : f32
    %add3A_9 = vector.broadcast %add3A : f32 to vector<1x128xf32>
    %add3A_10 = arith.addf %sub3A, %add3A_9 : vector<1x128xf32>
    %sqrt3A = math.sqrt %add3A_10 : vector<1x128xf32>
    %div3A = arith.constant 1.000000e+00 : f32
    %div3A_11 = vector.broadcast %div3A : f32 to vector<1x128xf32>
    %div3A_12 = arith.divf %div3A_11, %sqrt3A : vector<1x128xf32>
    %get3A_13 = arith.constant 0 : index
    %get3A_14 = arith.constant 0 : index
    %get3A_15 = vector.load %arg0[%get3A_13, %get3A_14] : memref<4096x128xf32, #tpu.memory_space<vmem>>, vector<4096x128xf32>
    %sub3A_16 = vector.broadcast %mul3A_3 : vector<1x128xf32> to vector<4096x128xf32>
    %sub3A_17 = arith.subf %get3A_15, %sub3A_16 : vector<4096x128xf32>
    %mul3A_18 = vector.broadcast %div3A_12 : vector<1x128xf32> to vector<4096x128xf32>
    %mul3A_19 = arith.mulf %sub3A_17, %mul3A_18 : vector<4096x128xf32>
    %max3A = arith.constant 0.000000e+00 : f32
    %max3A_20 = vector.broadcast %max3A : f32 to vector<4096x128xf32>
    %max3A_21 = arith.maximumf %mul3A_19, %max3A_20 : vector<4096x128xf32>
    %convert_element_type3A = arith.truncf %max3A_21 : vector<4096x128xf32> to vector<4096x128xbf16>
    %convert_element_type3A_22 = arith.extf %convert_element_type3A : vector<4096x128xbf16> to vector<4096x128xf32>
    %get3A_23 = arith.constant 0 : index
    %get3A_24 = arith.constant 0 : index
    %get3A_25 = vector.load %arg2[%get3A_23, %get3A_24] : memref<128x128xf32, #tpu.memory_space<vmem>>, vector<128x128xf32>
    %convert_element_type3A_26 = arith.truncf %get3A_25 : vector<128x128xf32> to vector<128x128xbf16>
    %convert_element_type3A_27 = arith.extf %convert_element_type3A_26 : vector<128x128xbf16> to vector<128x128xf32>
    %dot_general3A = arith.constant dense<0.000000e+00> : vector<4096x128xf32>
    %dot_general3A_28 = tpu.matmul %convert_element_type3A_22, %convert_element_type3A_27, %dot_general3A {dimension_numbers = #tpu.dot_dimension_numbers<[1], [0], [0], [1], [0, 0, 1, 1], [], []>, precision = #tpu.contract_precision<fp32>, transpose_lhs_hint = false} : vector<4096x128xf32>, vector<128x128xf32>, vector<4096x128xf32> -> vector<4096x128xf32>
    %get3A_29 = arith.constant 0 : index
    %get3A_30 = arith.constant 0 : index
    %get3A_31 = vector.load %arg3[%get3A_29, %get3A_30] : memref<1x128xf32, #tpu.memory_space<vmem>>, vector<1x128xf32>
    %add3A_32 = vector.broadcast %get3A_31 : vector<1x128xf32> to vector<4096x128xf32>
    %add3A_33 = arith.addf %dot_general3A_28, %add3A_32 : vector<4096x128xf32>
    %reduce_sum3A = arith.constant dense<0.000000e+00> : vector<128xf32>
    %reduce_sum3A_34 = vector.multi_reduction <add>, %add3A_33, %reduce_sum3A [0] : vector<4096x128xf32> to vector<128xf32>
    %broadcast_in_dim3A = vector.shape_cast %reduce_sum3A_34 : vector<128xf32> to vector<1x128xf32>
    %mul3A_35 = arith.constant 2.44140625E-4 : f32
    %mul3A_36 = vector.broadcast %mul3A_35 : f32 to vector<1x128xf32>
    %mul3A_37 = arith.mulf %broadcast_in_dim3A, %mul3A_36 : vector<1x128xf32>
    %mul3A_38 = arith.mulf %add3A_33, %add3A_33 : vector<4096x128xf32>
    %reduce_sum3A_39 = arith.constant dense<0.000000e+00> : vector<128xf32>
    %reduce_sum3A_40 = vector.multi_reduction <add>, %mul3A_38, %reduce_sum3A_39 [0] : vector<4096x128xf32> to vector<128xf32>
    %broadcast_in_dim3A_41 = vector.shape_cast %reduce_sum3A_40 : vector<128xf32> to vector<1x128xf32>
    %mul3A_42 = arith.constant 2.44140625E-4 : f32
    %mul3A_43 = vector.broadcast %mul3A_42 : f32 to vector<1x128xf32>
    %mul3A_44 = arith.mulf %broadcast_in_dim3A_41, %mul3A_43 : vector<1x128xf32>
    %mul3A_45 = arith.mulf %mul3A_37, %mul3A_37 : vector<1x128xf32>
    %sub3A_46 = arith.subf %mul3A_44, %mul3A_45 : vector<1x128xf32>
    %sub3A_47 = vector.broadcast %mul3A_37 : vector<1x128xf32> to vector<4096x128xf32>
    %sub3A_48 = arith.subf %add3A_33, %sub3A_47 : vector<4096x128xf32>
    %add3A_49 = arith.constant 9.99999974E-6 : f32
    %add3A_50 = vector.broadcast %add3A_49 : f32 to vector<1x128xf32>
    %add3A_51 = arith.addf %sub3A_46, %add3A_50 : vector<1x128xf32>
    %sqrt3A_52 = math.sqrt %add3A_51 : vector<1x128xf32>
    %div3A_53 = vector.broadcast %sqrt3A_52 : vector<1x128xf32> to vector<4096x128xf32>
    %div3A_54 = arith.divf %sub3A_48, %div3A_53 : vector<4096x128xf32>
    %max3A_55 = arith.constant 0.000000e+00 : f32
    %max3A_56 = vector.broadcast %max3A_55 : f32 to vector<4096x128xf32>
    %max3A_57 = arith.maximumf %div3A_54, %max3A_56 : vector<4096x128xf32>
    %swap3A = arith.constant 0 : index
    %swap3A_58 = arith.constant 0 : index
    %swap3A_59 = vector.load %arg4[%swap3A, %swap3A_58] : memref<4096x128xf32, #tpu.memory_space<vmem>>, vector<4096x128xf32>
    tpu.vector_store %arg4[%swap3A, %swap3A_58], %max3A_57 {strides = array<i32>} : memref<4096x128xf32, #tpu.memory_space<vmem>>, vector<4096x128xf32>,
    return
  }
}

</mosaic_0001>

<sc_bundles>
// kernel: kernel.11.cloned.1.call-start
scs
__scs_entry_jumppad:
0x0: {  	(pc) =	sbr.rel $0x88, $3  }
0x1: {  	(tag) =	ssettag $0x0;
	lr =	simm.s32 $0x1  }
0x2: {  	[smem:$0x3F99] =	sst lr;
	_ =	strace $0xD0000000  }
0x3: {  	_ = 	snop  }
0x4: {  	_ = 	snop  }
0x5: {  	_ = 	snop  }
0x6: {  	_ = 	snop  }
0x7: {  	_ = 	snop  }
__scs_overlays_trampoline_lowered:
0x8: {  	[smem:$0x3FA8] =	sst s0  }
0x9: {  	[smem:$0x3FA9] =	sst s1  }
0xa: {  	[smem:$0x3FAA] =	sst s2  }
0xb: {  	[smem:$0x3FAB] =	sst s3  }
0xc: {  	[smem:$0x3FAC] =	sst s4  }
0xd: {  	[smem:$0x3FAD] =	sst s5  }
0xe: {  	[smem:$0x3FAE] =	sst s6  }
0xf: {  	[smem:$0x3FAF] =	sst s7  }
0x10: {  	[smem:$0x3FB0] =	sst s8  }
0x11: {  	[smem:$0x3FB1] =	sst s9;
	s0 =	simm.s32 @!p0 $0x0  }
0x12: {  	s1 =	sld [smem:$0x3F97];
	s0 =	simm.s32 @p0 $0x1  }
0x13: {  	[smem:$0x3FB2] =	sst s0;
	s0 =	simm.s32 @!p1 $0x0  }
0x14: {  	s2 =	sld [smem:$0x3F96];
	s0 =	simm.s32 @p1 $0x1  }
0x15: {  	[smem:$0x3FB3] =	sst s0;
	s0 =	simm.s32 @!p2 $0x0  }
0x16: {  	s3 =	sld [smem:$0x3FDB];
	s0 =	simm.s32 @p2 $0x1  }
0x17: {  	s4 =	simm.s32 $0x1BF5;
	[smem:$0x3FB5] =	sst s0  }
0x18: {  	s0 =	sld [smem:$0x3F98];
	_ =	swait.ge [sflag:s4], $0x0  }
0x19: {  	s7 =	sld [smem:$0x3F99]  }
0x1a: {  	s8 =	sadd.s32 $0xFFFFE003, lr  }
0x1b: {  	s9 =	sadd.s32 $0xFFFFFEF7, lr;
	s5 =	simm.s32 $0xFFFFFFFF;
	p2 =	slt.u32 s8, $0xFFFFF086  }
0x1c: {  	p1 =	slt.u32 s9, $0xF7A;
	s5 =	simm.s32 @!p2 $0x0  }
0x1d: {  	s5 =	simm.s32 @p1 $0x1;
	p0 =	seq.s32 s7, s2  }
0x1e: {  	s7 =	smul.u32 @!p0 $0xF7A, s2;
	p2 =	seq.s32 @!p0 s5, $0x0  }
0x1f: {  	s9 =	smul.u32 $0xF7A, s1;
	s8 =	simm.s32 @!p0 $0x1BF5;
	p2 =	por !p2, p0  }
0x20: {  	[sflag:s8] =	ssyncset.s32 @!p0 $0xFFFFF086;
	s6 =	sadd.s32 @!p0 s3, s7;
	s7 =	simm.s32 @!p0 $0x108  }
0x21: {  	s3 =	sadd.s32 s3, s9;
	s6 =	sadd.s32 @!p0 $0x88, s6;
	s7 =	simm.s32 @p2 $0x1082  }
0x22: {  	[simem:s7], [sflag:s8] =	dma.local @!p0 [hbm:s6], $0xF7A  }
0x23: {  	s9 =	sor.u32 $0xD0000000, s2;
	s6 =	simm.s32 $0x108;
	_ =	swait.ge @!p0 [sflag:s8], $0x0  }
0x24: {  	s3 =	sadd.s32 $0x88, s3;
	s6 =	simm.s32 @!p1 $0x1082;
	[sflag:s4] =	ssyncset.s32 $0xFFFFF086  }
0x25: {  	[simem:s6], [sflag:s4] =	dma.local [hbm:s3], $0xF7A  }
0x26: {  	[smem:$0x3F99] =	sst s1;
	(tag) =	ssettag s2;
	_ =	strace s9  }
0x27: {  	s1 =	sld [smem:$0x3FA9]  }
0x28: {  	s2 =	sld [smem:$0x3FAA]  }
0x29: {  	s4 =	sld [smem:$0x3FAC]  }
0x2a: {  	p0 =	seq.s32 s5, $0x0;
	s5 =	sld [smem:$0x3FAD]  }
0x2b: {  	s6 =	sld [smem:$0x3FAE]  }
0x2c: {  	s7 =	sld [smem:$0x3FAF]  }
0x2d: {  	s3 =	simm.s32 $0x108;
	s8 =	sld [smem:$0x3FB0]  }
0x2e: {  	s3 =	simm.s32 @!p0 $0x1082;
	s9 =	sld [smem:$0x3FB1]  }
0x2f: {  	lr =	sadd.s32 s0, s3;
	s0 =	sld [smem:$0x3FA8]  }
0x30: {  	s3 =	sld [smem:$0x3FAB]  }
0x31: {  	[smem:$0x3FB4] =	sst s10  }
0x32: {  	s10 =	sld [smem:$0x3FB2];
	_ =	sdelay $0x3  }
0x33: {  	p0 =	seq.s32 s10, $0x1;
	s10 =	sld [smem:$0x3FB4];
	_ =	sdelay $0x3  }
0x34: {  	[smem:$0x3FB4] =	sst s10  }
0x35: {  	s10 =	sld [smem:$0x3FB3];
	_ =	sdelay $0x3  }
0x36: {  	p1 =	seq.s32 s10, $0x1;
	s10 =	sld [smem:$0x3FB4];
	_ =	sdelay $0x3  }
0x37: {  	[smem:$0x3FB4] =	sst s10  }
0x38: {  	s10 =	sld [smem:$0x3FB5]  }
0x39: {  	_ = 	snop;
	(pc) =	sbr.ind lr, $3  }
0x3a: {  	_ = 	snop  }
0x3b: {  	_ = 	snop  }
0x3c: {  	p2 =	seq.s32 s10, $0x1;
	s10 =	sld [smem:$0x3FB4]  }
0x3d: {  	_ =	shalt  }
0x3e: {  	_ =	shalt  }
0x3f: {  	_ =	shalt  }
0x40: {  	_ =	shalt  }
0x41: {  	_ =	shalt  }
0x42: {  	_ =	shalt  }
0x43: {  	_ =	shalt  }
0x44: {  	_ =	shalt  }
0x45: {  	_ =	shalt  }
0x46: {  	_ =	shalt  }
0x47: {  	_ =	shalt  }
0x48: {  	_ =	shalt  }
0x49: {  	_ =	shalt  }
0x4a: {  	_ =	shalt  }
0x4b: {  	_ =	shalt  }
0x4c: {  	_ =	shalt  }
0x4d: {  	_ =	shalt  }
0x4e: {  	_ =	shalt  }
0x4f: {  	_ =	shalt  }
0x50: {  	_ =	shalt  }
0x51: {  	_ =	shalt  }
0x52: {  	_ =	shalt  }
0x53: {  	_ =	shalt  }
0x54: {  	_ =	shalt  }
0x55: {  	_ =	shalt  }
0x56: {  	_ =	shalt  }
0x57: {  	_ =	shalt  }
0x58: {  	_ =	shalt  }
0x59: {  	_ =	shalt  }
0x5a: {  	_ =	shalt  }
0x5b: {  	_ =	shalt  }
0x5c: {  	_ =	shalt  }
0x5d: {  	_ =	shalt  }
0x5e: {  	_ =	shalt  }
0x5f: {  	_ =	shalt  }
0x60: {  	_ =	shalt  }
0x61: {  	_ =	shalt  }
0x62: {  	_ =	shalt  }
0x63: {  	_ =	shalt  }
0x64: {  	_ =	shalt  }
0x65: {  	_ =	shalt  }
0x66: {  	_ =	shalt  }
0x67: {  	_ =	shalt  }
0x68: {  	_ =	shalt  }
0x69: {  	_ =	shalt  }
0x6a: {  	_ =	shalt  }
0x6b: {  	_ =	shalt  }
0x6c: {  	_ =	shalt  }
0x6d: {  	_ =	shalt  }
0x6e: {  	_ =	shalt  }
0x6f: {  	_ =	shalt  }
0x70: {  	_ =	shalt  }
0x71: {  	_ =	shalt  }
0x72: {  	_ =	shalt  }
0x73: {  	_ =	shalt  }
0x74: {  	_ =	shalt  }
0x75: {  	_ =	shalt  }
0x76: {  	_ =	shalt  }
0x77: {  	_ =	shalt  }
0x78: {  	_ =	shalt  }
0x79: {  	_ =	shalt  }
0x7a: {  	_ =	shalt  }
0x7b: {  	_ =	shalt  }
0x7c: {  	_ =	shalt  }
0x7d: {  	_ =	shalt  }
0x7e: {  	_ =	shalt  }
0x7f: {  	_ =	shalt  }
0x80: {  	_ =	shalt  }
0x81: {  	_ =	shalt  }
0x82: {  	_ =	shalt  }
0x83: {  	_ =	shalt  }
0x84: {  	_ =	shalt  }
0x85: {  	_ =	shalt  }
0x86: {  	_ =	shalt  }
0x87: {  	_ =	shalt  }
.Lfunc_end0:
.L_simem_size_0:
called_computation_lowered:
.L_overlay_start_0:
0x88: {  	s2 =	sld [smem:$0x3FD9]  }
0x89: {  	s3 =	sld [smem:$0x3FFE];
	_ =	sdelay $0x1  }
0x8a: {  	s1 =	srdreg.scid  }
0x8b: {  	s0 =	sand.u32 $0x1, s1  }
0x8c: {  	s14 =	sshll.u32 s0, $0xA;
	s2 =	sadd.s32 s3, s2  }
0x8d: {  	s2 =	sadd.s32 s2, s14  }
0x8e: {  	[smem:$0x3FC0] =	sst s2  }
0x8f: {  	_ = 	snop  }
0x90: {  	s2 =	sld [smem:$0x3FD0];
	_ =	sdelay $0x2  }
0x91: {  	s15 =	simm.s32 $0xA;
	s4 =	simm.s32 $0x10  }
0x92: {  	[smem:s4], [sflag:s15] =	dma.local [hbm:s2], $0x1  }
0x93: {  	_ =	swait.eq [sflag:s15], $0x1  }
0x94: {  	[sflag:s15] =	ssyncset.done $0x0  }
0x95: {  	s16 =	sld [smem:$0x10];
	[sflag:s15] =	ssyncadd.s32 $0xFFFFFFFF  }
0x96: {  	s17 =	sld [smem:$0x11];
	(tm) =	ssettm $0x1  }
0x97: {  	s18 =	sld [smem:$0x3FFB];
	_ =	sdelay $0x3  }
0x98: {  	_ =	strace s18  }
0x99: {  	s4 =	sld [smem:$0x3FFC];
	_ =	sdelay $0x3  }
0x9a: {  	_ =	strace s4  }
0x9b: {  	s4 =	sld [smem:$0x3FFD];
	_ =	sdelay $0x3  }
0x9c: {  	_ =	strace s4  }
0x9d: {  	_ =	strace $0x8FFFFFFF  }
0x9e: {  	s19 =	sld [smem:$0x3FDB];
	_ =	sdelay $0x1  }
0x9f: {  	s5 =	simm.s32 $_scs_section_size  }
0xa0: {  	s6 =	simm.s32 $_size__tile_overlayer_lowered;
	s7 =	simm.s32 $_tile_overlayer_lowered  }
0xa1: {  	s22 =	simm.s32 $0x1BFF;
	s21 =	sshll.u32 s7, $0x1;
	s4 =	sadd.s32 s5, s19  }
0xa2: {  	s8 =	simm.s32 $0x0;
	s20 =	sshll.u32 s6, $0x1;
	s6 =	sadd.s32 s21, s4  }
0xa3: {  	[timem:s8], [sflag:s22] =	dma.local [hbm:s6], s20  }
0xa4: {  	_ =	swait.ge [sflag:s22], s20  }
0xa5: {  	s5 =	ssub.s32 $0x0, s20;
	[sflag:s22] =	ssyncset.done $0x0  }
0xa6: {  	[sflag:s22] =	ssyncadd.s32 s5;
	_ =	sdelay $0x1  }
0xa7: {  	s23 =	simm.s32 $0x1B8B  }
0xa8: {  	_ =	swait.ge [sflag:s23], $0x1  }
0xa9: {  	[sflag:s23] =	ssyncset.done $0x0  }
0xaa: {  	s25 =	simm.s32 $0x1B8E;
	s24 =	sld [smem:$0x3FFE];
	[sflag:s23] =	ssyncadd.s32 $0xFFFFFFFF  }
0xab: {  	s26 =	simm.s32 $execute0_lowered;
	[smem:$0x3FD2] =	sst s25  }
0xac: {  	s6 =	sshll.u32 s26, $0x1;
	_ =	strace $0x80000046;
	[dreg:$0x1] =	wrdreg $0xFFFFFFFF  }
0xad: {  	s28 =	simm.s32 $_size_execute0_lowered;
	s4 =	sadd.s32 s4, s6;
	[dreg:$0x0] =	wrdreg $0x0  }
0xae: {  	s6 =	sshll.u32 s28, $0x1;
	[dreg:$0x2] =	wrdreg s4  }
0xaf: {  	[dreg:$0x3] =	wrdreg s6  }
0xb0: {  	[dreg:$0x4] =	wrdreg $0xC0  }
0xb1: {  	_ =	task [dreg:s8], $0x5FFFF  }
0xb2: {  	[dreg:$0x1] =	wrdreg $0xFFFFFFFF  }
0xb3: {  	[dreg:$0x0] =	wrdreg $0x60  }
0xb4: {  	[dreg:$0x2] =	wrdreg s24  }
0xb5: {  	[dreg:$0x3] =	wrdreg s16  }
0xb6: {  	[dreg:$0x4] =	wrdreg s17  }
0xb7: {  	[dreg:$0x5] =	wrdreg $0x9  }
0xb8: {  	_ =	task.clear_ibuf [dreg:s8], $0x6FFFF;
	_ =	strace $0x90000046  }
0xb9: {  	s29 =	simm.s32 $0x9;
	_ =	strace $0x80000048  }
0xba: {  	_ =	swait.ge [sflag:s29], $0x1  }
0xbb: {  	[sflag:s29] =	ssyncadd.s32 $0xFFFFFFFF  }
0xbc: {  	_ =	strace $0x90000048  }
0xbd: {  	_ =	sfence  }
0xbe: {  	s30 =	sld [smem:$0x0];
	_ =	sdelay $0x2  }
0xbf: {  	s31 =	sshll.u32 s1, $0xD;
	s1 =	sshrl.u32 s1, $0x2  }
0xc0: {  	s3 =	sand.u32 $0x4000, s31;
	s1 =	sadd.s32 s1, s30  }
0xc1: {  	s0 =	sor.u32 s3, s0;
	s1 =	sshll.u32 s1, $0x11  }
0xc2: {  	s0 =	sor.u32 s1, s0  }
0xc3: {  	s0 =	sadd.s32 $0x8F2B, s0  }
0xc4: {  	[sflag:s0] =	ssyncadd.remote.s32 $0x1  }
0xc5: {  	_ =	sfence.sel $0xFFFF  }
0xc6: {  	[dreg:$0x0] =	wrdreg $0xFFFFFFFF;
	(pc) =	sbr.abs _section_cstart, $3  }
0xc7: {  	[dreg:$0x1] =	wrdreg $0xFFFFFFFF  }
0xc8: {  	_ =	task.clear_ibuf [dreg:s8], $0x2FFFF;
	_ =	strace $0x9FFFFFFF  }
0xc9: {  	(tm) =	ssettm $0x7FFFFFFF  }
tec
execute0_lowered:
.L_overlay_start_1:
0x0: {  	(tag) =	ssettag $0x1  }
0x1: {  	s0 =	rddreg [dreg:$0x0]  }
0x2: {  	s1 =	rddreg [dreg:$0x1]  }
0x3: {  	s10 =	rddreg [dreg:$0x2];
	s5 =	stileid.u32  }
0x4: {  	s3 =	srdreg.scid;
	s2 =	simm.s32 $0x0;
	s13 =	simm.s32 $0x200  }
0x5: {  	s14 =	simm.s32 $0x1;
	s15 =	simm.s32 $0x2000;
	s16 =	simm.s32 $0x4000  }
0x6: {  	s17 =	simm.s32 $0x6000;
	s18 =	simm.s32 $0x6080;
	s19 =	simm.s32 $0x6100  }
0x7: {  	s22 =	simm.s32 $0x0;
	s3 =	sand.u32 $0x1, s3;
	s4 =	sshll.u32 s5, $0x1  }
0x8: {  	[smem:$0x7FF] =	sst s2;
	s9 =	sshrl.u32 s5, $0x2;
	s4 =	sor.u32 s3, s4  }
0x9: {  	_ =	strace $0x80000047;
	s5 =	sshll.u32 s9, $0x4;
	s6 =	sshll.u32 s9, $0x7  }
0xa: {  	s3 =	ssub.s32 $0x2, s3;
	s31 =	sshll.u32 s9, $0xD;
	s11 =	sshll.u32 s4, $0x9  }
0xb: {  	s5 =	sadd.s32 s5, s0;
	s4 =	sshll.u32 s4, $0x8;
	s24 =	sshrl.u32 s3, $0x1  }
0xc: {  	s7 =	sand.u32 $0xE00, s11;
	s12 =	ssub.s32 s3, s24;
	s26 =	sadd.s32 $0x3200, s5  }
0xd: {  	s28 =	sadd.s32 $0x5200, s5;
	s29 =	sadd.s32 $0x4200, s5;
	[dreg:$0x4] =	wrdreg s26  }
.Ltmp0:
0xe: {  	s6 =	sor.u32 s6, s7;
	[dreg:$0x5] =	wrdreg s28;
	(pc) =	sbr.rel .LBB2_1-.Ltmp0, $4  }
0xf: {  	s10 =	sadd.s32 s10, s11;
	[dreg:$0x6] =	wrdreg s29;
	s8 =	sshrl.u32 s6, $0x3  }
0x10: {  	s11 =	smax.u32 s12, $0x1;
	s12 =	simm.s32 $0x80;
	s25 =	sadd.s32 s8, s0  }
0x11: {  	s0 =	sadd.s32 s4, s0;
	s8 =	sadd.s32 s1, s8;
	s30 =	sadd.s32 $0x6200, s25  }
0x12: {  	v1 =	vlaneseq.u32;
	v0 =	vmov s31;
	s7 =	sadd.s32 $0x6400, s25;
	s9 =	sadd.s32 $0x6600, s0;
	[dreg:$0x7] =	wrdreg s30  }
.LBB2_13:
0x13: {  	s0 =	simm.s32 $0xA380  }
0x14: {  	[hbm4b:s9+s2] =	stream.linear.scatter [tilespmem:s0], [sflag:$0x1], $0x800, $0x38;
	[tilespmem:$0xBB80] =	vst v63  }
0x15: {  	s22 =	sadd.s32 $0x1, s22;
	_ =	swait.ge [sflag:s14], $0x800  }
0x16: {  	p0 =	sne.s32 s22, s11;
	[sflag:s14] =	ssyncset.done $0x0  }
.Ltmp1:
0x17: {  	s31 =	simm.s32 $0xAB80;
	[sflag:s14] =	ssyncadd.s32 $0xFFFFF800;
	(pc) =	sbr.rel @!p0 .LBB2_14-.Ltmp1, $4  }
0x18: {  	[hbm4b:s10+s2] =	stream.linear.scatter [tilespmem:s31], [sflag:$0x1], $0x1000, $0x38;
	[tilespmem:$0xBB80] =	vst v63  }
0x19: {  	_ =	swait.ge [sflag:s14], $0x1000  }
0x1a: {  	[sflag:s14] =	ssyncset.done $0x0  }
0x1b: {  	[sflag:s14] =	ssyncadd.s32 $0xFFFFF000  }
.LBB2_1:
0x1c: {  	s0 =	rddreg [dreg:$0x4]  }
0x1d: {  	[tilespmem:s2], [sflag:$0x1] =	stream.strided.gather [hbm4b:s0+s12], $0x2000, s13, s12, $0x38;
	[tilespmem:$0xBB80] =	vst v63  }
0x1e: {  	_ =	swait.ge [sflag:s14], $0x2000  }
0x1f: {  	[sflag:s14] =	ssyncset.done $0x0  }
0x20: {  	s29 =	rddreg [dreg:$0x5];
	[sflag:s14] =	ssyncadd.s32 $0xFFFFE000  }
0x21: {  	[tilespmem:s15], [sflag:$0x1] =	stream.strided.gather [hbm4b:s29+s12], $0x2000, s13, s12, $0x38;
	[tilespmem:$0xBB80] =	vst v63  }
0x22: {  	_ =	swait.ge [sflag:s14], $0x2000  }
0x23: {  	[sflag:s14] =	ssyncset.done $0x0  }
0x24: {  	s30 =	rddreg [dreg:$0x6];
	[sflag:s14] =	ssyncadd.s32 $0xFFFFE000  }
0x25: {  	[tilespmem:s16], [sflag:$0x1] =	stream.strided.gather [hbm4b:s30+s12], $0x2000, s13, s12, $0x38;
	[tilespmem:$0xBB80] =	vst v63  }
0x26: {  	_ =	swait.ge [sflag:s14], $0x2000  }
0x27: {  	[sflag:s14] =	ssyncset.done $0x0  }
0x28: {  	s31 =	rddreg [dreg:$0x7];
	[sflag:s14] =	ssyncadd.s32 $0xFFFFE000  }
0x29: {  	[tilespmem:s17], [sflag:$0x1] =	stream.linear.gather [hbm4b:s31+s2], $0x80, $0x38;
	[tilespmem:$0xBB80] =	vst v63  }
0x2a: {  	_ =	swait.ge [sflag:s14], $0x80  }
0x2b: {  	[sflag:s14] =	ssyncset.done $0x0  }
0x2c: {  	[sflag:s14] =	ssyncadd.s32 $0xFFFFFF80  }
0x2d: {  	[tilespmem:s18], [sflag:$0x1] =	stream.linear.gather [hbm4b:s7+s2], $0x80, $0x38;
	[tilespmem:$0xBB80] =	vst v63  }
0x2e: {  	_ =	swait.ge [sflag:s14], $0x80  }
0x2f: {  	[sflag:s14] =	ssyncset.done $0x0  }
.Ltmp2:
0x30: {  	[sflag:s14] =	ssyncadd.s32 $0xFFFFFF80;
	(pc) =	sbr.rel .LBB2_2-.Ltmp2, $4  }
0x31: {  	[tilespmem:s19], [sflag:$0x1] =	stream.linear.gather [hbm4b:s8+s2], $0x80, $0x38;
	[tilespmem:$0xBB80] =	vst v63  }
0x32: {  	_ =	swait.ge [sflag:s14], $0x80  }
0x33: {  	[sflag:s14] =	ssyncset.done $0x0  }
0x34: {  	s23 =	simm.s32 $0x0;
	[sflag:s14] =	ssyncadd.s32 $0xFFFFFF80  }
.LBB2_12:
0x35: {  	v2 =	vld.msk [tilespmem:$0x8280 ss:$0x0], $0xffff;
	_ =	sdelay $0x4  }
0x36: {  	[tilespmem:s0+$0x8280] =	vst v2  }
0x37: {  	v2 =	vld [tilespmem:$0x8280];
	_ =	sdelay $0x3  }
0x38: {  	s30 =	sshll.u32 s24, $0x4  }
0x39: {  	s0 =	sand.u32 $0x3FFFFFF0, s30;
	v2 =	vadd.s32 v0, v2  }
0x3a: {  	[tilespmem:s0+$0xA380] =	vst v2  }
0x3b: {  	v2 =	vld [tilespmem:$0x8300];
	_ =	sdelay $0x3  }
0x3c: {  	s31 =	sshll.u32 s24, $0x5  }
0x3d: {  	s0 =	sand.u32 $0x3FFFFFE0, s31;
	v2 =	vadd.s32 v0, v2  }
0x3e: {  	[tilespmem:s0+$0xAB80] =	vst v2  }
0x3f: {  	s23 =	sadd.s32 $0x1, s23;
	v2 =	vld [tilespmem:$0x8310]  }
0x40: {  	p0 =	sne.s32 s23, $0x40  }
.Ltmp3:
0x41: {  	_ = 	snop;
	(pc) =	sbr.rel @!p0 .LBB2_13-.Ltmp3, $3  }
0x42: {  	_ =	sdelay $0x1  }
0x43: {  	v2 =	vadd.s32 v0, v2  }
0x44: {  	[tilespmem:s0+$0xAB90] =	vst v2  }
.LBB2_2:
0x45: {  	v2 =	vmov s23;
	_ =	sdelay $0x1  }
0x46: {  	s24 =	sor.u32 $0x40, s23  }
0x47: {  	v4 =	vmov s24;
	_ =	sdelay $0x1  }
0x48: {  	v5 =	vld.idx.msk [tilespmem:v2+s17+$0x0], $0xffff  }
0x49: {  	v6 =	vld.idx.msk [tilespmem:v2+s18+$0x0], $0xffff  }
0x4a: {  	v7 =	vld.idx.msk [tilespmem:v2+s19+$0x0], $0xffff  }
0x4b: {  	s0 =	simm.s32 $0x0;
	s28 =	simm.s32 $0x10;
	s29 =	simm.s32 $0x2010;
	v2 =	vld.idx.msk [tilespmem:v4+s17+$0x0], $0xffff  }
0x4c: {  	s30 =	simm.s32 $0x4010;
	s31 =	simm.s32 $0x10;
	s25 =	simm.s32 $0x0;
	v3 =	vld.idx.msk [tilespmem:v4+s18+$0x0], $0xffff  }
0x4d: {  	s1 =	simm.s32 $0x0;
	s26 =	simm.s32 $0x0;
	s20 =	simm.s32 $0x0;
	v4 =	vld.idx.msk [tilespmem:v4+s19+$0x0], $0xffff  }
.LBB2_3:
0x4e: {  	v8 =	vld [tilespmem:s31+$0xFFFFFFF0]  }
0x4f: {  	v9 =	vld [tilespmem:s29+$0xFFFFFFF0];
	_ =	sdelay $0x1  }
0x50: {  	v10 =	vld [tilespmem:s30+$0xFFFFFFF0];
	_ =	sdelay $0x2  }
0x51: {  	v11 =	vsub.f32 v5, v8;
	v12 =	vsub.f32 v6, v9  }
0x52: {  	v8 =	vsub.f32 v2, v8;
	v9 =	vsub.f32 v3, v9  }
0x53: {  	v13 =	vsub.f32 v7, v10;
	v11 =	vmul.f32 v11, v11;
	v12 =	vmul.f32 v12, v12  }
0x54: {  	v10 =	vsub.f32 v4, v10;
	v8 =	vmul.f32 v8, v8;
	v9 =	vmul.f32 v9, v9  }
0x55: {  	v46 =	vmul.f32 v13, v13;
	v11 =	vadd.f32 v12, v11  }
0x56: {  	v47 =	vmul.f32 v10, v10;
	v8 =	vadd.f32 v9, v8  }
0x57: {  	v48 =	vadd.f32 v46, v11  }
0x58: {  	s21 =	sadd.s32 $0xFFFFFFF0, s28;
	v8 =	vadd.f32 v47, v8  }
0x59: {  	v49 =	vor.u32 s21, v1;
	vm0 =	vlt.f32 v48, $3.999999910e-02  }
0x5a: {  	vm1 =	vlt.f32 v8, $3.999999910e-02;
	[tilespmem:s26+$0x6200] =	vst.msk vm0, v49  }
0x5b: {  	[tilespmem:s25+$0x8300] =	vst.msk vm1, v49  }
0x5c: {  	v9 =	vld [tilespmem:s31+$0x0]  }
0x5d: {  	v50 =	vld [tilespmem:s29+$0x0]  }
0x5e: {  	v51 =	vld [tilespmem:s30+$0x0];
	_ =	sdelay $0x3  }
0x5f: {  	v52 =	vsub.f32 v5, v9;
	v14 =	vsub.f32 v6, v50  }
0x60: {  	v15 =	vsub.f32 v7, v51;
	v9 =	vsub.f32 v2, v9  }
0x61: {  	v53 =	vsub.f32 v3, v50;
	v13 =	vmul.f32 v52, v52;
	v14 =	vmul.f32 v14, v14  }
0x62: {  	vm2 =	vlt.f32 v48, $9.999999770e-03;
	v12 =	vsub.f32 v4, v51;
	v56 =	vmul.f32 v15, v15  }
0x63: {  	v9 =	vmul.f32 v9, v9;
	v10 =	vmul.f32 v53, v53;
	v54 =	vadd.f32 v14, v13  }
0x64: {  	vm11 =	vlt.f32 v8, $9.999999770e-03;
	v55 =	vmpcnt.ones.xlane vm2;
	v57 =	vmpcnt.ones.xlane vm0  }
0x65: {  	v58 =	vmul.f32 v12, v12;
	v8 =	vadd.f32 v10, v9;
	v11 =	vadd.f32 v56, v54  }
0x66: {  	v59 =	vmpcnt.ones.xlane vm11;
	v60 =	vmpcnt.ones.xlane vm1;
	(v2sf) =	vpush v55, $0x0  }
0x67: {  	(v2sf) =	vpush v57, $0x0;
	v8 =	vadd.f32 v58, v8;
	vm12 =	vlt.f32 v11, $9.999999770e-03  }
0x68: {  	(v2sf) =	vpush v59, $0x0;
	vm13 =	vlt.f32 v11, $3.999999910e-02;
	v61 =	vmpcnt.ones.xlane vm12  }
0x69: {  	(v2sf) =	vpush v60, $0x0;
	vm14 =	vlt.f32 v8, $9.999999770e-03;
	v62 =	vmpcnt.ones.xlane vm13  }
0x6a: {  	vm15 =	vlt.f32 v8, $3.999999910e-02;
	v63 =	vmpcnt.ones.xlane vm14;
	(v2sf) =	vpush v61, $0x0  }
0x6b: {  	v8 =	vmpcnt.ones.xlane vm15;
	(v2sf) =	vpush v62, $0x0  }
0x6c: {  	(v2sf) =	vpush v63, $0x0  }
0x6d: {  	(v2sf) =	vpush v8, $0x0;
	_ =	sdelay $0x7  }
0x6e: {  	s21 =	spop (v2sf)  }
0x6f: {  	s3 =	spop (v2sf)  }
0x70: {  	s4 =	spop (v2sf)  }
0x71: {  	s20 =	sadd.s32 s20, s21;
	s5 =	spop (v2sf)  }
0x72: {  	s3 =	sadd.s32 s26, s3;
	s1 =	sadd.s32 s1, s4;
	s6 =	spop (v2sf)  }
0x73: {  	s4 =	sadd.s32 s25, s5;
	s26 =	spop (v2sf);
	s20 =	sadd.s32 s6, s20  }
0x74: {  	s25 =	spop (v2sf);
	s26 =	sadd.s32 s3, s26;
	p0 =	slt.s32 s20, $0x10  }
0x75: {  	s1 =	sadd.s32 s25, s1;
	s25 =	spop (v2sf);
	p1 =	slt.s32 s26, $0x20  }
0x76: {  	s25 =	sadd.s32 s4, s25;
	p0 =	por p0, p1;
	p5 =	slt.s32 s1, $0x10  }
0x77: {  	p0 =	por p0, p5;
	p6 =	slt.s32 s25, $0x20  }
0x78: {  	p2 =	sgt.u32 s0, $0xFE;
	p0 =	por p0, p6  }
0x79: {  	p0 =	por p2, !p0  }
.Ltmp4:
0x7a: {  	_ = 	snop;
	(pc) =	sbr.rel @!p0 .LBB2_3-.Ltmp4, $4  }
0x7b: {  	_ = 	snop  }
0x7c: {  	v8 =	vor.u32 s28, v1  }
0x7d: {  	s0 =	sadd.s32 $0x1, s0;
	s31 =	sadd.s32 $0x20, s31;
	[tilespmem:s3+$0x6200] =	vst.msk vm13, v8  }
0x7e: {  	s29 =	sadd.s32 $0x20, s29;
	s30 =	sadd.s32 $0x20, s30;
	s28 =	sadd.s32 $0x20, s28;
	[tilespmem:s4+$0x8300] =	vst.msk vm15, v8  }
0x7f: {  	v8 =	vld.msk [tilespmem:$0x6200 ss:$0x0], $0xffff  }
0x80: {  	p0 =	slt.s32 s26, $0x1  }
.Ltmp5:
0x81: {  	_ = 	snop;
	(pc) =	sbr.rel @p0 .LBB2_8-.Ltmp5, $3  }
0x82: {  	_ =	sdelay $0x1  }
0x83: {  	[tilespmem:s26+$0x6200] =	vst v8  }
0x84: {  	s0 =	simm.s32 $0x0;
	s1 =	simm.s32 $0x0;
	[tilespmem:s26+$0x6210] =	vst v8  }
0x85: {  	s20 =	simm.s32 $0x6200;
	s28 =	simm.s32 $0x10;
	s1 =	simm.s32 $0x0  }
.LBB2_6:
0x86: {  	v8 =	vld [tilespmem:s20+$0x0];
	_ =	sdelay $0x7  }
0x87: {  	v9 =	vld.idx.msk [tilespmem:v8+s2+$0x0], $0xffff  }
0x88: {  	v10 =	vld.idx.msk [tilespmem:v8+s15+$0x0], $0xffff;
	_ =	sdelay $0x1  }
0x89: {  	v11 =	vld.idx.msk [tilespmem:v8+s16+$0x0], $0xffff;
	_ =	sdelay $0x2  }
0x8a: {  	v9 =	vsub.f32 v5, v9;
	v10 =	vsub.f32 v6, v10;
	_ =	sdelay $0x1  }
0x8b: {  	v11 =	vsub.f32 v7, v11;
	v9 =	vmul.f32 v9, v9;
	v10 =	vmul.f32 v10, v10;
	_ =	sdelay $0x1  }
0x8c: {  	v63 =	vmul.f32 v11, v11;
	v9 =	vadd.f32 v10, v9;
	_ =	sdelay $0x1  }
0x8d: {  	v9 =	vadd.f32 v63, v9;
	_ =	sdelay $0x1  }
0x8e: {  	vm0 =	vlt.f32 v9, $9.999999770e-03  }
0x8f: {  	v9 =	vmpcnt.ones.xlane vm0;
	_ =	sdelay $0x1  }
0x90: {  	(v2sf) =	vpush v9, $0x0;
	_ =	sdelay $0xe  }
0x91: {  	s3 =	spop (v2sf)  }
0x92: {  	p0 =	sge.s32 s28, s26;
	[tilespmem:s1+$0x6180] =	vst.msk vm0, v8;
	s1 =	sadd.s32 s1, s3  }
0x93: {  	p1 =	slt.s32 @!p0 s1, $0x10  }
0x94: {  	p0 =	por p0, !p1  }
.Ltmp6:
0x95: {  	_ = 	snop;
	(pc) =	sbr.rel @!p0 .LBB2_6-.Ltmp6, $2  }
0x96: {  	_ =	sdelay $0x2  }
0x97: {  	s20 =	sadd.s32 $0x10, s20;
	s28 =	sadd.s32 $0x10, s28  }
0x98: {  	p0 =	slt.s32 s1, $0x10  }
0x99: {  	s1 =	simm.s32 @!p0 $0x10  }
.LBB2_8:
0x9a: {  	v5 =	vld.msk [tilespmem:$0x6180 ss:$0x0], $0xffff;
	_ =	sdelay $0x4  }
0x9b: {  	[tilespmem:s1+$0x6180] =	vst v5  }
0x9c: {  	v5 =	vld [tilespmem:$0x6180];
	_ =	sdelay $0x3  }
0x9d: {  	s30 =	sshll.u32 s23, $0x4  }
0x9e: {  	s1 =	sand.u32 $0x3FFFFFF0, s30;
	v5 =	vadd.s32 v0, v5  }
0x9f: {  	[tilespmem:s1+$0xA380] =	vst v5  }
0xa0: {  	v5 =	vld [tilespmem:$0x6200];
	_ =	sdelay $0x3  }
0xa1: {  	s31 =	sshll.u32 s23, $0x5  }
0xa2: {  	s1 =	sand.u32 $0x3FFFFFE0, s31;
	v5 =	vadd.s32 v0, v5  }
0xa3: {  	[tilespmem:s1+$0xAB80] =	vst v5  }
0xa4: {  	v5 =	vld [tilespmem:$0x6210];
	_ =	sdelay $0x4  }
0xa5: {  	v5 =	vadd.s32 v0, v5  }
0xa6: {  	[tilespmem:s1+$0xAB90] =	vst v5  }
0xa7: {  	v5 =	vld.msk [tilespmem:$0x8300 ss:$0x0], $0xffff  }
0xa8: {  	p0 =	slt.s32 s25, $0x1  }
.Ltmp7:
0xa9: {  	_ = 	snop;
	(pc) =	sbr.rel @p0 .LBB2_12-.Ltmp7, $3  }
0xaa: {  	_ =	sdelay $0x1  }
0xab: {  	[tilespmem:s25+$0x8300] =	vst v5  }
0xac: {  	[tilespmem:s25+$0x8310] =	vst v5  }
0xad: {  	s1 =	simm.s32 $0x8300;
	s20 =	simm.s32 $0x10  }
.LBB2_10:
0xae: {  	v5 =	vld [tilespmem:s1+$0x0];
	_ =	sdelay $0x7  }
0xaf: {  	v6 =	vld.idx.msk [tilespmem:v5+s2+$0x0], $0xffff  }
0xb0: {  	v7 =	vld.idx.msk [tilespmem:v5+s15+$0x0], $0xffff;
	_ =	sdelay $0x1  }
0xb1: {  	v8 =	vld.idx.msk [tilespmem:v5+s16+$0x0], $0xffff;
	_ =	sdelay $0x2  }
0xb2: {  	v6 =	vsub.f32 v2, v6;
	v7 =	vsub.f32 v3, v7;
	_ =	sdelay $0x1  }
0xb3: {  	v8 =	vsub.f32 v4, v8;
	v6 =	vmul.f32 v6, v6;
	v7 =	vmul.f32 v7, v7;
	_ =	sdelay $0x1  }
0xb4: {  	v6 =	vadd.f32 v7, v6;
	v7 =	vmul.f32 v8, v8;
	_ =	sdelay $0x1  }
0xb5: {  	v6 =	vadd.f32 v7, v6;
	_ =	sdelay $0x1  }
0xb6: {  	vm0 =	vlt.f32 v6, $9.999999770e-03  }
0xb7: {  	v6 =	vmpcnt.ones.xlane vm0;
	_ =	sdelay $0x1  }
0xb8: {  	(v2sf) =	vpush v6, $0x0;
	_ =	sdelay $0xe  }
0xb9: {  	s3 =	spop (v2sf)  }
0xba: {  	p0 =	sge.s32 s20, s25;
	[tilespmem:s0+$0x8280] =	vst.msk vm0, v5;
	s0 =	sadd.s32 s0, s3  }
0xbb: {  	p1 =	slt.s32 @!p0 s0, $0x10  }
0xbc: {  	p0 =	por p0, !p1  }
.Ltmp8:
0xbd: {  	_ = 	snop;
	(pc) =	sbr.rel @!p0 .LBB2_10-.Ltmp8, $2  }
0xbe: {  	_ =	sdelay $0x2  }
0xbf: {  	s1 =	sadd.s32 $0x10, s1;
	s20 =	sadd.s32 $0x10, s20  }
.Ltmp9:
0xc0: {  	(pc) =	sbr.rel .LBB2_12-.Ltmp9, $3  }
0xc1: {  	_ =	sdelay $0x1  }
0xc2: {  	p0 =	slt.s32 s0, $0x10  }
0xc3: {  	s0 =	simm.s32 @!p0 $0x10  }
.LBB2_14:
0xc4: {  	_ =	sfence.sel $0x180000  }
0xc5: {  	[bflag:$0x0] =	sbarrier.arrive $0xFFFF  }
0xc6: {  	_ =	strace $0x90000047  }
0xc7: {  	s0 =	stileid.u32;
	[bflag:$0x2] =	sbarrier.arrive $0xFFFF  }
0xc8: {  	p0 =	sne.s32 s0, $0x0;
	s0 =	rddreg [dreg:$0x3]  }
0xc9: {  	s0 =	sadd.s32 @!p0 $0x100000, s0  }
0xca: {  	[sflag:s0] =	ssyncadd.tile.s32 @!p0 $0x1;
	_ =	shalt  }
.Lfunc_end2:
_tile_overlayer_lowered:
.L_overlay_start_2:
0xcb: {  	(tag) =	ssettag $0x2  }
0xcc: {  	s0 =	rddreg [dreg:$0x0];
	s2 =	stileid.u32  }
0xcd: {  	s1 =	rddreg [dreg:$0x1];
	p0 =	sne.s32 s2, $0x0  }
0xce: {  	s3 =	rddreg [dreg:$0x2];
	[bflag:$0x3] =	sbarrier.arrive $0xFFFF;
	s2 =	simm.s32 @!p0 $0x1C01  }
0xcf: {  	[timem:s3], [sflag:s2] =	dma.local @!p0 [hbm:s0], s1  }
0xd0: {  	s0 =	simm.s32 @!p0 $0x1  }
0xd1: {  	_ =	swait.ge @!p0 [sflag:s0], s1  }
0xd2: {  	s1 =	ssub.s32 @!p0 $0x0, s1;
	[sflag:s0] =	ssyncset.done @!p0 $0x0  }
0xd3: {  	[sflag:s0] =	ssyncadd.s32 @!p0 s1  }
0xd4: {  	[bflag:$0x3] =	sbarrier.arrive $0xFFFF  }
0xd5: {  	_ =	shalt  }

// kernel: kernel.14.cloned.1.call-start
scs
__scs_entry_jumppad:
0x0: {  	(pc) =	sbr.rel $0x88, $3  }
0x1: {  	(tag) =	ssettag $0x0;
	lr =	simm.s32 $0x1  }
0x2: {  	[smem:$0x3F99] =	sst lr;
	_ =	strace $0xD0000000  }
0x3: {  	_ = 	snop  }
0x4: {  	_ = 	snop  }
0x5: {  	_ = 	snop  }
0x6: {  	_ = 	snop  }
0x7: {  	_ = 	snop  }
__scs_overlays_trampoline_lowered:
0x8: {  	[smem:$0x3FA8] =	sst s0  }
0x9: {  	[smem:$0x3FA9] =	sst s1  }
0xa: {  	[smem:$0x3FAA] =	sst s2  }
0xb: {  	[smem:$0x3FAB] =	sst s3  }
0xc: {  	[smem:$0x3FAC] =	sst s4  }
0xd: {  	[smem:$0x3FAD] =	sst s5  }
0xe: {  	[smem:$0x3FAE] =	sst s6  }
0xf: {  	[smem:$0x3FAF] =	sst s7  }
0x10: {  	[smem:$0x3FB0] =	sst s8  }
0x11: {  	[smem:$0x3FB1] =	sst s9;
	s0 =	simm.s32 @!p0 $0x0  }
0x12: {  	s1 =	sld [smem:$0x3F97];
	s0 =	simm.s32 @p0 $0x1  }
0x13: {  	[smem:$0x3FB2] =	sst s0;
	s0 =	simm.s32 @!p1 $0x0  }
0x14: {  	s2 =	sld [smem:$0x3F96];
	s0 =	simm.s32 @p1 $0x1  }
0x15: {  	[smem:$0x3FB3] =	sst s0;
	s0 =	simm.s32 @!p2 $0x0  }
0x16: {  	s3 =	sld [smem:$0x3FDB];
	s0 =	simm.s32 @p2 $0x1  }
0x17: {  	s4 =	simm.s32 $0x1BF5;
	[smem:$0x3FB5] =	sst s0  }
0x18: {  	s0 =	sld [smem:$0x3F98];
	_ =	swait.ge [sflag:s4], $0x0  }
0x19: {  	s7 =	sld [smem:$0x3F99]  }
0x1a: {  	s8 =	sadd.s32 $0xFFFFE003, lr  }
0x1b: {  	s9 =	sadd.s32 $0xFFFFFEF7, lr;
	s5 =	simm.s32 $0xFFFFFFFF;
	p2 =	slt.u32 s8, $0xFFFFF086  }
0x1c: {  	p1 =	slt.u32 s9, $0xF7A;
	s5 =	simm.s32 @!p2 $0x0  }
0x1d: {  	s5 =	simm.s32 @p1 $0x1;
	p0 =	seq.s32 s7, s2  }
0x1e: {  	s7 =	smul.u32 @!p0 $0xF7A, s2;
	p2 =	seq.s32 @!p0 s5, $0x0  }
0x1f: {  	s9 =	smul.u32 $0xF7A, s1;
	s8 =	simm.s32 @!p0 $0x1BF5;
	p2 =	por !p2, p0  }
0x20: {  	[sflag:s8] =	ssyncset.s32 @!p0 $0xFFFFF086;
	s6 =	sadd.s32 @!p0 s3, s7;
	s7 =	simm.s32 @!p0 $0x108  }
0x21: {  	s3 =	sadd.s32 s3, s9;
	s6 =	sadd.s32 @!p0 $0x88, s6;
	s7 =	simm.s32 @p2 $0x1082  }
0x22: {  	[simem:s7], [sflag:s8] =	dma.local @!p0 [hbm:s6], $0xF7A  }
0x23: {  	s9 =	sor.u32 $0xD0000000, s2;
	s6 =	simm.s32 $0x108;
	_ =	swait.ge @!p0 [sflag:s8], $0x0  }
0x24: {  	s3 =	sadd.s32 $0x88, s3;
	s6 =	simm.s32 @!p1 $0x1082;
	[sflag:s4] =	ssyncset.s32 $0xFFFFF086  }
0x25: {  	[simem:s6], [sflag:s4] =	dma.local [hbm:s3], $0xF7A  }
0x26: {  	[smem:$0x3F99] =	sst s1;
	(tag) =	ssettag s2;
	_ =	strace s9  }
0x27: {  	s1 =	sld [smem:$0x3FA9]  }
0x28: {  	s2 =	sld [smem:$0x3FAA]  }
0x29: {  	s4 =	sld [smem:$0x3FAC]  }
0x2a: {  	p0 =	seq.s32 s5, $0x0;
	s5 =	sld [smem:$0x3FAD]  }
0x2b: {  	s6 =	sld [smem:$0x3FAE]  }
0x2c: {  	s7 =	sld [smem:$0x3FAF]  }
0x2d: {  	s3 =	simm.s32 $0x108;
	s8 =	sld [smem:$0x3FB0]  }
0x2e: {  	s3 =	simm.s32 @!p0 $0x1082;
	s9 =	sld [smem:$0x3FB1]  }
0x2f: {  	lr =	sadd.s32 s0, s3;
	s0 =	sld [smem:$0x3FA8]  }
0x30: {  	s3 =	sld [smem:$0x3FAB]  }
0x31: {  	[smem:$0x3FB4] =	sst s10  }
0x32: {  	s10 =	sld [smem:$0x3FB2];
	_ =	sdelay $0x3  }
0x33: {  	p0 =	seq.s32 s10, $0x1;
	s10 =	sld [smem:$0x3FB4];
	_ =	sdelay $0x3  }
0x34: {  	[smem:$0x3FB4] =	sst s10  }
0x35: {  	s10 =	sld [smem:$0x3FB3];
	_ =	sdelay $0x3  }
0x36: {  	p1 =	seq.s32 s10, $0x1;
	s10 =	sld [smem:$0x3FB4];
	_ =	sdelay $0x3  }
0x37: {  	[smem:$0x3FB4] =	sst s10  }
0x38: {  	s10 =	sld [smem:$0x3FB5]  }
0x39: {  	_ = 	snop;
	(pc) =	sbr.ind lr, $3  }
0x3a: {  	_ = 	snop  }
0x3b: {  	_ = 	snop  }
0x3c: {  	p2 =	seq.s32 s10, $0x1;
	s10 =	sld [smem:$0x3FB4]  }
0x3d: {  	_ =	shalt  }
0x3e: {  	_ =	shalt  }
0x3f: {  	_ =	shalt  }
0x40: {  	_ =	shalt  }
0x41: {  	_ =	shalt  }
0x42: {  	_ =	shalt  }
0x43: {  	_ =	shalt  }
0x44: {  	_ =	shalt  }
0x45: {  	_ =	shalt  }
0x46: {  	_ =	shalt  }
0x47: {  	_ =	shalt  }
0x48: {  	_ =	shalt  }
0x49: {  	_ =	shalt  }
0x4a: {  	_ =	shalt  }
0x4b: {  	_ =	shalt  }
0x4c: {  	_ =	shalt  }
0x4d: {  	_ =	shalt  }
0x4e: {  	_ =	shalt  }
0x4f: {  	_ =	shalt  }
0x50: {  	_ =	shalt  }
0x51: {  	_ =	shalt  }
0x52: {  	_ =	shalt  }
0x53: {  	_ =	shalt  }
0x54: {  	_ =	shalt  }
0x55: {  	_ =	shalt  }
0x56: {  	_ =	shalt  }
0x57: {  	_ =	shalt  }
0x58: {  	_ =	shalt  }
0x59: {  	_ =	shalt  }
0x5a: {  	_ =	shalt  }
0x5b: {  	_ =	shalt  }
0x5c: {  	_ =	shalt  }
0x5d: {  	_ =	shalt  }
0x5e: {  	_ =	shalt  }
0x5f: {  	_ =	shalt  }
0x60: {  	_ =	shalt  }
0x61: {  	_ =	shalt  }
0x62: {  	_ =	shalt  }
0x63: {  	_ =	shalt  }
0x64: {  	_ =	shalt  }
0x65: {  	_ =	shalt  }
0x66: {  	_ =	shalt  }
0x67: {  	_ =	shalt  }
0x68: {  	_ =	shalt  }
0x69: {  	_ =	shalt  }
0x6a: {  	_ =	shalt  }
0x6b: {  	_ =	shalt  }
0x6c: {  	_ =	shalt  }
0x6d: {  	_ =	shalt  }
0x6e: {  	_ =	shalt  }
0x6f: {  	_ =	shalt  }
0x70: {  	_ =	shalt  }
0x71: {  	_ =	shalt  }
0x72: {  	_ =	shalt  }
0x73: {  	_ =	shalt  }
0x74: {  	_ =	shalt  }
0x75: {  	_ =	shalt  }
0x76: {  	_ =	shalt  }
0x77: {  	_ =	shalt  }
0x78: {  	_ =	shalt  }
0x79: {  	_ =	shalt  }
0x7a: {  	_ =	shalt  }
0x7b: {  	_ =	shalt  }
0x7c: {  	_ =	shalt  }
0x7d: {  	_ =	shalt  }
0x7e: {  	_ =	shalt  }
0x7f: {  	_ =	shalt  }
0x80: {  	_ =	shalt  }
0x81: {  	_ =	shalt  }
0x82: {  	_ =	shalt  }
0x83: {  	_ =	shalt  }
0x84: {  	_ =	shalt  }
0x85: {  	_ =	shalt  }
0x86: {  	_ =	shalt  }
0x87: {  	_ =	shalt  }
.Lfunc_end0:
.L_simem_size_0:
called_computation.1_lowered:
.L_overlay_start_0:
0x88: {  	s2 =	sld [smem:$0x3FD9]  }
0x89: {  	s3 =	sld [smem:$0x3FFE];
	_ =	sdelay $0x1  }
0x8a: {  	s1 =	srdreg.scid  }
0x8b: {  	s0 =	sand.u32 $0x1, s1  }
0x8c: {  	s16 =	sshll.u32 s0, $0xA;
	s2 =	sadd.s32 s3, s2  }
0x8d: {  	s2 =	sadd.s32 s2, s16  }
0x8e: {  	[smem:$0x3FC0] =	sst s2  }
0x8f: {  	_ = 	snop  }
0x90: {  	(tm) =	ssettm $0x1  }
0x91: {  	s17 =	sld [smem:$0x3FFB];
	_ =	sdelay $0x3  }
0x92: {  	_ =	strace s17  }
0x93: {  	s2 =	sld [smem:$0x3FFC];
	_ =	sdelay $0x3  }
0x94: {  	_ =	strace s2  }
0x95: {  	s2 =	sld [smem:$0x3FFD];
	_ =	sdelay $0x3  }
0x96: {  	_ =	strace s2  }
0x97: {  	_ =	strace $0x8FFFFFFF  }
0x98: {  	s18 =	sld [smem:$0x3FDB];
	_ =	sdelay $0x1  }
0x99: {  	s19 =	simm.s32 $_scs_section_size  }
0x9a: {  	s4 =	simm.s32 $_size__tile_overlayer_lowered;
	s5 =	simm.s32 $_tile_overlayer_lowered  }
0x9b: {  	s22 =	simm.s32 $0x1BFF;
	s21 =	sshll.u32 s5, $0x1;
	s2 =	sadd.s32 s19, s18  }
0x9c: {  	s6 =	simm.s32 $0x0;
	s20 =	sshll.u32 s4, $0x1;
	s4 =	sadd.s32 s21, s2  }
0x9d: {  	[timem:s6], [sflag:s22] =	dma.local [hbm:s4], s20  }
0x9e: {  	_ =	swait.ge [sflag:s22], s20  }
0x9f: {  	s3 =	ssub.s32 $0x0, s20;
	[sflag:s22] =	ssyncset.done $0x0  }
0xa0: {  	[sflag:s22] =	ssyncadd.s32 s3;
	_ =	sdelay $0x1  }
0xa1: {  	s23 =	simm.s32 $0x1B8B  }
0xa2: {  	_ =	swait.ge [sflag:s23], $0x1  }
0xa3: {  	[sflag:s23] =	ssyncset.done $0x0  }
0xa4: {  	s25 =	simm.s32 $0x1B8E;
	s24 =	sld [smem:$0x3FFE];
	[sflag:s23] =	ssyncadd.s32 $0xFFFFFFFF  }
0xa5: {  	s26 =	simm.s32 $execute0_lowered;
	[smem:$0x3FD2] =	sst s25  }
0xa6: {  	s4 =	sshll.u32 s26, $0x1;
	_ =	strace $0x80000049;
	[dreg:$0x1] =	wrdreg $0xFFFFFFFF  }
0xa7: {  	s28 =	simm.s32 $_size_execute0_lowered;
	s2 =	sadd.s32 s2, s4;
	[dreg:$0x0] =	wrdreg $0x0  }
0xa8: {  	s4 =	sshll.u32 s28, $0x1;
	[dreg:$0x2] =	wrdreg s2  }
0xa9: {  	[dreg:$0x3] =	wrdreg s4  }
0xaa: {  	[dreg:$0x4] =	wrdreg $0xC0  }
0xab: {  	_ =	task [dreg:s6], $0x5FFFF  }
0xac: {  	[dreg:$0x1] =	wrdreg $0xFFFFFFFF  }
0xad: {  	[dreg:$0x0] =	wrdreg $0x60  }
0xae: {  	[dreg:$0x2] =	wrdreg s24  }
0xaf: {  	[dreg:$0x3] =	wrdreg $0x9  }
0xb0: {  	_ =	task.clear_ibuf [dreg:s6], $0x4FFFF;
	_ =	strace $0x90000049  }
0xb1: {  	s29 =	simm.s32 $0x9;
	_ =	strace $0x8000004B  }
0xb2: {  	_ =	swait.ge [sflag:s29], $0x1  }
0xb3: {  	[sflag:s29] =	ssyncadd.s32 $0xFFFFFFFF  }
0xb4: {  	_ =	strace $0x9000004B  }
0xb5: {  	_ =	sfence  }
0xb6: {  	s30 =	sld [smem:$0x0];
	_ =	sdelay $0x2  }
0xb7: {  	s31 =	sshll.u32 s1, $0xD;
	s1 =	sshrl.u32 s1, $0x2  }
0xb8: {  	s3 =	sand.u32 $0x4000, s31;
	s1 =	sadd.s32 s1, s30  }
0xb9: {  	s0 =	sor.u32 s3, s0;
	s1 =	sshll.u32 s1, $0x11  }
0xba: {  	s0 =	sor.u32 s1, s0  }
0xbb: {  	s0 =	sadd.s32 $0x8F2B, s0  }
0xbc: {  	[sflag:s0] =	ssyncadd.remote.s32 $0x1  }
0xbd: {  	_ =	sfence.sel $0xFFFF  }
0xbe: {  	[dreg:$0x0] =	wrdreg $0xFFFFFFFF;
	(pc) =	sbr.abs _section_cstart, $3  }
0xbf: {  	[dreg:$0x1] =	wrdreg $0xFFFFFFFF  }
0xc0: {  	_ =	task.clear_ibuf [dreg:s6], $0x2FFFF;
	_ =	strace $0x9FFFFFFF  }
0xc1: {  	(tm) =	ssettm $0x7FFFFFFF  }
tec
execute0_lowered:
.L_overlay_start_1:
0x0: {  	(tag) =	ssettag $0x1  }
0x1: {  	s4 =	rddreg [dreg:$0x0]  }
0x2: {  	s0 =	rddreg [dreg:$0x1];
	s2 =	simm.s32 $0x0;
	s3 =	srdreg.scid  }
0x3: {  	s1 =	stileid.u32;
	s16 =	simm.s32 $0x1;
	s17 =	simm.s32 $0x2  }
0x4: {  	s18 =	simm.s32 $0x0;
	[smem:$0x7FF] =	sst s2;
	s8 =	smul.u32 $0x3000, s1  }
0x5: {  	s9 =	sand.u32 $0x1, s3;
	s24 =	sshll.u32 s1, $0x1;
	s14 =	smul.u32 $0x1E000, s1  }
0x6: {  	s3 =	sadd.s32 $0x8600, s4;
	s5 =	sor.u32 s9, s24;
	s13 =	smul.u32 $0x1800, s9  }
0x7: {  	s11 =	sadd.s32 $0x58600, s4;
	s25 =	ssub.s32 $0x2, s9;
	s6 =	smul.u32 $0x1800, s5  }
0x8: {  	s10 =	sadd.s32 $0x5E600, s4;
	s7 =	smul.u32 $0xF000, s5;
	s26 =	sshrl.u32 s25, $0x1  }
0x9: {  	_ =	strace $0x8000004A;
	s15 =	smul.u32 $0xF000, s9;
	s12 =	ssub.s32 s25, s26  }
0xa: {  	s13 =	sadd.s32 s13, s8;
	s6 =	sshrl.u32 s6, $0x3;
	s28 =	sadd.s32 s10, s7  }
0xb: {  	s29 =	sor.u32 $0x180, s13;
	s10 =	sadd.s32 s14, s10;
	s31 =	sor.u32 $0x100, s13  }
0xc: {  	s13 =	simm.s32 $0x80;
	s14 =	simm.s32 $0x100;
	s4 =	sadd.s32 s11, s6  }
0xd: {  	s6 =	smax.u32 s12, $0x1;
	s7 =	sadd.s32 $0xE600, s28;
	s8 =	sadd.s32 $0xEB00, s28  }
0xe: {  	s30 =	sshrl.u32 s29, $0x3;
	s10 =	sadd.s32 s15, s10;
	s12 =	sshrl.u32 s31, $0x3  }
0xf: {  	s15 =	simm.s32 $0x2900;
	s5 =	sadd.s32 $0x10, s4;
	s9 =	sadd.s32 s30, s11  }
0x10: {  	s10 =	sadd.s32 $0x500, s10;
	s11 =	sadd.s32 s12, s11;
	s12 =	simm.s32 $0x3  }
.LBB2_1:
0x11: {  	[tilespmem:s2], [sflag:$0x3] =	stream.linear.gather [hbm4b:s4+s2], $0x80, $0x38;
	[tilespmem:$0x5100] =	vst v63  }
0x12: {  	_ =	swait.ge [sflag:s12], $0x80  }
0x13: {  	[sflag:s12] =	ssyncset.done $0x0  }
0x14: {  	[sflag:s12] =	ssyncadd.s32 $0xFFFFFF80  }
0x15: {  	[tilespmem:s14], [sflag:$0x1] =	stream.indirect.gather [hbm4b:s3+s13], $0x50, s2, s13, $0xb8;
	[tilespmem:$0x5100] =	vst v63  }
0x16: {  	_ = 	snop  }
0x17: {  	[tilespmem:s13], [sflag:$0x3] =	stream.linear.gather [hbm4b:s5+s2], $0x80, $0x38;
	[tilespmem:$0x5100] =	vst v63  }
0x18: {  	_ =	swait.ge [sflag:s12], $0x80  }
0x19: {  	[sflag:s12] =	ssyncset.done $0x0  }
0x1a: {  	[sflag:s12] =	ssyncadd.s32 $0xFFFFFF80  }
0x1b: {  	[tilespmem:s15], [sflag:$0x2] =	stream.indirect.gather [hbm4b:s3+s13], $0x50, s13, s13, $0xb8;
	[tilespmem:$0x5100] =	vst v63  }
0x1c: {  	_ =	swait.ge [sflag:s16], $0x2800  }
0x1d: {  	[sflag:s16] =	ssyncset.done $0x0  }
0x1e: {  	s19 =	sadd.s32 $0xFFFFFB00, s10;
	[sflag:s16] =	ssyncadd.s32 $0xFFFFD800  }
0x1f: {  	[hbm4b:s19+s2] =	stream.linear.scatter [tilespmem:s14], [sflag:$0x3], $0x2800, $0x38;
	[tilespmem:$0x5100] =	vst v63  }
0x20: {  	_ =	swait.ge [sflag:s12], $0x2800  }
0x21: {  	[sflag:s12] =	ssyncset.done $0x0  }
0x22: {  	s30 =	sadd.s32 $0x0, s11;
	[sflag:s12] =	ssyncadd.s32 $0xFFFFD800  }
0x23: {  	[tilespmem:s2], [sflag:$0x3] =	stream.linear.gather [hbm4b:s30+s2], $0x80, $0x38;
	[tilespmem:$0x5100] =	vst v63  }
0x24: {  	_ =	swait.ge [sflag:s12], $0x80  }
0x25: {  	[sflag:s12] =	ssyncset.done $0x0  }
0x26: {  	[sflag:s12] =	ssyncadd.s32 $0xFFFFFF80  }
0x27: {  	[tilespmem:s14], [sflag:$0x1] =	stream.indirect.gather [hbm4b:s3+s13], $0x50, s2, s13, $0xb8;
	[tilespmem:$0x5100] =	vst v63  }
0x28: {  	_ =	swait.ge [sflag:s17], $0x2800  }
0x29: {  	[sflag:s17] =	ssyncset.done $0x0  }
0x2a: {  	[sflag:s17] =	ssyncadd.s32 $0xFFFFD800  }
0x2b: {  	[hbm4b:s10+s2] =	stream.linear.scatter [tilespmem:s15], [sflag:$0x3], $0x2800, $0x38;
	[tilespmem:$0x5100] =	vst v63  }
0x2c: {  	_ =	swait.ge [sflag:s12], $0x2800  }
0x2d: {  	[sflag:s12] =	ssyncset.done $0x0  }
0x2e: {  	s31 =	sadd.s32 $0x0, s9;
	[sflag:s12] =	ssyncadd.s32 $0xFFFFD800  }
0x2f: {  	[tilespmem:s13], [sflag:$0x3] =	stream.linear.gather [hbm4b:s31+s2], $0x80, $0x38;
	[tilespmem:$0x5100] =	vst v63  }
0x30: {  	_ =	swait.ge [sflag:s12], $0x80  }
0x31: {  	[sflag:s12] =	ssyncset.done $0x0  }
0x32: {  	s20 =	sadd.s32 $0xA00, s10;
	s19 =	simm.s32 $0x20;
	[sflag:s12] =	ssyncadd.s32 $0xFFFFFF80  }
.LBB2_2:
0x33: {  	[tilespmem:s15], [sflag:$0x2] =	stream.indirect.gather [hbm4b:s3+s13], $0x50, s13, s13, $0xb8;
	[tilespmem:$0x5100] =	vst v63  }
0x34: {  	s21 =	smov.u32 s19  }
0x35: {  	p0 =	sne.s32 s19, $0x2C0;
	s19 =	sadd.s32 $0x20, s19;
	_ =	swait.ge [sflag:s16], $0x2800  }
0x36: {  	[sflag:s16] =	ssyncset.done $0x0  }
0x37: {  	s22 =	sadd.s32 $0xFFFFFB00, s20;
	[sflag:s16] =	ssyncadd.s32 $0xFFFFD800  }
0x38: {  	[hbm4b:s22+s2] =	stream.linear.scatter [tilespmem:s14], [sflag:$0x3], $0x2800, $0x38;
	[tilespmem:$0x5100] =	vst v63  }
0x39: {  	_ =	swait.ge [sflag:s12], $0x2800  }
0x3a: {  	[sflag:s12] =	ssyncset.done $0x0  }
0x3b: {  	s22 =	sadd.s32 s21, s11;
	[sflag:s12] =	ssyncadd.s32 $0xFFFFD800  }
0x3c: {  	[tilespmem:s2], [sflag:$0x3] =	stream.linear.gather [hbm4b:s22+s2], $0x80, $0x38;
	[tilespmem:$0x5100] =	vst v63  }
0x3d: {  	_ =	swait.ge [sflag:s12], $0x80  }
0x3e: {  	[sflag:s12] =	ssyncset.done $0x0  }
0x3f: {  	[sflag:s12] =	ssyncadd.s32 $0xFFFFFF80  }
0x40: {  	[tilespmem:s14], [sflag:$0x1] =	stream.indirect.gather [hbm4b:s3+s13], $0x50, s2, s13, $0xb8;
	[tilespmem:$0x5100] =	vst v63  }
0x41: {  	_ =	swait.ge [sflag:s17], $0x2800  }
0x42: {  	[sflag:s17] =	ssyncset.done $0x0  }
0x43: {  	[sflag:s17] =	ssyncadd.s32 $0xFFFFD800  }
0x44: {  	[hbm4b:s20+s2] =	stream.linear.scatter [tilespmem:s15], [sflag:$0x3], $0x2800, $0x38;
	[tilespmem:$0x5100] =	vst v63  }
0x45: {  	_ =	swait.ge [sflag:s12], $0x2800  }
0x46: {  	[sflag:s12] =	ssyncset.done $0x0  }
.Ltmp0:
0x47: {  	s21 =	sadd.s32 s21, s9;
	[sflag:s12] =	ssyncadd.s32 $0xFFFFD800;
	(pc) =	sbr.rel @p0 .LBB2_2-.Ltmp0, $4  }
0x48: {  	[tilespmem:s13], [sflag:$0x3] =	stream.linear.gather [hbm4b:s21+s2], $0x80, $0x38;
	[tilespmem:$0x5100] =	vst v63  }
0x49: {  	_ =	swait.ge [sflag:s12], $0x80  }
0x4a: {  	[sflag:s12] =	ssyncset.done $0x0  }
0x4b: {  	s20 =	sadd.s32 $0xA00, s20;
	[sflag:s12] =	ssyncadd.s32 $0xFFFFFF80  }
0x4c: {  	[tilespmem:s15], [sflag:$0x2] =	stream.indirect.gather [hbm4b:s3+s13], $0x50, s13, s13, $0xb8;
	[tilespmem:$0x5100] =	vst v63  }
0x4d: {  	_ =	swait.ge [sflag:s16], $0x2800  }
0x4e: {  	[sflag:s16] =	ssyncset.done $0x0  }
0x4f: {  	[sflag:s16] =	ssyncadd.s32 $0xFFFFD800  }
0x50: {  	[hbm4b:s7+s2] =	stream.linear.scatter [tilespmem:s14], [sflag:$0x3], $0x2800, $0x38;
	[tilespmem:$0x5100] =	vst v63  }
0x51: {  	_ =	swait.ge [sflag:s12], $0x2800  }
0x52: {  	[sflag:s12] =	ssyncset.done $0x0  }
0x53: {  	[sflag:s12] =	ssyncadd.s32 $0xFFFFD800  }
0x54: {  	s18 =	sadd.s32 $0x1, s18;
	_ =	swait.ge [sflag:s17], $0x2800  }
0x55: {  	p0 =	sne.s32 s18, s6;
	[sflag:s17] =	ssyncset.done $0x0  }
.Ltmp1:
0x56: {  	[sflag:s17] =	ssyncadd.s32 $0xFFFFD800;
	(pc) =	sbr.rel @p0 .LBB2_1-.Ltmp1, $4  }
0x57: {  	[hbm4b:s8+s2] =	stream.linear.scatter [tilespmem:s15], [sflag:$0x3], $0x2800, $0x38;
	[tilespmem:$0x5100] =	vst v63  }
0x58: {  	_ =	swait.ge [sflag:s12], $0x2800  }
0x59: {  	[sflag:s12] =	ssyncset.done $0x0  }
0x5a: {  	[sflag:s12] =	ssyncadd.s32 $0xFFFFD800  }
0x5b: {  	_ =	sfence.sel $0x180000  }
0x5c: {  	[bflag:$0x0] =	sbarrier.arrive $0xFFFF  }
0x5d: {  	p0 =	sne.s32 s1, $0x0;
	_ =	strace $0x9000004A  }
0x5e: {  	s0 =	sadd.s32 @!p0 $0x100000, s0;
	[bflag:$0x2] =	sbarrier.arrive $0xFFFF  }
0x5f: {  	[sflag:s0] =	ssyncadd.tile.s32 @!p0 $0x1;
	_ =	shalt  }
.Lfunc_end2:
_tile_overlayer_lowered:
.L_overlay_start_2:
0x60: {  	(tag) =	ssettag $0x2  }
0x61: {  	s0 =	rddreg [dreg:$0x0];
	s2 =	stileid.u32  }
0x62: {  	s1 =	rddreg [dreg:$0x1];
	p0 =	sne.s32 s2, $0x0  }
0x63: {  	s3 =	rddreg [dreg:$0x2];
	[bflag:$0x3] =	sbarrier.arrive $0xFFFF;
	s2 =	simm.s32 @!p0 $0x1C03  }
0x64: {  	[timem:s3], [sflag:s2] =	dma.local @!p0 [hbm:s0], s1  }
0x65: {  	s0 =	simm.s32 @!p0 $0x3  }
0x66: {  	_ =	swait.ge @!p0 [sflag:s0], s1  }
0x67: {  	s1 =	ssub.s32 @!p0 $0x0, s1;
	[sflag:s0] =	ssyncset.done @!p0 $0x0  }
0x68: {  	[sflag:s0] =	ssyncadd.s32 @!p0 s1  }
0x69: {  	[bflag:$0x3] =	sbarrier.arrive $0xFFFF  }
0x6a: {  	_ =	shalt  }

</sc_bundles>
